<compile_context>
chip_gen: v7x
topology: tpu7x:2x2x1
jax: 0.10.2.dev20260603
libtpu: 0.0.44.dev20260713+nightly
codegen_flags: <defaults>
</compile_context>

<pallas_src>
import functools

import jax
import jax.numpy as jnp
from jax import lax
from jax.experimental import pallas as pl
from jax.experimental.pallas import tpu as pltpu
from jax.experimental.pallas import tpu_sc as plsc

_VOCAB = 1000
_NTOK = 16384
_DPAD = 1024
_BLK = 128


@functools.cache
def _build():
    info = plsc.get_sparse_core_info()
    nc = info.num_cores
    nw = nc * info.num_subcores
    toks_per_w = _NTOK // nw
    n_chunks = toks_per_w // _BLK
    n_units = (_DPAD // _BLK) * n_chunks
    n_main = n_units - n_chunks
    tail_rows = _VOCAB - (_VOCAB // _BLK) * _BLK

    mesh = plsc.VectorSubcoreMesh(core_axis_name="c", subcore_axis_name="s")

    @functools.partial(
        pl.kernel,
        out_type=jax.ShapeDtypeStruct((_VOCAB, _NTOK), jnp.float32),
        mesh=mesh,
        compiler_params=pltpu.CompilerParams(use_tc_tiling_on_sc=True,
                                             needs_layout_passes=False),
        scratch_types=[
            pltpu.VMEM((toks_per_w,), jnp.int32),
            pltpu.VMEM((_BLK, _BLK), jnp.float32),
            pltpu.VMEM((_BLK, _BLK), jnp.float32),
            pltpu.VMEM((_BLK, _BLK), jnp.float32),
            pltpu.VMEM((_BLK, _BLK), jnp.float32),
            pltpu.SemaphoreType.DMA,
            pltpu.SemaphoreType.DMA,
            pltpu.SemaphoreType.DMA,
            pltpu.SemaphoreType.DMA,
        ],
    )
    def emb_kernel(x_hbm, table_hbm, out_t_hbm, idx_v, g0, g1, t0, t1,
                   gsem0, gsem1, ssem0, ssem1):
        wid = lax.axis_index("s") * nc + lax.axis_index("c")
        tok_base = wid * toks_per_w
        pltpu.sync_copy(x_hbm.at[pl.ds(tok_base, toks_per_w)], idx_v)

        def gather_refs(u, buf):
            k = u // n_chunks
            c = lax.rem(u, n_chunks)
            src = table_hbm.at[k]
            return src.at[idx_v.at[pl.ds(c * _BLK, _BLK)]], buf

        def issue_gather(u, buf, sem):
            s, d = gather_refs(u, buf)
            pltpu.async_copy(s, d, sem)

        def wait_gather(u, buf, sem):
            s, d = gather_refs(u, buf)
            pltpu.make_async_copy(s, d, sem).wait()

        def store_refs(u, buf, rows):
            k = u // n_chunks
            c = lax.rem(u, n_chunks)
            dst = out_t_hbm.at[pl.ds(pl.multiple_of(k * _BLK, _BLK), rows),
                               pl.ds(tok_base + c * _BLK, _BLK)]
            return buf.at[pl.ds(0, rows), :], dst

        def issue_store(u, buf, sem, rows=_BLK):
            s, d = store_refs(u, buf, rows)
            pltpu.async_copy(s, d, sem)

        def wait_store(u, buf, sem, rows=_BLK):
            s, d = store_refs(u, buf, rows)
            pltpu.make_async_copy(s, d, sem).wait()

        iota16 = lax.iota(jnp.int32, 16)

        zero16 = jnp.zeros((16,), jnp.int32)
        iota128 = iota16 * _BLK
        rots = tuple(lax.bitwise_and(iota16 + j, 15) for j in range(16))
        rshifts = tuple(r * _BLK for r in rots)

        def transpose_block(gb, tb):
            @plsc.parallel_loop(0, (_BLK // 16) * (_BLK // 16), 1, unroll=4)
            def sub_body(i):
                tg = lax.shift_right_logical(i, 3)
                dg = lax.bitwise_and(i, 7)
                tcol = tg * 16
                dbase = dg * 16
                lbase = (zero16 + (tcol * _BLK + dbase)) + iota16
                sbase = (zero16 + (dbase * _BLK + tcol)) + iota128
                for j in range(16):
                    vals = plsc.load_gather(gb, [zero16, lbase + rshifts[j]])
                    plsc.store_scatter(tb, [zero16, sbase + rots[j]], vals)

        issue_gather(0, g0, gsem0)

        def pair_body(p, _):
            u0 = 2 * p
            u1 = u0 + 1
            issue_gather(u1, g1, gsem1)
            wait_gather(u0, g0, gsem0)
            pl.when(p > 0)(lambda: wait_store(u0 - 2, t0, ssem0))
            transpose_block(g0, t0)
            issue_store(u0, t0, ssem0)
            issue_gather(u0 + 2, g0, gsem0)
            wait_gather(u1, g1, gsem1)
            pl.when(p > 0)(lambda: wait_store(u1 - 2, t1, ssem1))
            transpose_block(g1, t1)
            issue_store(u1, t1, ssem1)
            return 0

        lax.fori_loop(0, n_main // 2, pair_body, 0)

        def tail_loop(c, _):
            u = n_main + c
            wait_gather(u, g0, gsem0)
            pl.when(c == 0)(lambda: wait_store(n_main - 2, t0, ssem0))
            pl.when(c > 0)(lambda: wait_store(u - 1, t0, ssem0,
                                              rows=tail_rows))
            transpose_block(g0, t0)
            issue_store(u, t0, ssem0, rows=tail_rows)
            pl.when(c < n_chunks - 1)(lambda: issue_gather(u + 1, g0, gsem0))
            return 0

        lax.fori_loop(0, n_chunks, tail_loop, 0)

        wait_store(n_units - 1, t0, ssem0, rows=tail_rows)
        wait_store(n_main - 1, t1, ssem1)

    return emb_kernel


def kernel(x, table):
    table_p = jnp.pad(table, ((0, 0), (0, _DPAD - _VOCAB)))
    table_3d = table_p.reshape(_VOCAB, _DPAD // _BLK, _BLK).transpose(1, 0, 2)
    out_t = _build()(x, table_3d)
    return out_t.T

# --- scband reference (transcript-rebuilt; emitter-appended) ---
"""Pipeline reference for scband-bigram-language-model-65420941853242 (READ-ONLY COPY).

The authoritative reference and input builder live on the scoring server;
editing this copy changes nothing except your own understanding.
"""

import jax, jax.numpy as jnp
import numpy as np

VOCAB = 1000
NTOK = 16384

def setup_inputs(seed: int = 0) -> dict:
    key = jax.random.key(seed)
    k_idx, k_tab = jax.random.split(key)
    x = jax.random.randint(k_idx, (NTOK,), 0, VOCAB, dtype=jnp.int32)
    # Embedding table [num_embeddings=vocab, embedding_size=vocab], as in the equinox module
    table = jax.random.normal(k_tab, (VOCAB, VOCAB), dtype=jnp.float32)
    return {"x": x, "table": table}

def reference(x, table):
    # vmap over nn.Embedding is just a row gather from the table
    logits = jnp.take(table, x, axis=0)
    return logits

if __name__ == "__main__":
    import jax
    _d = setup_inputs()
    print(jax.jit(kernel)(*tuple(_d.values())))

</pallas_src>

<mosaic_0001>
#map = affine_map<(d0, d1) -> (0)>
#map1 = affine_map<(d0, d1) -> (0, 0, 0)>
#map2 = affine_map<(d0, d1) -> (0, 0)>
module attributes {stable_mosaic.version = 14 : i64} {
  func.func @emb_kernel(%arg0: i32, %arg1: i32, %arg2: memref<16384xi32, #tpu.memory_space<hbm>>, %arg3: memref<8x1000x128xf32, #tpu.memory_space<hbm>>, %arg4: memref<1000x16384xf32, #tpu.memory_space<hbm>>, %arg5: memref<512xi32, #tpu.memory_space<vmem>>, %arg6: memref<128x128xf32, #tpu.memory_space<vmem>>, %arg7: memref<128x128xf32, #tpu.memory_space<vmem>>, %arg8: memref<128x128xf32, #tpu.memory_space<vmem>>, %arg9: memref<128x128xf32, #tpu.memory_space<vmem>>, %arg10: memref<!tpu.dma_semaphore, #tpu.memory_space<semaphore_mem>>, %arg11: memref<!tpu.dma_semaphore, #tpu.memory_space<semaphore_mem>>, %arg12: memref<!tpu.dma_semaphore, #tpu.memory_space<semaphore_mem>>, %arg13: memref<!tpu.dma_semaphore, #tpu.memory_space<semaphore_mem>>) attributes {dimension_semantics = [#tpu.dimension_semantics<core_parallel>, #tpu.dimension_semantics<subcore_parallel>], iteration_bounds = array<i64: 2, 16>, scalar_prefetch = 0 : i64, scratch_operands = 9 : i64, tpu.core_type = #tpu.core_type<sc_vector_subcore>, window_params = [{transform_indices = #map}, {transform_indices = #map1}, {transform_indices = #map2}]} {
    %mul3A = arith.constant 2 : i32
    %mul3A_0 = arith.muli %arg1, %mul3A : i32
    %add3A = arith.addi %mul3A_0, %arg0 : i32
    %mul3A_1 = arith.constant 512 : i32
    %mul3A_2 = arith.muli %add3A, %mul3A_1 : i32
    "tpu.region"() ({
      %run_scoped3A = tpu.sem_alloc : memref<!tpu.dma_semaphore, #tpu.memory_space<semaphore_mem>>
      %dma_start3A_205 = tpu.memref_slice %arg2[%mul3A_2] : memref<16384xi32, #tpu.memory_space<hbm>> -> memref<512xi32, #tpu.memory_space<hbm>>
      %dma_start3A_206 = tpu.memref_slice %arg2[%mul3A_2] : memref<16384xi32, #tpu.memory_space<hbm>> -> memref<512xi32, #tpu.memory_space<hbm>>
      tpu.enqueue_dma source(%dma_start3A_206 : memref<512xi32, #tpu.memory_space<hbm>>) target(%arg5 : memref<512xi32, #tpu.memory_space<vmem>>) target_semaphore(%run_scoped3A : memref<!tpu.dma_semaphore, #tpu.memory_space<semaphore_mem>>)
      %dma_wait3A_207 = tpu.memref_slice %arg2[%mul3A_2] : memref<16384xi32, #tpu.memory_space<hbm>> -> memref<512xi32, #tpu.memory_space<hbm>>
      %dma_wait3A_208 = tpu.memref_slice %arg2[%mul3A_2] : memref<16384xi32, #tpu.memory_space<hbm>> -> memref<512xi32, #tpu.memory_space<hbm>>
      tpu.wait_dma2 semaphore(%run_scoped3A : memref<!tpu.dma_semaphore, #tpu.memory_space<semaphore_mem>>) src(%dma_wait3A_208 : memref<512xi32, #tpu.memory_space<hbm>>) dst(%arg5 : memref<512xi32, #tpu.memory_space<vmem>>)
      tpu.yield
    }) : () -> ()
    %iota3A = tpu.iota {dimensions = array<i32: 0>} : vector<16xi32>
    %broadcast_in_dim3A = arith.constant 0 : i32
    %broadcast_in_dim3A_3 = vector.broadcast %broadcast_in_dim3A : i32 to vector<16xi32>
    %mul3A_4 = arith.constant 128 : i32
    %mul3A_5 = vector.broadcast %mul3A_4 : i32 to vector<16xi32>
    %mul3A_6 = arith.muli %iota3A, %mul3A_5 : vector<16xi32>
    %add3A_7 = arith.constant 0 : i32
    %add3A_8 = vector.broadcast %add3A_7 : i32 to vector<16xi32>
    %add3A_9 = arith.addi %iota3A, %add3A_8 : vector<16xi32>
    %and3A = arith.constant 15 : i32
    %and3A_10 = vector.broadcast %and3A : i32 to vector<16xi32>
    %and3A_11 = arith.andi %add3A_9, %and3A_10 : vector<16xi32>
    %add3A_12 = arith.constant 1 : i32
    %add3A_13 = vector.broadcast %add3A_12 : i32 to vector<16xi32>
    %add3A_14 = arith.addi %iota3A, %add3A_13 : vector<16xi32>
    %and3A_15 = arith.constant 15 : i32
    %and3A_16 = vector.broadcast %and3A_15 : i32 to vector<16xi32>
    %and3A_17 = arith.andi %add3A_14, %and3A_16 : vector<16xi32>
    %add3A_18 = arith.constant 2 : i32
    %add3A_19 = vector.broadcast %add3A_18 : i32 to vector<16xi32>
    %add3A_20 = arith.addi %iota3A, %add3A_19 : vector<16xi32>
    %and3A_21 = arith.constant 15 : i32
    %and3A_22 = vector.broadcast %and3A_21 : i32 to vector<16xi32>
    %and3A_23 = arith.andi %add3A_20, %and3A_22 : vector<16xi32>
    %add3A_24 = arith.constant 3 : i32
    %add3A_25 = vector.broadcast %add3A_24 : i32 to vector<16xi32>
    %add3A_26 = arith.addi %iota3A, %add3A_25 : vector<16xi32>
    %and3A_27 = arith.constant 15 : i32
    %and3A_28 = vector.broadcast %and3A_27 : i32 to vector<16xi32>
    %and3A_29 = arith.andi %add3A_26, %and3A_28 : vector<16xi32>
    %add3A_30 = arith.constant 4 : i32
    %add3A_31 = vector.broadcast %add3A_30 : i32 to vector<16xi32>
    %add3A_32 = arith.addi %iota3A, %add3A_31 : vector<16xi32>
    %and3A_33 = arith.constant 15 : i32
    %and3A_34 = vector.broadcast %and3A_33 : i32 to vector<16xi32>
    %and3A_35 = arith.andi %add3A_32, %and3A_34 : vector<16xi32>
    %add3A_36 = arith.constant 5 : i32
    %add3A_37 = vector.broadcast %add3A_36 : i32 to vector<16xi32>
    %add3A_38 = arith.addi %iota3A, %add3A_37 : vector<16xi32>
    %and3A_39 = arith.constant 15 : i32
    %and3A_40 = vector.broadcast %and3A_39 : i32 to vector<16xi32>
    %and3A_41 = arith.andi %add3A_38, %and3A_40 : vector<16xi32>
    %add3A_42 = arith.constant 6 : i32
    %add3A_43 = vector.broadcast %add3A_42 : i32 to vector<16xi32>
    %add3A_44 = arith.addi %iota3A, %add3A_43 : vector<16xi32>
    %and3A_45 = arith.constant 15 : i32
    %and3A_46 = vector.broadcast %and3A_45 : i32 to vector<16xi32>
    %and3A_47 = arith.andi %add3A_44, %and3A_46 : vector<16xi32>
    %add3A_48 = arith.constant 7 : i32
    %add3A_49 = vector.broadcast %add3A_48 : i32 to vector<16xi32>
    %add3A_50 = arith.addi %iota3A, %add3A_49 : vector<16xi32>
    %and3A_51 = arith.constant 15 : i32
    %and3A_52 = vector.broadcast %and3A_51 : i32 to vector<16xi32>
    %and3A_53 = arith.andi %add3A_50, %and3A_52 : vector<16xi32>
    %add3A_54 = arith.constant 8 : i32
    %add3A_55 = vector.broadcast %add3A_54 : i32 to vector<16xi32>
    %add3A_56 = arith.addi %iota3A, %add3A_55 : vector<16xi32>
    %and3A_57 = arith.constant 15 : i32
    %and3A_58 = vector.broadcast %and3A_57 : i32 to vector<16xi32>
    %and3A_59 = arith.andi %add3A_56, %and3A_58 : vector<16xi32>
    %add3A_60 = arith.constant 9 : i32
    %add3A_61 = vector.broadcast %add3A_60 : i32 to vector<16xi32>
    %add3A_62 = arith.addi %iota3A, %add3A_61 : vector<16xi32>
    %and3A_63 = arith.constant 15 : i32
    %and3A_64 = vector.broadcast %and3A_63 : i32 to vector<16xi32>
    %and3A_65 = arith.andi %add3A_62, %and3A_64 : vector<16xi32>
    %add3A_66 = arith.constant 10 : i32
    %add3A_67 = vector.broadcast %add3A_66 : i32 to vector<16xi32>
    %add3A_68 = arith.addi %iota3A, %add3A_67 : vector<16xi32>
    %and3A_69 = arith.constant 15 : i32
    %and3A_70 = vector.broadcast %and3A_69 : i32 to vector<16xi32>
    %and3A_71 = arith.andi %add3A_68, %and3A_70 : vector<16xi32>
    %add3A_72 = arith.constant 11 : i32
    %add3A_73 = vector.broadcast %add3A_72 : i32 to vector<16xi32>
    %add3A_74 = arith.addi %iota3A, %add3A_73 : vector<16xi32>
    %and3A_75 = arith.constant 15 : i32
    %and3A_76 = vector.broadcast %and3A_75 : i32 to vector<16xi32>
    %and3A_77 = arith.andi %add3A_74, %and3A_76 : vector<16xi32>
    %add3A_78 = arith.constant 12 : i32
    %add3A_79 = vector.broadcast %add3A_78 : i32 to vector<16xi32>
    %add3A_80 = arith.addi %iota3A, %add3A_79 : vector<16xi32>
    %and3A_81 = arith.constant 15 : i32
    %and3A_82 = vector.broadcast %and3A_81 : i32 to vector<16xi32>
    %and3A_83 = arith.andi %add3A_80, %and3A_82 : vector<16xi32>
    %add3A_84 = arith.constant 13 : i32
    %add3A_85 = vector.broadcast %add3A_84 : i32 to vector<16xi32>
    %add3A_86 = arith.addi %iota3A, %add3A_85 : vector<16xi32>
    %and3A_87 = arith.constant 15 : i32
    %and3A_88 = vector.broadcast %and3A_87 : i32 to vector<16xi32>
    %and3A_89 = arith.andi %add3A_86, %and3A_88 : vector<16xi32>
    %add3A_90 = arith.constant 14 : i32
    %add3A_91 = vector.broadcast %add3A_90 : i32 to vector<16xi32>
    %add3A_92 = arith.addi %iota3A, %add3A_91 : vector<16xi32>
    %and3A_93 = arith.constant 15 : i32
    %and3A_94 = vector.broadcast %and3A_93 : i32 to vector<16xi32>
    %and3A_95 = arith.andi %add3A_92, %and3A_94 : vector<16xi32>
    %add3A_96 = arith.constant 15 : i32
    %add3A_97 = vector.broadcast %add3A_96 : i32 to vector<16xi32>
    %add3A_98 = arith.addi %iota3A, %add3A_97 : vector<16xi32>
    %and3A_99 = arith.constant 15 : i32
    %and3A_100 = vector.broadcast %and3A_99 : i32 to vector<16xi32>
    %and3A_101 = arith.andi %add3A_98, %and3A_100 : vector<16xi32>
    %mul3A_102 = arith.constant 128 : i32
    %mul3A_103 = vector.broadcast %mul3A_102 : i32 to vector<16xi32>
    %mul3A_104 = arith.muli %and3A_11, %mul3A_103 : vector<16xi32>
    %mul3A_105 = arith.constant 128 : i32
    %mul3A_106 = vector.broadcast %mul3A_105 : i32 to vector<16xi32>
    %mul3A_107 = arith.muli %and3A_17, %mul3A_106 : vector<16xi32>
    %mul3A_108 = arith.constant 128 : i32
    %mul3A_109 = vector.broadcast %mul3A_108 : i32 to vector<16xi32>
    %mul3A_110 = arith.muli %and3A_23, %mul3A_109 : vector<16xi32>
    %mul3A_111 = arith.constant 128 : i32
    %mul3A_112 = vector.broadcast %mul3A_111 : i32 to vector<16xi32>
    %mul3A_113 = arith.muli %and3A_29, %mul3A_112 : vector<16xi32>
    %mul3A_114 = arith.constant 128 : i32
    %mul3A_115 = vector.broadcast %mul3A_114 : i32 to vector<16xi32>
    %mul3A_116 = arith.muli %and3A_35, %mul3A_115 : vector<16xi32>
    %mul3A_117 = arith.constant 128 : i32
    %mul3A_118 = vector.broadcast %mul3A_117 : i32 to vector<16xi32>
    %mul3A_119 = arith.muli %and3A_41, %mul3A_118 : vector<16xi32>
    %mul3A_120 = arith.constant 128 : i32
    %mul3A_121 = vector.broadcast %mul3A_120 : i32 to vector<16xi32>
    %mul3A_122 = arith.muli %and3A_47, %mul3A_121 : vector<16xi32>
    %mul3A_123 = arith.constant 128 : i32
    %mul3A_124 = vector.broadcast %mul3A_123 : i32 to vector<16xi32>
    %mul3A_125 = arith.muli %and3A_53, %mul3A_124 : vector<16xi32>
    %mul3A_126 = arith.constant 128 : i32
    %mul3A_127 = vector.broadcast %mul3A_126 : i32 to vector<16xi32>
    %mul3A_128 = arith.muli %and3A_59, %mul3A_127 : vector<16xi32>
    %mul3A_129 = arith.constant 128 : i32
    %mul3A_130 = vector.broadcast %mul3A_129 : i32 to vector<16xi32>
    %mul3A_131 = arith.muli %and3A_65, %mul3A_130 : vector<16xi32>
    %mul3A_132 = arith.constant 128 : i32
    %mul3A_133 = vector.broadcast %mul3A_132 : i32 to vector<16xi32>
    %mul3A_134 = arith.muli %and3A_71, %mul3A_133 : vector<16xi32>
    %mul3A_135 = arith.constant 128 : i32
    %mul3A_136 = vector.broadcast %mul3A_135 : i32 to vector<16xi32>
    %mul3A_137 = arith.muli %and3A_77, %mul3A_136 : vector<16xi32>
    %mul3A_138 = arith.constant 128 : i32
    %mul3A_139 = vector.broadcast %mul3A_138 : i32 to vector<16xi32>
    %mul3A_140 = arith.muli %and3A_83, %mul3A_139 : vector<16xi32>
    %mul3A_141 = arith.constant 128 : i32
    %mul3A_142 = vector.broadcast %mul3A_141 : i32 to vector<16xi32>
    %mul3A_143 = arith.muli %and3A_89, %mul3A_142 : vector<16xi32>
    %mul3A_144 = arith.constant 128 : i32
    %mul3A_145 = vector.broadcast %mul3A_144 : i32 to vector<16xi32>
    %mul3A_146 = arith.muli %and3A_95, %mul3A_145 : vector<16xi32>
    %mul3A_147 = arith.constant 128 : i32
    %mul3A_148 = vector.broadcast %mul3A_147 : i32 to vector<16xi32>
    %mul3A_149 = arith.muli %and3A_101, %mul3A_148 : vector<16xi32>
    %rem3A = arith.constant 0 : i32
    %rem3A_150 = arith.constant 4 : i32
    %rem3A_151 = arith.remsi %rem3A, %rem3A_150 : i32
    %mul3A_152 = arith.constant 128 : i32
    %mul3A_153 = arith.muli %rem3A_151, %mul3A_152 : i32
    %dma_start3A = arith.constant 0 : i32
    %dma_start3A_154 = tpu.memref_slice %arg5[%mul3A_153] : memref<512xi32, #tpu.memory_space<vmem>> -> memref<128xi32, #tpu.memory_space<vmem>>
    %dma_start3A_155 = arith.constant 0 : i32
    %dma_start3A_156 = arith.constant 0 : i32
    %dma_start3A_157 = tpu.memref_slice %arg3[%dma_start3A, %dma_start3A_155, %dma_start3A_156] : memref<8x1000x128xf32, #tpu.memory_space<hbm>> -> memref<1x1000x128xf32, #tpu.memory_space<hbm>>
    %dma_start3A_158 = tpu.memref_squeeze %dma_start3A_157 : memref<1x1000x128xf32, #tpu.memory_space<hbm>> -> memref<1000x128xf32, #tpu.memory_space<hbm>>
    %dma_start3A_159 = arith.constant 0 : i32
    %dma_start3A_160 = arith.constant 0 : i32
    %dma_start3A_161 = tpu.memref_slice %dma_start3A_158[%dma_start3A_159, %dma_start3A_160] : memref<1000x128xf32, #tpu.memory_space<hbm>> -> memref<1000x128xf32, #tpu.memory_space<hbm>>
    tpu.enqueue_indirect_dma source(%dma_start3A_161 : memref<1000x128xf32, #tpu.memory_space<hbm>>) target(%arg6 : memref<128x128xf32, #tpu.memory_space<vmem>>) offsets(%dma_start3A_154 : memref<128xi32, #tpu.memory_space<vmem>>) semaphore(%arg10 : memref<!tpu.dma_semaphore, #tpu.memory_space<semaphore_mem>>)
    %scan3A = arith.constant 0 : i32
    %scan3A_162 = arith.constant 0 : i32
    %scan3A_163 = arith.constant 14 : i32
    %scan3A_164 = arith.addi %scan3A_162, %scan3A_163 : i32
    %scan3A_165 = arith.constant 1 : i32
    %scan3A_166 = scf.for %scan3A_205 = %scan3A_162 to %scan3A_164 step %scan3A_165 iter_args(%scan3A_206 = %scan3A) -> (i32)  : i32 {
      %mul3A_207 = arith.constant 2 : i32
      %mul3A_208 = arith.muli %mul3A_207, %scan3A_205 : i32
      %add3A_209 = arith.constant 1 : i32
      %add3A_210 = arith.addi %mul3A_208, %add3A_209 : i32
      %jit3A = arith.constant 4 : i32
      %div3A = arith.divsi %add3A_210, %jit3A : i32
      %sign3A = arith.constant 0 : i32
      %sign3A_211 = arith.cmpi sgt, %add3A_210, %sign3A : i32
      %sign3A_212 = arith.extui %sign3A_211 : i1 to i32
      %sign3A_213 = arith.constant 0 : i32
      %sign3A_214 = arith.cmpi slt, %add3A_210, %sign3A_213 : i32
      %sign3A_215 = arith.extui %sign3A_214 : i1 to i32
      %sign3A_216 = arith.subi %sign3A_212, %sign3A_215 : i32
      %sign3A_217 = arith.constant 0 : i32
      %sign3A_218 = arith.cmpi sgt, %jit3A, %sign3A_217 : i32
      %sign3A_219 = arith.extui %sign3A_218 : i1 to i32
      %sign3A_220 = arith.constant 0 : i32
      %sign3A_221 = arith.cmpi slt, %jit3A, %sign3A_220 : i32
      %sign3A_222 = arith.extui %sign3A_221 : i1 to i32
      %sign3A_223 = arith.subi %sign3A_219, %sign3A_222 : i32
      %ne3A = arith.cmpi ne, %sign3A_216, %sign3A_223 : i32
      %rem3A_224 = arith.remsi %add3A_210, %jit3A : i32
      %ne3A_225 = arith.constant 0 : i32
      %ne3A_226 = arith.cmpi ne, %rem3A_224, %ne3A_225 : i32
      %and3A_227 = arith.andi %ne3A, %ne3A_226 : i1
      %sub3A = arith.constant 1 : i32
      %sub3A_228 = arith.subi %div3A, %sub3A : i32
      %select_n3A = arith.select %and3A_227, %sub3A_228, %div3A : i32
      %rem3A_229 = arith.constant 4 : i32
      %rem3A_230 = arith.remsi %add3A_210, %rem3A_229 : i32
      %mul3A_231 = arith.constant 128 : i32
      %mul3A_232 = arith.muli %rem3A_230, %mul3A_231 : i32
      %dma_start3A_233 = tpu.memref_slice %arg5[%mul3A_232] : memref<512xi32, #tpu.memory_space<vmem>> -> memref<128xi32, #tpu.memory_space<vmem>>
      %dma_start3A_234 = arith.constant 0 : i32
      %dma_start3A_235 = arith.constant 0 : i32
      %dma_start3A_236 = tpu.memref_slice %arg3[%select_n3A, %dma_start3A_234, %dma_start3A_235] : memref<8x1000x128xf32, #tpu.memory_space<hbm>> -> memref<1x1000x128xf32, #tpu.memory_space<hbm>>
      %dma_start3A_237 = tpu.memref_squeeze %dma_start3A_236 : memref<1x1000x128xf32, #tpu.memory_space<hbm>> -> memref<1000x128xf32, #tpu.memory_space<hbm>>
      %dma_start3A_238 = arith.constant 0 : i32
      %dma_start3A_239 = arith.constant 0 : i32
      %dma_start3A_240 = tpu.memref_slice %dma_start3A_237[%dma_start3A_238, %dma_start3A_239] : memref<1000x128xf32, #tpu.memory_space<hbm>> -> memref<1000x128xf32, #tpu.memory_space<hbm>>
      tpu.enqueue_indirect_dma source(%dma_start3A_240 : memref<1000x128xf32, #tpu.memory_space<hbm>>) target(%arg7 : memref<128x128xf32, #tpu.memory_space<vmem>>) offsets(%dma_start3A_233 : memref<128xi32, #tpu.memory_space<vmem>>) semaphore(%arg11 : memref<!tpu.dma_semaphore, #tpu.memory_space<semaphore_mem>>)
      %jit3A_241 = arith.constant 4 : i32
      %div3A_242 = arith.divsi %mul3A_208, %jit3A_241 : i32
      %sign3A_243 = arith.constant 0 : i32
      %sign3A_244 = arith.cmpi sgt, %mul3A_208, %sign3A_243 : i32
      %sign3A_245 = arith.extui %sign3A_244 : i1 to i32
      %sign3A_246 = arith.constant 0 : i32
      %sign3A_247 = arith.cmpi slt, %mul3A_208, %sign3A_246 : i32
      %sign3A_248 = arith.extui %sign3A_247 : i1 to i32
      %sign3A_249 = arith.subi %sign3A_245, %sign3A_248 : i32
      %sign3A_250 = arith.constant 0 : i32
      %sign3A_251 = arith.cmpi sgt, %jit3A_241, %sign3A_250 : i32
      %sign3A_252 = arith.extui %sign3A_251 : i1 to i32
      %sign3A_253 = arith.constant 0 : i32
      %sign3A_254 = arith.cmpi slt, %jit3A_241, %sign3A_253 : i32
      %sign3A_255 = arith.extui %sign3A_254 : i1 to i32
      %sign3A_256 = arith.subi %sign3A_252, %sign3A_255 : i32
      %ne3A_257 = arith.cmpi ne, %sign3A_249, %sign3A_256 : i32
      %rem3A_258 = arith.remsi %mul3A_208, %jit3A_241 : i32
      %ne3A_259 = arith.constant 0 : i32
      %ne3A_260 = arith.cmpi ne, %rem3A_258, %ne3A_259 : i32
      %and3A_261 = arith.andi %ne3A_257, %ne3A_260 : i1
      %sub3A_262 = arith.constant 1 : i32
      %sub3A_263 = arith.subi %div3A_242, %sub3A_262 : i32
      %select_n3A_264 = arith.select %and3A_261, %sub3A_263, %div3A_242 : i32
      %rem3A_265 = arith.constant 4 : i32
      %rem3A_266 = arith.remsi %mul3A_208, %rem3A_265 : i32
      %mul3A_267 = arith.constant 128 : i32
      %mul3A_268 = arith.muli %rem3A_266, %mul3A_267 : i32
      %dma_wait3A_269 = tpu.memref_slice %arg5[%mul3A_268] : memref<512xi32, #tpu.memory_space<vmem>> -> memref<128xi32, #tpu.memory_space<vmem>>
      %dma_wait3A_270 = arith.constant 0 : i32
      %dma_wait3A_271 = arith.constant 0 : i32
      %dma_wait3A_272 = tpu.memref_slice %arg3[%select_n3A_264, %dma_wait3A_270, %dma_wait3A_271] : memref<8x1000x128xf32, #tpu.memory_space<hbm>> -> memref<1x1000x128xf32, #tpu.memory_space<hbm>>
      %dma_wait3A_273 = tpu.memref_squeeze %dma_wait3A_272 : memref<1x1000x128xf32, #tpu.memory_space<hbm>> -> memref<1000x128xf32, #tpu.memory_space<hbm>>
      %dma_wait3A_274 = arith.constant 0 : i32
      %dma_wait3A_275 = arith.constant 0 : i32
      %dma_wait3A_276 = tpu.memref_slice %dma_wait3A_273[%dma_wait3A_274, %dma_wait3A_275] : memref<1000x128xf32, #tpu.memory_space<hbm>> -> memref<1000x128xf32, #tpu.memory_space<hbm>>
      tpu.wait_indirect_dma semaphore(%arg10 : memref<!tpu.dma_semaphore, #tpu.memory_space<semaphore_mem>>) src(%dma_wait3A_276 : memref<1000x128xf32, #tpu.memory_space<hbm>>) dst(%arg6 : memref<128x128xf32, #tpu.memory_space<vmem>>)
      %gt3A = arith.constant 0 : i32
      %gt3A_277 = arith.cmpi sgt, %scan3A_205, %gt3A : i32
      %convert_element_type3A = arith.extui %gt3A_277 : i1 to i32
      %cond3A = arith.constant 0 : i32
      %cond3A_278 = arith.cmpi ne, %convert_element_type3A, %cond3A : i32
      scf.if %cond3A_278 {
        %sub3A_444 = arith.constant 2 : i32
        %sub3A_445 = arith.subi %mul3A_208, %sub3A_444 : i32
        %jit3A_446 = arith.constant 4 : i32
        %div3A_447 = arith.divsi %sub3A_445, %jit3A_446 : i32
        %sign3A_448 = arith.constant 0 : i32
        %sign3A_449 = arith.cmpi sgt, %sub3A_445, %sign3A_448 : i32
        %sign3A_450 = arith.extui %sign3A_449 : i1 to i32
        %sign3A_451 = arith.constant 0 : i32
        %sign3A_452 = arith.cmpi slt, %sub3A_445, %sign3A_451 : i32
        %sign3A_453 = arith.extui %sign3A_452 : i1 to i32
        %sign3A_454 = arith.subi %sign3A_450, %sign3A_453 : i32
        %sign3A_455 = arith.constant 0 : i32
        %sign3A_456 = arith.cmpi sgt, %jit3A_446, %sign3A_455 : i32
        %sign3A_457 = arith.extui %sign3A_456 : i1 to i32
        %sign3A_458 = arith.constant 0 : i32
        %sign3A_459 = arith.cmpi slt, %jit3A_446, %sign3A_458 : i32
        %sign3A_460 = arith.extui %sign3A_459 : i1 to i32
        %sign3A_461 = arith.subi %sign3A_457, %sign3A_460 : i32
        %ne3A_462 = arith.cmpi ne, %sign3A_454, %sign3A_461 : i32
        %rem3A_463 = arith.remsi %sub3A_445, %jit3A_446 : i32
        %ne3A_464 = arith.constant 0 : i32
        %ne3A_465 = arith.cmpi ne, %rem3A_463, %ne3A_464 : i32
        %and3A_466 = arith.andi %ne3A_462, %ne3A_465 : i1
        %sub3A_467 = arith.constant 1 : i32
        %sub3A_468 = arith.subi %div3A_447, %sub3A_467 : i32
        %select_n3A_469 = arith.select %and3A_466, %sub3A_468, %div3A_447 : i32
        %rem3A_470 = arith.constant 4 : i32
        %rem3A_471 = arith.remsi %sub3A_445, %rem3A_470 : i32
        %mul3A_472 = arith.constant 128 : i32
        %mul3A_473 = arith.muli %select_n3A_469, %mul3A_472 : i32
        %multiple_of3A_474 = tpu.assume_multiple %mul3A_473, 128 : i32
        %mul3A_475 = arith.constant 128 : i32
        %mul3A_476 = arith.muli %rem3A_471, %mul3A_475 : i32
        %add3A_477 = arith.addi %mul3A_2, %mul3A_476 : i32
        %dma_wait3A_478 = arith.constant 0 : i32
        %dma_wait3A_479 = arith.constant 0 : i32
        %dma_wait3A_480 = tpu.memref_slice %arg8[%dma_wait3A_478, %dma_wait3A_479] : memref<128x128xf32, #tpu.memory_space<vmem>> -> memref<128x128xf32, #tpu.memory_space<vmem>>
        %dma_wait3A_481 = tpu.memref_slice %arg4[%multiple_of3A_474, %add3A_477] : memref<1000x16384xf32, #tpu.memory_space<hbm>> -> memref<128x128xf32, #tpu.memory_space<hbm>>
        %dma_wait3A_482 = tpu.memref_slice %arg4[%multiple_of3A_474, %add3A_477] : memref<1000x16384xf32, #tpu.memory_space<hbm>> -> memref<128x128xf32, #tpu.memory_space<hbm>>
        %dma_wait3A_483 = arith.constant 0 : i32
        %dma_wait3A_484 = arith.constant 0 : i32
        %dma_wait3A_485 = tpu.memref_slice %arg8[%dma_wait3A_483, %dma_wait3A_484] : memref<128x128xf32, #tpu.memory_space<vmem>> -> memref<128x128xf32, #tpu.memory_space<vmem>>
        tpu.wait_dma2 semaphore(%arg12 : memref<!tpu.dma_semaphore, #tpu.memory_space<semaphore_mem>>) src(%dma_wait3A_485 : memref<128x128xf32, #tpu.memory_space<vmem>>) dst(%dma_wait3A_482 : memref<128x128xf32, #tpu.memory_space<hbm>>)
      } else {
      }
      %parallel_loop3A = arith.constant 0 : i32
      %parallel_loop3A_279 = arith.constant 64 : i32
      %parallel_loop3A_280 = arith.constant 1 : i32
      scf.for %parallel_loop3A_444 = %parallel_loop3A to %parallel_loop3A_279 step %parallel_loop3A_280  : i32 {
        %parallel_loop3A_445 = arith.constant 3 : i32
        %parallel_loop3A_446 = arith.shrui %parallel_loop3A_444, %parallel_loop3A_445 : i32
        %parallel_loop3A_447 = arith.constant 7 : i32
        %parallel_loop3A_448 = arith.andi %parallel_loop3A_444, %parallel_loop3A_447 : i32
        %parallel_loop3A_449 = arith.constant 16 : i32
        %parallel_loop3A_450 = arith.muli %parallel_loop3A_446, %parallel_loop3A_449 : i32
        %parallel_loop3A_451 = arith.constant 16 : i32
        %parallel_loop3A_452 = arith.muli %parallel_loop3A_448, %parallel_loop3A_451 : i32
        %parallel_loop3A_453 = arith.constant 128 : i32
        %parallel_loop3A_454 = arith.muli %parallel_loop3A_450, %parallel_loop3A_453 : i32
        %parallel_loop3A_455 = arith.addi %parallel_loop3A_454, %parallel_loop3A_452 : i32
        %parallel_loop3A_456 = vector.broadcast %parallel_loop3A_455 : i32 to vector<16xi32>
        %parallel_loop3A_457 = arith.addi %broadcast_in_dim3A_3, %parallel_loop3A_456 : vector<16xi32>
        %parallel_loop3A_458 = arith.addi %parallel_loop3A_457, %iota3A : vector<16xi32>
        %parallel_loop3A_459 = arith.constant 128 : i32
        %parallel_loop3A_460 = arith.muli %parallel_loop3A_452, %parallel_loop3A_459 : i32
        %parallel_loop3A_461 = arith.addi %parallel_loop3A_460, %parallel_loop3A_450 : i32
        %parallel_loop3A_462 = vector.broadcast %parallel_loop3A_461 : i32 to vector<16xi32>
        %parallel_loop3A_463 = arith.addi %broadcast_in_dim3A_3, %parallel_loop3A_462 : vector<16xi32>
        %parallel_loop3A_464 = arith.addi %parallel_loop3A_463, %mul3A_6 : vector<16xi32>
        %parallel_loop3A_465 = arith.addi %parallel_loop3A_458, %mul3A_104 : vector<16xi32>
        %parallel_loop3A_466 = tpu.vector_load_idx %arg6[%broadcast_in_dim3A_3, %parallel_loop3A_465] : memref<128x128xf32, #tpu.memory_space<vmem>>[vector<16xi32>, vector<16xi32>], vector<16xf32>,
        %parallel_loop3A_467 = arith.addi %parallel_loop3A_464, %and3A_11 : vector<16xi32>
        tpu.vector_store_idx %arg8[%broadcast_in_dim3A_3, %parallel_loop3A_467], %parallel_loop3A_466 : memref<128x128xf32, #tpu.memory_space<vmem>>[vector<16xi32>, vector<16xi32>], vector<16xf32>,
        %parallel_loop3A_468 = arith.addi %parallel_loop3A_458, %mul3A_107 : vector<16xi32>
        %parallel_loop3A_469 = tpu.vector_load_idx %arg6[%broadcast_in_dim3A_3, %parallel_loop3A_468] : memref<128x128xf32, #tpu.memory_space<vmem>>[vector<16xi32>, vector<16xi32>], vector<16xf32>,
        %parallel_loop3A_470 = arith.addi %parallel_loop3A_464, %and3A_17 : vector<16xi32>
        tpu.vector_store_idx %arg8[%broadcast_in_dim3A_3, %parallel_loop3A_470], %parallel_loop3A_469 : memref<128x128xf32, #tpu.memory_space<vmem>>[vector<16xi32>, vector<16xi32>], vector<16xf32>,
        %parallel_loop3A_471 = arith.addi %parallel_loop3A_458, %mul3A_110 : vector<16xi32>
        %parallel_loop3A_472 = tpu.vector_load_idx %arg6[%broadcast_in_dim3A_3, %parallel_loop3A_471] : memref<128x128xf32, #tpu.memory_space<vmem>>[vector<16xi32>, vector<16xi32>], vector<16xf32>,
        %parallel_loop3A_473 = arith.addi %parallel_loop3A_464, %and3A_23 : vector<16xi32>
        tpu.vector_store_idx %arg8[%broadcast_in_dim3A_3, %parallel_loop3A_473], %parallel_loop3A_472 : memref<128x128xf32, #tpu.memory_space<vmem>>[vector<16xi32>, vector<16xi32>], vector<16xf32>,
        %parallel_loop3A_474 = arith.addi %parallel_loop3A_458, %mul3A_113 : vector<16xi32>
        %parallel_loop3A_475 = tpu.vector_load_idx %arg6[%broadcast_in_dim3A_3, %parallel_loop3A_474] : memref<128x128xf32, #tpu.memory_space<vmem>>[vector<16xi32>, vector<16xi32>], vector<16xf32>,
        %parallel_loop3A_476 = arith.addi %parallel_loop3A_464, %and3A_29 : vector<16xi32>
        tpu.vector_store_idx %arg8[%broadcast_in_dim3A_3, %parallel_loop3A_476], %parallel_loop3A_475 : memref<128x128xf32, #tpu.memory_space<vmem>>[vector<16xi32>, vector<16xi32>], vector<16xf32>,
        %parallel_loop3A_477 = arith.addi %parallel_loop3A_458, %mul3A_116 : vector<16xi32>
        %parallel_loop3A_478 = tpu.vector_load_idx %arg6[%broadcast_in_dim3A_3, %parallel_loop3A_477] : memref<128x128xf32, #tpu.memory_space<vmem>>[vector<16xi32>, vector<16xi32>], vector<16xf32>,
        %parallel_loop3A_479 = arith.addi %parallel_loop3A_464, %and3A_35 : vector<16xi32>
        tpu.vector_store_idx %arg8[%broadcast_in_dim3A_3, %parallel_loop3A_479], %parallel_loop3A_478 : memref<128x128xf32, #tpu.memory_space<vmem>>[vector<16xi32>, vector<16xi32>], vector<16xf32>,
        %parallel_loop3A_480 = arith.addi %parallel_loop3A_458, %mul3A_119 : vector<16xi32>
        %parallel_loop3A_481 = tpu.vector_load_idx %arg6[%broadcast_in_dim3A_3, %parallel_loop3A_480] : memref<128x128xf32, #tpu.memory_space<vmem>>[vector<16xi32>, vector<16xi32>], vector<16xf32>,
        %parallel_loop3A_482 = arith.addi %parallel_loop3A_464, %and3A_41 : vector<16xi32>
        tpu.vector_store_idx %arg8[%broadcast_in_dim3A_3, %parallel_loop3A_482], %parallel_loop3A_481 : memref<128x128xf32, #tpu.memory_space<vmem>>[vector<16xi32>, vector<16xi32>], vector<16xf32>,
        %parallel_loop3A_483 = arith.addi %parallel_loop3A_458, %mul3A_122 : vector<16xi32>
        %parallel_loop3A_484 = tpu.vector_load_idx %arg6[%broadcast_in_dim3A_3, %parallel_loop3A_483] : memref<128x128xf32, #tpu.memory_space<vmem>>[vector<16xi32>, vector<16xi32>], vector<16xf32>,
        %parallel_loop3A_485 = arith.addi %parallel_loop3A_464, %and3A_47 : vector<16xi32>
        tpu.vector_store_idx %arg8[%broadcast_in_dim3A_3, %parallel_loop3A_485], %parallel_loop3A_484 : memref<128x128xf32, #tpu.memory_space<vmem>>[vector<16xi32>, vector<16xi32>], vector<16xf32>,
        %parallel_loop3A_486 = arith.addi %parallel_loop3A_458, %mul3A_125 : vector<16xi32>
        %parallel_loop3A_487 = tpu.vector_load_idx %arg6[%broadcast_in_dim3A_3, %parallel_loop3A_486] : memref<128x128xf32, #tpu.memory_space<vmem>>[vector<16xi32>, vector<16xi32>], vector<16xf32>,
        %parallel_loop3A_488 = arith.addi %parallel_loop3A_464, %and3A_53 : vector<16xi32>
        tpu.vector_store_idx %arg8[%broadcast_in_dim3A_3, %parallel_loop3A_488], %parallel_loop3A_487 : memref<128x128xf32, #tpu.memory_space<vmem>>[vector<16xi32>, vector<16xi32>], vector<16xf32>,
        %parallel_loop3A_489 = arith.addi %parallel_loop3A_458, %mul3A_128 : vector<16xi32>
        %parallel_loop3A_490 = tpu.vector_load_idx %arg6[%broadcast_in_dim3A_3, %parallel_loop3A_489] : memref<128x128xf32, #tpu.memory_space<vmem>>[vector<16xi32>, vector<16xi32>], vector<16xf32>,
        %parallel_loop3A_491 = arith.addi %parallel_loop3A_464, %and3A_59 : vector<16xi32>
        tpu.vector_store_idx %arg8[%broadcast_in_dim3A_3, %parallel_loop3A_491], %parallel_loop3A_490 : memref<128x128xf32, #tpu.memory_space<vmem>>[vector<16xi32>, vector<16xi32>], vector<16xf32>,
        %parallel_loop3A_492 = arith.addi %parallel_loop3A_458, %mul3A_131 : vector<16xi32>
        %parallel_loop3A_493 = tpu.vector_load_idx %arg6[%broadcast_in_dim3A_3, %parallel_loop3A_492] : memref<128x128xf32, #tpu.memory_space<vmem>>[vector<16xi32>, vector<16xi32>], vector<16xf32>,
        %parallel_loop3A_494 = arith.addi %parallel_loop3A_464, %and3A_65 : vector<16xi32>
        tpu.vector_store_idx %arg8[%broadcast_in_dim3A_3, %parallel_loop3A_494], %parallel_loop3A_493 : memref<128x128xf32, #tpu.memory_space<vmem>>[vector<16xi32>, vector<16xi32>], vector<16xf32>,
        %parallel_loop3A_495 = arith.addi %parallel_loop3A_458, %mul3A_134 : vector<16xi32>
        %parallel_loop3A_496 = tpu.vector_load_idx %arg6[%broadcast_in_dim3A_3, %parallel_loop3A_495] : memref<128x128xf32, #tpu.memory_space<vmem>>[vector<16xi32>, vector<16xi32>], vector<16xf32>,
        %parallel_loop3A_497 = arith.addi %parallel_loop3A_464, %and3A_71 : vector<16xi32>
        tpu.vector_store_idx %arg8[%broadcast_in_dim3A_3, %parallel_loop3A_497], %parallel_loop3A_496 : memref<128x128xf32, #tpu.memory_space<vmem>>[vector<16xi32>, vector<16xi32>], vector<16xf32>,
        %parallel_loop3A_498 = arith.addi %parallel_loop3A_458, %mul3A_137 : vector<16xi32>
        %parallel_loop3A_499 = tpu.vector_load_idx %arg6[%broadcast_in_dim3A_3, %parallel_loop3A_498] : memref<128x128xf32, #tpu.memory_space<vmem>>[vector<16xi32>, vector<16xi32>], vector<16xf32>,
        %parallel_loop3A_500 = arith.addi %parallel_loop3A_464, %and3A_77 : vector<16xi32>
        tpu.vector_store_idx %arg8[%broadcast_in_dim3A_3, %parallel_loop3A_500], %parallel_loop3A_499 : memref<128x128xf32, #tpu.memory_space<vmem>>[vector<16xi32>, vector<16xi32>], vector<16xf32>,
        %parallel_loop3A_501 = arith.addi %parallel_loop3A_458, %mul3A_140 : vector<16xi32>
        %parallel_loop3A_502 = tpu.vector_load_idx %arg6[%broadcast_in_dim3A_3, %parallel_loop3A_501] : memref<128x128xf32, #tpu.memory_space<vmem>>[vector<16xi32>, vector<16xi32>], vector<16xf32>,
        %parallel_loop3A_503 = arith.addi %parallel_loop3A_464, %and3A_83 : vector<16xi32>
        tpu.vector_store_idx %arg8[%broadcast_in_dim3A_3, %parallel_loop3A_503], %parallel_loop3A_502 : memref<128x128xf32, #tpu.memory_space<vmem>>[vector<16xi32>, vector<16xi32>], vector<16xf32>,
        %parallel_loop3A_504 = arith.addi %parallel_loop3A_458, %mul3A_143 : vector<16xi32>
        %parallel_loop3A_505 = tpu.vector_load_idx %arg6[%broadcast_in_dim3A_3, %parallel_loop3A_504] : memref<128x128xf32, #tpu.memory_space<vmem>>[vector<16xi32>, vector<16xi32>], vector<16xf32>,
        %parallel_loop3A_506 = arith.addi %parallel_loop3A_464, %and3A_89 : vector<16xi32>
        tpu.vector_store_idx %arg8[%broadcast_in_dim3A_3, %parallel_loop3A_506], %parallel_loop3A_505 : memref<128x128xf32, #tpu.memory_space<vmem>>[vector<16xi32>, vector<16xi32>], vector<16xf32>,
        %parallel_loop3A_507 = arith.addi %parallel_loop3A_458, %mul3A_146 : vector<16xi32>
        %parallel_loop3A_508 = tpu.vector_load_idx %arg6[%broadcast_in_dim3A_3, %parallel_loop3A_507] : memref<128x128xf32, #tpu.memory_space<vmem>>[vector<16xi32>, vector<16xi32>], vector<16xf32>,
        %parallel_loop3A_509 = arith.addi %parallel_loop3A_464, %and3A_95 : vector<16xi32>
        tpu.vector_store_idx %arg8[%broadcast_in_dim3A_3, %parallel_loop3A_509], %parallel_loop3A_508 : memref<128x128xf32, #tpu.memory_space<vmem>>[vector<16xi32>, vector<16xi32>], vector<16xf32>,
        %parallel_loop3A_510 = arith.addi %parallel_loop3A_458, %mul3A_149 : vector<16xi32>
        %parallel_loop3A_511 = tpu.vector_load_idx %arg6[%broadcast_in_dim3A_3, %parallel_loop3A_510] : memref<128x128xf32, #tpu.memory_space<vmem>>[vector<16xi32>, vector<16xi32>], vector<16xf32>,
        %parallel_loop3A_512 = arith.addi %parallel_loop3A_464, %and3A_101 : vector<16xi32>
        tpu.vector_store_idx %arg8[%broadcast_in_dim3A_3, %parallel_loop3A_512], %parallel_loop3A_511 : memref<128x128xf32, #tpu.memory_space<vmem>>[vector<16xi32>, vector<16xi32>], vector<16xf32>,
      } {sc.loop_unroll_factor = 4 : i64, sc.parallel_access}
      %jit3A_281 = arith.constant 4 : i32
      %div3A_282 = arith.divsi %mul3A_208, %jit3A_281 : i32
      %sign3A_283 = arith.constant 0 : i32
      %sign3A_284 = arith.cmpi sgt, %mul3A_208, %sign3A_283 : i32
      %sign3A_285 = arith.extui %sign3A_284 : i1 to i32
      %sign3A_286 = arith.constant 0 : i32
      %sign3A_287 = arith.cmpi slt, %mul3A_208, %sign3A_286 : i32
      %sign3A_288 = arith.extui %sign3A_287 : i1 to i32
      %sign3A_289 = arith.subi %sign3A_285, %sign3A_288 : i32
      %sign3A_290 = arith.constant 0 : i32
      %sign3A_291 = arith.cmpi sgt, %jit3A_281, %sign3A_290 : i32
      %sign3A_292 = arith.extui %sign3A_291 : i1 to i32
      %sign3A_293 = arith.constant 0 : i32
      %sign3A_294 = arith.cmpi slt, %jit3A_281, %sign3A_293 : i32
      %sign3A_295 = arith.extui %sign3A_294 : i1 to i32
      %sign3A_296 = arith.subi %sign3A_292, %sign3A_295 : i32
      %ne3A_297 = arith.cmpi ne, %sign3A_289, %sign3A_296 : i32
      %rem3A_298 = arith.remsi %mul3A_208, %jit3A_281 : i32
      %ne3A_299 = arith.constant 0 : i32
      %ne3A_300 = arith.cmpi ne, %rem3A_298, %ne3A_299 : i32
      %and3A_301 = arith.andi %ne3A_297, %ne3A_300 : i1
      %sub3A_302 = arith.constant 1 : i32
      %sub3A_303 = arith.subi %div3A_282, %sub3A_302 : i32
      %select_n3A_304 = arith.select %and3A_301, %sub3A_303, %div3A_282 : i32
      %rem3A_305 = arith.constant 4 : i32
      %rem3A_306 = arith.remsi %mul3A_208, %rem3A_305 : i32
      %mul3A_307 = arith.constant 128 : i32
      %mul3A_308 = arith.muli %select_n3A_304, %mul3A_307 : i32
      %multiple_of3A_309 = tpu.assume_multiple %mul3A_308, 128 : i32
      %mul3A_310 = arith.constant 128 : i32
      %mul3A_311 = arith.muli %rem3A_306, %mul3A_310 : i32
      %add3A_312 = arith.addi %mul3A_2, %mul3A_311 : i32
      %dma_start3A_313 = arith.constant 0 : i32
      %dma_start3A_314 = arith.constant 0 : i32
      %dma_start3A_315 = tpu.memref_slice %arg8[%dma_start3A_313, %dma_start3A_314] : memref<128x128xf32, #tpu.memory_space<vmem>> -> memref<128x128xf32, #tpu.memory_space<vmem>>
      %dma_start3A_316 = tpu.memref_slice %arg4[%multiple_of3A_309, %add3A_312] : memref<1000x16384xf32, #tpu.memory_space<hbm>> -> memref<128x128xf32, #tpu.memory_space<hbm>>
      %dma_start3A_317 = tpu.memref_slice %arg4[%multiple_of3A_309, %add3A_312] : memref<1000x16384xf32, #tpu.memory_space<hbm>> -> memref<128x128xf32, #tpu.memory_space<hbm>>
      %dma_start3A_318 = arith.constant 0 : i32
      %dma_start3A_319 = arith.constant 0 : i32
      %dma_start3A_320 = tpu.memref_slice %arg8[%dma_start3A_318, %dma_start3A_319] : memref<128x128xf32, #tpu.memory_space<vmem>> -> memref<128x128xf32, #tpu.memory_space<vmem>>
      tpu.enqueue_dma source(%dma_start3A_320 : memref<128x128xf32, #tpu.memory_space<vmem>>) target(%dma_start3A_317 : memref<128x128xf32, #tpu.memory_space<hbm>>) target_semaphore(%arg12 : memref<!tpu.dma_semaphore, #tpu.memory_space<semaphore_mem>>)
      %add3A_321 = arith.constant 2 : i32
      %add3A_322 = arith.addi %mul3A_208, %add3A_321 : i32
      %jit3A_323 = arith.constant 4 : i32
      %div3A_324 = arith.divsi %add3A_322, %jit3A_323 : i32
      %sign3A_325 = arith.constant 0 : i32
      %sign3A_326 = arith.cmpi sgt, %add3A_322, %sign3A_325 : i32
      %sign3A_327 = arith.extui %sign3A_326 : i1 to i32
      %sign3A_328 = arith.constant 0 : i32
      %sign3A_329 = arith.cmpi slt, %add3A_322, %sign3A_328 : i32
      %sign3A_330 = arith.extui %sign3A_329 : i1 to i32
      %sign3A_331 = arith.subi %sign3A_327, %sign3A_330 : i32
      %sign3A_332 = arith.constant 0 : i32
      %sign3A_333 = arith.cmpi sgt, %jit3A_323, %sign3A_332 : i32
      %sign3A_334 = arith.extui %sign3A_333 : i1 to i32
      %sign3A_335 = arith.constant 0 : i32
      %sign3A_336 = arith.cmpi slt, %jit3A_323, %sign3A_335 : i32
      %sign3A_337 = arith.extui %sign3A_336 : i1 to i32
      %sign3A_338 = arith.subi %sign3A_334, %sign3A_337 : i32
      %ne3A_339 = arith.cmpi ne, %sign3A_331, %sign3A_338 : i32
      %rem3A_340 = arith.remsi %add3A_322, %jit3A_323 : i32
      %ne3A_341 = arith.constant 0 : i32
      %ne3A_342 = arith.cmpi ne, %rem3A_340, %ne3A_341 : i32
      %and3A_343 = arith.andi %ne3A_339, %ne3A_342 : i1
      %sub3A_344 = arith.constant 1 : i32
      %sub3A_345 = arith.subi %div3A_324, %sub3A_344 : i32
      %select_n3A_346 = arith.select %and3A_343, %sub3A_345, %div3A_324 : i32
      %rem3A_347 = arith.constant 4 : i32
      %rem3A_348 = arith.remsi %add3A_322, %rem3A_347 : i32
      %mul3A_349 = arith.constant 128 : i32
      %mul3A_350 = arith.muli %rem3A_348, %mul3A_349 : i32
      %dma_start3A_351 = tpu.memref_slice %arg5[%mul3A_350] : memref<512xi32, #tpu.memory_space<vmem>> -> memref<128xi32, #tpu.memory_space<vmem>>
      %dma_start3A_352 = arith.constant 0 : i32
      %dma_start3A_353 = arith.constant 0 : i32
      %dma_start3A_354 = tpu.memref_slice %arg3[%select_n3A_346, %dma_start3A_352, %dma_start3A_353] : memref<8x1000x128xf32, #tpu.memory_space<hbm>> -> memref<1x1000x128xf32, #tpu.memory_space<hbm>>
      %dma_start3A_355 = tpu.memref_squeeze %dma_start3A_354 : memref<1x1000x128xf32, #tpu.memory_space<hbm>> -> memref<1000x128xf32, #tpu.memory_space<hbm>>
      %dma_start3A_356 = arith.constant 0 : i32
      %dma_start3A_357 = arith.constant 0 : i32
      %dma_start3A_358 = tpu.memref_slice %dma_start3A_355[%dma_start3A_356, %dma_start3A_357] : memref<1000x128xf32, #tpu.memory_space<hbm>> -> memref<1000x128xf32, #tpu.memory_space<hbm>>
      tpu.enqueue_indirect_dma source(%dma_start3A_358 : memref<1000x128xf32, #tpu.memory_space<hbm>>) target(%arg6 : memref<128x128xf32, #tpu.memory_space<vmem>>) offsets(%dma_start3A_351 : memref<128xi32, #tpu.memory_space<vmem>>) semaphore(%arg10 : memref<!tpu.dma_semaphore, #tpu.memory_space<semaphore_mem>>)
      %jit3A_359 = arith.constant 4 : i32
      %div3A_360 = arith.divsi %add3A_210, %jit3A_359 : i32
      %sign3A_361 = arith.constant 0 : i32
      %sign3A_362 = arith.cmpi sgt, %add3A_210, %sign3A_361 : i32
      %sign3A_363 = arith.extui %sign3A_362 : i1 to i32
      %sign3A_364 = arith.constant 0 : i32
      %sign3A_365 = arith.cmpi slt, %add3A_210, %sign3A_364 : i32
      %sign3A_366 = arith.extui %sign3A_365 : i1 to i32
      %sign3A_367 = arith.subi %sign3A_363, %sign3A_366 : i32
      %sign3A_368 = arith.constant 0 : i32
      %sign3A_369 = arith.cmpi sgt, %jit3A_359, %sign3A_368 : i32
      %sign3A_370 = arith.extui %sign3A_369 : i1 to i32
      %sign3A_371 = arith.constant 0 : i32
      %sign3A_372 = arith.cmpi slt, %jit3A_359, %sign3A_371 : i32
      %sign3A_373 = arith.extui %sign3A_372 : i1 to i32
      %sign3A_374 = arith.subi %sign3A_370, %sign3A_373 : i32
      %ne3A_375 = arith.cmpi ne, %sign3A_367, %sign3A_374 : i32
      %rem3A_376 = arith.remsi %add3A_210, %jit3A_359 : i32
      %ne3A_377 = arith.constant 0 : i32
      %ne3A_378 = arith.cmpi ne, %rem3A_376, %ne3A_377 : i32
      %and3A_379 = arith.andi %ne3A_375, %ne3A_378 : i1
      %sub3A_380 = arith.constant 1 : i32
      %sub3A_381 = arith.subi %div3A_360, %sub3A_380 : i32
      %select_n3A_382 = arith.select %and3A_379, %sub3A_381, %div3A_360 : i32
      %rem3A_383 = arith.constant 4 : i32
      %rem3A_384 = arith.remsi %add3A_210, %rem3A_383 : i32
      %mul3A_385 = arith.constant 128 : i32
      %mul3A_386 = arith.muli %rem3A_384, %mul3A_385 : i32
      %dma_wait3A_387 = tpu.memref_slice %arg5[%mul3A_386] : memref<512xi32, #tpu.memory_space<vmem>> -> memref<128xi32, #tpu.memory_space<vmem>>
      %dma_wait3A_388 = arith.constant 0 : i32
      %dma_wait3A_389 = arith.constant 0 : i32
      %dma_wait3A_390 = tpu.memref_slice %arg3[%select_n3A_382, %dma_wait3A_388, %dma_wait3A_389] : memref<8x1000x128xf32, #tpu.memory_space<hbm>> -> memref<1x1000x128xf32, #tpu.memory_space<hbm>>
      %dma_wait3A_391 = tpu.memref_squeeze %dma_wait3A_390 : memref<1x1000x128xf32, #tpu.memory_space<hbm>> -> memref<1000x128xf32, #tpu.memory_space<hbm>>
      %dma_wait3A_392 = arith.constant 0 : i32
      %dma_wait3A_393 = arith.constant 0 : i32
      %dma_wait3A_394 = tpu.memref_slice %dma_wait3A_391[%dma_wait3A_392, %dma_wait3A_393] : memref<1000x128xf32, #tpu.memory_space<hbm>> -> memref<1000x128xf32, #tpu.memory_space<hbm>>
      tpu.wait_indirect_dma semaphore(%arg11 : memref<!tpu.dma_semaphore, #tpu.memory_space<semaphore_mem>>) src(%dma_wait3A_394 : memref<1000x128xf32, #tpu.memory_space<hbm>>) dst(%arg7 : memref<128x128xf32, #tpu.memory_space<vmem>>)
      %gt3A_395 = arith.constant 0 : i32
      %gt3A_396 = arith.cmpi sgt, %scan3A_205, %gt3A_395 : i32
      %convert_element_type3A_397 = arith.extui %gt3A_396 : i1 to i32
      %cond3A_398 = arith.constant 0 : i32
      %cond3A_399 = arith.cmpi ne, %convert_element_type3A_397, %cond3A_398 : i32
      scf.if %cond3A_399 {
        %sub3A_444 = arith.constant 2 : i32
        %sub3A_445 = arith.subi %add3A_210, %sub3A_444 : i32
        %jit3A_446 = arith.constant 4 : i32
        %div3A_447 = arith.divsi %sub3A_445, %jit3A_446 : i32
        %sign3A_448 = arith.constant 0 : i32
        %sign3A_449 = arith.cmpi sgt, %sub3A_445, %sign3A_448 : i32
        %sign3A_450 = arith.extui %sign3A_449 : i1 to i32
        %sign3A_451 = arith.constant 0 : i32
        %sign3A_452 = arith.cmpi slt, %sub3A_445, %sign3A_451 : i32
        %sign3A_453 = arith.extui %sign3A_452 : i1 to i32
        %sign3A_454 = arith.subi %sign3A_450, %sign3A_453 : i32
        %sign3A_455 = arith.constant 0 : i32
        %sign3A_456 = arith.cmpi sgt, %jit3A_446, %sign3A_455 : i32
        %sign3A_457 = arith.extui %sign3A_456 : i1 to i32
        %sign3A_458 = arith.constant 0 : i32
        %sign3A_459 = arith.cmpi slt, %jit3A_446, %sign3A_458 : i32
        %sign3A_460 = arith.extui %sign3A_459 : i1 to i32
        %sign3A_461 = arith.subi %sign3A_457, %sign3A_460 : i32
        %ne3A_462 = arith.cmpi ne, %sign3A_454, %sign3A_461 : i32
        %rem3A_463 = arith.remsi %sub3A_445, %jit3A_446 : i32
        %ne3A_464 = arith.constant 0 : i32
        %ne3A_465 = arith.cmpi ne, %rem3A_463, %ne3A_464 : i32
        %and3A_466 = arith.andi %ne3A_462, %ne3A_465 : i1
        %sub3A_467 = arith.constant 1 : i32
        %sub3A_468 = arith.subi %div3A_447, %sub3A_467 : i32
        %select_n3A_469 = arith.select %and3A_466, %sub3A_468, %div3A_447 : i32
        %rem3A_470 = arith.constant 4 : i32
        %rem3A_471 = arith.remsi %sub3A_445, %rem3A_470 : i32
        %mul3A_472 = arith.constant 128 : i32
        %mul3A_473 = arith.muli %select_n3A_469, %mul3A_472 : i32
        %multiple_of3A_474 = tpu.assume_multiple %mul3A_473, 128 : i32
        %mul3A_475 = arith.constant 128 : i32
        %mul3A_476 = arith.muli %rem3A_471, %mul3A_475 : i32
        %add3A_477 = arith.addi %mul3A_2, %mul3A_476 : i32
        %dma_wait3A_478 = arith.constant 0 : i32
        %dma_wait3A_479 = arith.constant 0 : i32
        %dma_wait3A_480 = tpu.memref_slice %arg9[%dma_wait3A_478, %dma_wait3A_479] : memref<128x128xf32, #tpu.memory_space<vmem>> -> memref<128x128xf32, #tpu.memory_space<vmem>>
        %dma_wait3A_481 = tpu.memref_slice %arg4[%multiple_of3A_474, %add3A_477] : memref<1000x16384xf32, #tpu.memory_space<hbm>> -> memref<128x128xf32, #tpu.memory_space<hbm>>
        %dma_wait3A_482 = tpu.memref_slice %arg4[%multiple_of3A_474, %add3A_477] : memref<1000x16384xf32, #tpu.memory_space<hbm>> -> memref<128x128xf32, #tpu.memory_space<hbm>>
        %dma_wait3A_483 = arith.constant 0 : i32
        %dma_wait3A_484 = arith.constant 0 : i32
        %dma_wait3A_485 = tpu.memref_slice %arg9[%dma_wait3A_483, %dma_wait3A_484] : memref<128x128xf32, #tpu.memory_space<vmem>> -> memref<128x128xf32, #tpu.memory_space<vmem>>
        tpu.wait_dma2 semaphore(%arg13 : memref<!tpu.dma_semaphore, #tpu.memory_space<semaphore_mem>>) src(%dma_wait3A_485 : memref<128x128xf32, #tpu.memory_space<vmem>>) dst(%dma_wait3A_482 : memref<128x128xf32, #tpu.memory_space<hbm>>)
      } else {
      }
      %parallel_loop3A_400 = arith.constant 0 : i32
      %parallel_loop3A_401 = arith.constant 64 : i32
      %parallel_loop3A_402 = arith.constant 1 : i32
      scf.for %parallel_loop3A_444 = %parallel_loop3A_400 to %parallel_loop3A_401 step %parallel_loop3A_402  : i32 {
        %parallel_loop3A_445 = arith.constant 3 : i32
        %parallel_loop3A_446 = arith.shrui %parallel_loop3A_444, %parallel_loop3A_445 : i32
        %parallel_loop3A_447 = arith.constant 7 : i32
        %parallel_loop3A_448 = arith.andi %parallel_loop3A_444, %parallel_loop3A_447 : i32
        %parallel_loop3A_449 = arith.constant 16 : i32
        %parallel_loop3A_450 = arith.muli %parallel_loop3A_446, %parallel_loop3A_449 : i32
        %parallel_loop3A_451 = arith.constant 16 : i32
        %parallel_loop3A_452 = arith.muli %parallel_loop3A_448, %parallel_loop3A_451 : i32
        %parallel_loop3A_453 = arith.constant 128 : i32
        %parallel_loop3A_454 = arith.muli %parallel_loop3A_450, %parallel_loop3A_453 : i32
        %parallel_loop3A_455 = arith.addi %parallel_loop3A_454, %parallel_loop3A_452 : i32
        %parallel_loop3A_456 = vector.broadcast %parallel_loop3A_455 : i32 to vector<16xi32>
        %parallel_loop3A_457 = arith.addi %broadcast_in_dim3A_3, %parallel_loop3A_456 : vector<16xi32>
        %parallel_loop3A_458 = arith.addi %parallel_loop3A_457, %iota3A : vector<16xi32>
        %parallel_loop3A_459 = arith.constant 128 : i32
        %parallel_loop3A_460 = arith.muli %parallel_loop3A_452, %parallel_loop3A_459 : i32
        %parallel_loop3A_461 = arith.addi %parallel_loop3A_460, %parallel_loop3A_450 : i32
        %parallel_loop3A_462 = vector.broadcast %parallel_loop3A_461 : i32 to vector<16xi32>
        %parallel_loop3A_463 = arith.addi %broadcast_in_dim3A_3, %parallel_loop3A_462 : vector<16xi32>
        %parallel_loop3A_464 = arith.addi %parallel_loop3A_463, %mul3A_6 : vector<16xi32>
        %parallel_loop3A_465 = arith.addi %parallel_loop3A_458, %mul3A_104 : vector<16xi32>
        %parallel_loop3A_466 = tpu.vector_load_idx %arg7[%broadcast_in_dim3A_3, %parallel_loop3A_465] : memref<128x128xf32, #tpu.memory_space<vmem>>[vector<16xi32>, vector<16xi32>], vector<16xf32>,
        %parallel_loop3A_467 = arith.addi %parallel_loop3A_464, %and3A_11 : vector<16xi32>
        tpu.vector_store_idx %arg9[%broadcast_in_dim3A_3, %parallel_loop3A_467], %parallel_loop3A_466 : memref<128x128xf32, #tpu.memory_space<vmem>>[vector<16xi32>, vector<16xi32>], vector<16xf32>,
        %parallel_loop3A_468 = arith.addi %parallel_loop3A_458, %mul3A_107 : vector<16xi32>
        %parallel_loop3A_469 = tpu.vector_load_idx %arg7[%broadcast_in_dim3A_3, %parallel_loop3A_468] : memref<128x128xf32, #tpu.memory_space<vmem>>[vector<16xi32>, vector<16xi32>], vector<16xf32>,
        %parallel_loop3A_470 = arith.addi %parallel_loop3A_464, %and3A_17 : vector<16xi32>
        tpu.vector_store_idx %arg9[%broadcast_in_dim3A_3, %parallel_loop3A_470], %parallel_loop3A_469 : memref<128x128xf32, #tpu.memory_space<vmem>>[vector<16xi32>, vector<16xi32>], vector<16xf32>,
        %parallel_loop3A_471 = arith.addi %parallel_loop3A_458, %mul3A_110 : vector<16xi32>
        %parallel_loop3A_472 = tpu.vector_load_idx %arg7[%broadcast_in_dim3A_3, %parallel_loop3A_471] : memref<128x128xf32, #tpu.memory_space<vmem>>[vector<16xi32>, vector<16xi32>], vector<16xf32>,
        %parallel_loop3A_473 = arith.addi %parallel_loop3A_464, %and3A_23 : vector<16xi32>
        tpu.vector_store_idx %arg9[%broadcast_in_dim3A_3, %parallel_loop3A_473], %parallel_loop3A_472 : memref<128x128xf32, #tpu.memory_space<vmem>>[vector<16xi32>, vector<16xi32>], vector<16xf32>,
        %parallel_loop3A_474 = arith.addi %parallel_loop3A_458, %mul3A_113 : vector<16xi32>
        %parallel_loop3A_475 = tpu.vector_load_idx %arg7[%broadcast_in_dim3A_3, %parallel_loop3A_474] : memref<128x128xf32, #tpu.memory_space<vmem>>[vector<16xi32>, vector<16xi32>], vector<16xf32>,
        %parallel_loop3A_476 = arith.addi %parallel_loop3A_464, %and3A_29 : vector<16xi32>
        tpu.vector_store_idx %arg9[%broadcast_in_dim3A_3, %parallel_loop3A_476], %parallel_loop3A_475 : memref<128x128xf32, #tpu.memory_space<vmem>>[vector<16xi32>, vector<16xi32>], vector<16xf32>,
        %parallel_loop3A_477 = arith.addi %parallel_loop3A_458, %mul3A_116 : vector<16xi32>
        %parallel_loop3A_478 = tpu.vector_load_idx %arg7[%broadcast_in_dim3A_3, %parallel_loop3A_477] : memref<128x128xf32, #tpu.memory_space<vmem>>[vector<16xi32>, vector<16xi32>], vector<16xf32>,
        %parallel_loop3A_479 = arith.addi %parallel_loop3A_464, %and3A_35 : vector<16xi32>
        tpu.vector_store_idx %arg9[%broadcast_in_dim3A_3, %parallel_loop3A_479], %parallel_loop3A_478 : memref<128x128xf32, #tpu.memory_space<vmem>>[vector<16xi32>, vector<16xi32>], vector<16xf32>,
        %parallel_loop3A_480 = arith.addi %parallel_loop3A_458, %mul3A_119 : vector<16xi32>
        %parallel_loop3A_481 = tpu.vector_load_idx %arg7[%broadcast_in_dim3A_3, %parallel_loop3A_480] : memref<128x128xf32, #tpu.memory_space<vmem>>[vector<16xi32>, vector<16xi32>], vector<16xf32>,
        %parallel_loop3A_482 = arith.addi %parallel_loop3A_464, %and3A_41 : vector<16xi32>
        tpu.vector_store_idx %arg9[%broadcast_in_dim3A_3, %parallel_loop3A_482], %parallel_loop3A_481 : memref<128x128xf32, #tpu.memory_space<vmem>>[vector<16xi32>, vector<16xi32>], vector<16xf32>,
        %parallel_loop3A_483 = arith.addi %parallel_loop3A_458, %mul3A_122 : vector<16xi32>
        %parallel_loop3A_484 = tpu.vector_load_idx %arg7[%broadcast_in_dim3A_3, %parallel_loop3A_483] : memref<128x128xf32, #tpu.memory_space<vmem>>[vector<16xi32>, vector<16xi32>], vector<16xf32>,
        %parallel_loop3A_485 = arith.addi %parallel_loop3A_464, %and3A_47 : vector<16xi32>
        tpu.vector_store_idx %arg9[%broadcast_in_dim3A_3, %parallel_loop3A_485], %parallel_loop3A_484 : memref<128x128xf32, #tpu.memory_space<vmem>>[vector<16xi32>, vector<16xi32>], vector<16xf32>,
        %parallel_loop3A_486 = arith.addi %parallel_loop3A_458, %mul3A_125 : vector<16xi32>
        %parallel_loop3A_487 = tpu.vector_load_idx %arg7[%broadcast_in_dim3A_3, %parallel_loop3A_486] : memref<128x128xf32, #tpu.memory_space<vmem>>[vector<16xi32>, vector<16xi32>], vector<16xf32>,
        %parallel_loop3A_488 = arith.addi %parallel_loop3A_464, %and3A_53 : vector<16xi32>
        tpu.vector_store_idx %arg9[%broadcast_in_dim3A_3, %parallel_loop3A_488], %parallel_loop3A_487 : memref<128x128xf32, #tpu.memory_space<vmem>>[vector<16xi32>, vector<16xi32>], vector<16xf32>,
        %parallel_loop3A_489 = arith.addi %parallel_loop3A_458, %mul3A_128 : vector<16xi32>
        %parallel_loop3A_490 = tpu.vector_load_idx %arg7[%broadcast_in_dim3A_3, %parallel_loop3A_489] : memref<128x128xf32, #tpu.memory_space<vmem>>[vector<16xi32>, vector<16xi32>], vector<16xf32>,
        %parallel_loop3A_491 = arith.addi %parallel_loop3A_464, %and3A_59 : vector<16xi32>
        tpu.vector_store_idx %arg9[%broadcast_in_dim3A_3, %parallel_loop3A_491], %parallel_loop3A_490 : memref<128x128xf32, #tpu.memory_space<vmem>>[vector<16xi32>, vector<16xi32>], vector<16xf32>,
        %parallel_loop3A_492 = arith.addi %parallel_loop3A_458, %mul3A_131 : vector<16xi32>
        %parallel_loop3A_493 = tpu.vector_load_idx %arg7[%broadcast_in_dim3A_3, %parallel_loop3A_492] : memref<128x128xf32, #tpu.memory_space<vmem>>[vector<16xi32>, vector<16xi32>], vector<16xf32>,
        %parallel_loop3A_494 = arith.addi %parallel_loop3A_464, %and3A_65 : vector<16xi32>
        tpu.vector_store_idx %arg9[%broadcast_in_dim3A_3, %parallel_loop3A_494], %parallel_loop3A_493 : memref<128x128xf32, #tpu.memory_space<vmem>>[vector<16xi32>, vector<16xi32>], vector<16xf32>,
        %parallel_loop3A_495 = arith.addi %parallel_loop3A_458, %mul3A_134 : vector<16xi32>
        %parallel_loop3A_496 = tpu.vector_load_idx %arg7[%broadcast_in_dim3A_3, %parallel_loop3A_495] : memref<128x128xf32, #tpu.memory_space<vmem>>[vector<16xi32>, vector<16xi32>], vector<16xf32>,
        %parallel_loop3A_497 = arith.addi %parallel_loop3A_464, %and3A_71 : vector<16xi32>
        tpu.vector_store_idx %arg9[%broadcast_in_dim3A_3, %parallel_loop3A_497], %parallel_loop3A_496 : memref<128x128xf32, #tpu.memory_space<vmem>>[vector<16xi32>, vector<16xi32>], vector<16xf32>,
        %parallel_loop3A_498 = arith.addi %parallel_loop3A_458, %mul3A_137 : vector<16xi32>
        %parallel_loop3A_499 = tpu.vector_load_idx %arg7[%broadcast_in_dim3A_3, %parallel_loop3A_498] : memref<128x128xf32, #tpu.memory_space<vmem>>[vector<16xi32>, vector<16xi32>], vector<16xf32>,
        %parallel_loop3A_500 = arith.addi %parallel_loop3A_464, %and3A_77 : vector<16xi32>
        tpu.vector_store_idx %arg9[%broadcast_in_dim3A_3, %parallel_loop3A_500], %parallel_loop3A_499 : memref<128x128xf32, #tpu.memory_space<vmem>>[vector<16xi32>, vector<16xi32>], vector<16xf32>,
        %parallel_loop3A_501 = arith.addi %parallel_loop3A_458, %mul3A_140 : vector<16xi32>
        %parallel_loop3A_502 = tpu.vector_load_idx %arg7[%broadcast_in_dim3A_3, %parallel_loop3A_501] : memref<128x128xf32, #tpu.memory_space<vmem>>[vector<16xi32>, vector<16xi32>], vector<16xf32>,
        %parallel_loop3A_503 = arith.addi %parallel_loop3A_464, %and3A_83 : vector<16xi32>
        tpu.vector_store_idx %arg9[%broadcast_in_dim3A_3, %parallel_loop3A_503], %parallel_loop3A_502 : memref<128x128xf32, #tpu.memory_space<vmem>>[vector<16xi32>, vector<16xi32>], vector<16xf32>,
        %parallel_loop3A_504 = arith.addi %parallel_loop3A_458, %mul3A_143 : vector<16xi32>
        %parallel_loop3A_505 = tpu.vector_load_idx %arg7[%broadcast_in_dim3A_3, %parallel_loop3A_504] : memref<128x128xf32, #tpu.memory_space<vmem>>[vector<16xi32>, vector<16xi32>], vector<16xf32>,
        %parallel_loop3A_506 = arith.addi %parallel_loop3A_464, %and3A_89 : vector<16xi32>
        tpu.vector_store_idx %arg9[%broadcast_in_dim3A_3, %parallel_loop3A_506], %parallel_loop3A_505 : memref<128x128xf32, #tpu.memory_space<vmem>>[vector<16xi32>, vector<16xi32>], vector<16xf32>,
        %parallel_loop3A_507 = arith.addi %parallel_loop3A_458, %mul3A_146 : vector<16xi32>
        %parallel_loop3A_508 = tpu.vector_load_idx %arg7[%broadcast_in_dim3A_3, %parallel_loop3A_507] : memref<128x128xf32, #tpu.memory_space<vmem>>[vector<16xi32>, vector<16xi32>], vector<16xf32>,
        %parallel_loop3A_509 = arith.addi %parallel_loop3A_464, %and3A_95 : vector<16xi32>
        tpu.vector_store_idx %arg9[%broadcast_in_dim3A_3, %parallel_loop3A_509], %parallel_loop3A_508 : memref<128x128xf32, #tpu.memory_space<vmem>>[vector<16xi32>, vector<16xi32>], vector<16xf32>,
        %parallel_loop3A_510 = arith.addi %parallel_loop3A_458, %mul3A_149 : vector<16xi32>
        %parallel_loop3A_511 = tpu.vector_load_idx %arg7[%broadcast_in_dim3A_3, %parallel_loop3A_510] : memref<128x128xf32, #tpu.memory_space<vmem>>[vector<16xi32>, vector<16xi32>], vector<16xf32>,
        %parallel_loop3A_512 = arith.addi %parallel_loop3A_464, %and3A_101 : vector<16xi32>
        tpu.vector_store_idx %arg9[%broadcast_in_dim3A_3, %parallel_loop3A_512], %parallel_loop3A_511 : memref<128x128xf32, #tpu.memory_space<vmem>>[vector<16xi32>, vector<16xi32>], vector<16xf32>,
      } {sc.loop_unroll_factor = 4 : i64, sc.parallel_access}
      %jit3A_403 = arith.constant 4 : i32
      %div3A_404 = arith.divsi %add3A_210, %jit3A_403 : i32
      %sign3A_405 = arith.constant 0 : i32
      %sign3A_406 = arith.cmpi sgt, %add3A_210, %sign3A_405 : i32
      %sign3A_407 = arith.extui %sign3A_406 : i1 to i32
      %sign3A_408 = arith.constant 0 : i32
      %sign3A_409 = arith.cmpi slt, %add3A_210, %sign3A_408 : i32
      %sign3A_410 = arith.extui %sign3A_409 : i1 to i32
      %sign3A_411 = arith.subi %sign3A_407, %sign3A_410 : i32
      %sign3A_412 = arith.constant 0 : i32
      %sign3A_413 = arith.cmpi sgt, %jit3A_403, %sign3A_412 : i32
      %sign3A_414 = arith.extui %sign3A_413 : i1 to i32
      %sign3A_415 = arith.constant 0 : i32
      %sign3A_416 = arith.cmpi slt, %jit3A_403, %sign3A_415 : i32
      %sign3A_417 = arith.extui %sign3A_416 : i1 to i32
      %sign3A_418 = arith.subi %sign3A_414, %sign3A_417 : i32
      %ne3A_419 = arith.cmpi ne, %sign3A_411, %sign3A_418 : i32
      %rem3A_420 = arith.remsi %add3A_210, %jit3A_403 : i32
      %ne3A_421 = arith.constant 0 : i32
      %ne3A_422 = arith.cmpi ne, %rem3A_420, %ne3A_421 : i32
      %and3A_423 = arith.andi %ne3A_419, %ne3A_422 : i1
      %sub3A_424 = arith.constant 1 : i32
      %sub3A_425 = arith.subi %div3A_404, %sub3A_424 : i32
      %select_n3A_426 = arith.select %and3A_423, %sub3A_425, %div3A_404 : i32
      %rem3A_427 = arith.constant 4 : i32
      %rem3A_428 = arith.remsi %add3A_210, %rem3A_427 : i32
      %mul3A_429 = arith.constant 128 : i32
      %mul3A_430 = arith.muli %select_n3A_426, %mul3A_429 : i32
      %multiple_of3A_431 = tpu.assume_multiple %mul3A_430, 128 : i32
      %mul3A_432 = arith.constant 128 : i32
      %mul3A_433 = arith.muli %rem3A_428, %mul3A_432 : i32
      %add3A_434 = arith.addi %mul3A_2, %mul3A_433 : i32
      %dma_start3A_435 = arith.constant 0 : i32
      %dma_start3A_436 = arith.constant 0 : i32
      %dma_start3A_437 = tpu.memref_slice %arg9[%dma_start3A_435, %dma_start3A_436] : memref<128x128xf32, #tpu.memory_space<vmem>> -> memref<128x128xf32, #tpu.memory_space<vmem>>
      %dma_start3A_438 = tpu.memref_slice %arg4[%multiple_of3A_431, %add3A_434] : memref<1000x16384xf32, #tpu.memory_space<hbm>> -> memref<128x128xf32, #tpu.memory_space<hbm>>
      %dma_start3A_439 = tpu.memref_slice %arg4[%multiple_of3A_431, %add3A_434] : memref<1000x16384xf32, #tpu.memory_space<hbm>> -> memref<128x128xf32, #tpu.memory_space<hbm>>
      %dma_start3A_440 = arith.constant 0 : i32
      %dma_start3A_441 = arith.constant 0 : i32
      %dma_start3A_442 = tpu.memref_slice %arg9[%dma_start3A_440, %dma_start3A_441] : memref<128x128xf32, #tpu.memory_space<vmem>> -> memref<128x128xf32, #tpu.memory_space<vmem>>
      tpu.enqueue_dma source(%dma_start3A_442 : memref<128x128xf32, #tpu.memory_space<vmem>>) target(%dma_start3A_439 : memref<128x128xf32, #tpu.memory_space<hbm>>) target_semaphore(%arg13 : memref<!tpu.dma_semaphore, #tpu.memory_space<semaphore_mem>>)
      %scan3A_443 = arith.constant 0 : i32
      scf.yield %scan3A_443 : i32
    }
    %scan3A_167 = arith.constant 14 : i32
    %scan3A_168 = arith.constant 0 : i32
    %scan3A_169 = arith.constant 0 : i32
    %scan3A_170 = arith.constant 4 : i32
    %scan3A_171 = arith.addi %scan3A_169, %scan3A_170 : i32
    %scan3A_172 = arith.constant 1 : i32
    %scan3A_173 = scf.for %scan3A_205 = %scan3A_169 to %scan3A_171 step %scan3A_172 iter_args(%scan3A_206 = %scan3A_168) -> (i32)  : i32 {
      %add3A_207 = arith.constant 28 : i32
      %add3A_208 = arith.addi %add3A_207, %scan3A_205 : i32
      %jit3A = arith.constant 4 : i32
      %div3A = arith.divsi %add3A_208, %jit3A : i32
      %sign3A = arith.constant 0 : i32
      %sign3A_209 = arith.cmpi sgt, %add3A_208, %sign3A : i32
      %sign3A_210 = arith.extui %sign3A_209 : i1 to i32
      %sign3A_211 = arith.constant 0 : i32
      %sign3A_212 = arith.cmpi slt, %add3A_208, %sign3A_211 : i32
      %sign3A_213 = arith.extui %sign3A_212 : i1 to i32
      %sign3A_214 = arith.subi %sign3A_210, %sign3A_213 : i32
      %sign3A_215 = arith.constant 0 : i32
      %sign3A_216 = arith.cmpi sgt, %jit3A, %sign3A_215 : i32
      %sign3A_217 = arith.extui %sign3A_216 : i1 to i32
      %sign3A_218 = arith.constant 0 : i32
      %sign3A_219 = arith.cmpi slt, %jit3A, %sign3A_218 : i32
      %sign3A_220 = arith.extui %sign3A_219 : i1 to i32
      %sign3A_221 = arith.subi %sign3A_217, %sign3A_220 : i32
      %ne3A = arith.cmpi ne, %sign3A_214, %sign3A_221 : i32
      %rem3A_222 = arith.remsi %add3A_208, %jit3A : i32
      %ne3A_223 = arith.constant 0 : i32
      %ne3A_224 = arith.cmpi ne, %rem3A_222, %ne3A_223 : i32
      %and3A_225 = arith.andi %ne3A, %ne3A_224 : i1
      %sub3A = arith.constant 1 : i32
      %sub3A_226 = arith.subi %div3A, %sub3A : i32
      %select_n3A = arith.select %and3A_225, %sub3A_226, %div3A : i32
      %rem3A_227 = arith.constant 4 : i32
      %rem3A_228 = arith.remsi %add3A_208, %rem3A_227 : i32
      %mul3A_229 = arith.constant 128 : i32
      %mul3A_230 = arith.muli %rem3A_228, %mul3A_229 : i32
      %dma_wait3A_231 = tpu.memref_slice %arg5[%mul3A_230] : memref<512xi32, #tpu.memory_space<vmem>> -> memref<128xi32, #tpu.memory_space<vmem>>
      %dma_wait3A_232 = arith.constant 0 : i32
      %dma_wait3A_233 = arith.constant 0 : i32
      %dma_wait3A_234 = tpu.memref_slice %arg3[%select_n3A, %dma_wait3A_232, %dma_wait3A_233] : memref<8x1000x128xf32, #tpu.memory_space<hbm>> -> memref<1x1000x128xf32, #tpu.memory_space<hbm>>
      %dma_wait3A_235 = tpu.memref_squeeze %dma_wait3A_234 : memref<1x1000x128xf32, #tpu.memory_space<hbm>> -> memref<1000x128xf32, #tpu.memory_space<hbm>>
      %dma_wait3A_236 = arith.constant 0 : i32
      %dma_wait3A_237 = arith.constant 0 : i32
      %dma_wait3A_238 = tpu.memref_slice %dma_wait3A_235[%dma_wait3A_236, %dma_wait3A_237] : memref<1000x128xf32, #tpu.memory_space<hbm>> -> memref<1000x128xf32, #tpu.memory_space<hbm>>
      tpu.wait_indirect_dma semaphore(%arg10 : memref<!tpu.dma_semaphore, #tpu.memory_space<semaphore_mem>>) src(%dma_wait3A_238 : memref<1000x128xf32, #tpu.memory_space<hbm>>) dst(%arg6 : memref<128x128xf32, #tpu.memory_space<vmem>>)
      %eq3A = arith.constant 0 : i32
      %eq3A_239 = arith.cmpi eq, %scan3A_205, %eq3A : i32
      %convert_element_type3A = arith.extui %eq3A_239 : i1 to i32
      %cond3A = arith.constant 0 : i32
      %cond3A_240 = arith.cmpi ne, %convert_element_type3A, %cond3A : i32
      scf.if %cond3A_240 {
        %rem3A_292 = arith.constant 26 : i32
        %rem3A_293 = arith.constant 4 : i32
        %rem3A_294 = arith.remsi %rem3A_292, %rem3A_293 : i32
        %multiple_of3A_295 = arith.constant 768 : i32
        %multiple_of3A_296 = tpu.assume_multiple %multiple_of3A_295, 128 : i32
        %mul3A_297 = arith.constant 128 : i32
        %mul3A_298 = arith.muli %rem3A_294, %mul3A_297 : i32
        %add3A_299 = arith.addi %mul3A_2, %mul3A_298 : i32
        %dma_wait3A_300 = arith.constant 0 : i32
        %dma_wait3A_301 = arith.constant 0 : i32
        %dma_wait3A_302 = tpu.memref_slice %arg8[%dma_wait3A_300, %dma_wait3A_301] : memref<128x128xf32, #tpu.memory_space<vmem>> -> memref<128x128xf32, #tpu.memory_space<vmem>>
        %dma_wait3A_303 = tpu.memref_slice %arg4[%multiple_of3A_296, %add3A_299] : memref<1000x16384xf32, #tpu.memory_space<hbm>> -> memref<128x128xf32, #tpu.memory_space<hbm>>
        %dma_wait3A_304 = tpu.memref_slice %arg4[%multiple_of3A_296, %add3A_299] : memref<1000x16384xf32, #tpu.memory_space<hbm>> -> memref<128x128xf32, #tpu.memory_space<hbm>>
        %dma_wait3A_305 = arith.constant 0 : i32
        %dma_wait3A_306 = arith.constant 0 : i32
        %dma_wait3A_307 = tpu.memref_slice %arg8[%dma_wait3A_305, %dma_wait3A_306] : memref<128x128xf32, #tpu.memory_space<vmem>> -> memref<128x128xf32, #tpu.memory_space<vmem>>
        tpu.wait_dma2 semaphore(%arg12 : memref<!tpu.dma_semaphore, #tpu.memory_space<semaphore_mem>>) src(%dma_wait3A_307 : memref<128x128xf32, #tpu.memory_space<vmem>>) dst(%dma_wait3A_304 : memref<128x128xf32, #tpu.memory_space<hbm>>)
      } else {
      }
      %gt3A = arith.constant 0 : i32
      %gt3A_241 = arith.cmpi sgt, %scan3A_205, %gt3A : i32
      %convert_element_type3A_242 = arith.extui %gt3A_241 : i1 to i32
      %cond3A_243 = arith.constant 0 : i32
      %cond3A_244 = arith.cmpi ne, %convert_element_type3A_242, %cond3A_243 : i32
      scf.if %cond3A_244 {
        %sub3A_292 = arith.constant 1 : i32
        %sub3A_293 = arith.subi %add3A_208, %sub3A_292 : i32
        %jit3A_294 = arith.constant 4 : i32
        %div3A_295 = arith.divsi %sub3A_293, %jit3A_294 : i32
        %sign3A_296 = arith.constant 0 : i32
        %sign3A_297 = arith.cmpi sgt, %sub3A_293, %sign3A_296 : i32
        %sign3A_298 = arith.extui %sign3A_297 : i1 to i32
        %sign3A_299 = arith.constant 0 : i32
        %sign3A_300 = arith.cmpi slt, %sub3A_293, %sign3A_299 : i32
        %sign3A_301 = arith.extui %sign3A_300 : i1 to i32
        %sign3A_302 = arith.subi %sign3A_298, %sign3A_301 : i32
        %sign3A_303 = arith.constant 0 : i32
        %sign3A_304 = arith.cmpi sgt, %jit3A_294, %sign3A_303 : i32
        %sign3A_305 = arith.extui %sign3A_304 : i1 to i32
        %sign3A_306 = arith.constant 0 : i32
        %sign3A_307 = arith.cmpi slt, %jit3A_294, %sign3A_306 : i32
        %sign3A_308 = arith.extui %sign3A_307 : i1 to i32
        %sign3A_309 = arith.subi %sign3A_305, %sign3A_308 : i32
        %ne3A_310 = arith.cmpi ne, %sign3A_302, %sign3A_309 : i32
        %rem3A_311 = arith.remsi %sub3A_293, %jit3A_294 : i32
        %ne3A_312 = arith.constant 0 : i32
        %ne3A_313 = arith.cmpi ne, %rem3A_311, %ne3A_312 : i32
        %and3A_314 = arith.andi %ne3A_310, %ne3A_313 : i1
        %sub3A_315 = arith.constant 1 : i32
        %sub3A_316 = arith.subi %div3A_295, %sub3A_315 : i32
        %select_n3A_317 = arith.select %and3A_314, %sub3A_316, %div3A_295 : i32
        %rem3A_318 = arith.constant 4 : i32
        %rem3A_319 = arith.remsi %sub3A_293, %rem3A_318 : i32
        %mul3A_320 = arith.constant 128 : i32
        %mul3A_321 = arith.muli %select_n3A_317, %mul3A_320 : i32
        %multiple_of3A_322 = tpu.assume_multiple %mul3A_321, 128 : i32
        %mul3A_323 = arith.constant 128 : i32
        %mul3A_324 = arith.muli %rem3A_319, %mul3A_323 : i32
        %add3A_325 = arith.addi %mul3A_2, %mul3A_324 : i32
        %dma_wait3A_326 = arith.constant 0 : i32
        %dma_wait3A_327 = arith.constant 0 : i32
        %dma_wait3A_328 = tpu.memref_slice %arg8[%dma_wait3A_326, %dma_wait3A_327] : memref<128x128xf32, #tpu.memory_space<vmem>> -> memref<104x128xf32, #tpu.memory_space<vmem>>
        %dma_wait3A_329 = tpu.memref_slice %arg4[%multiple_of3A_322, %add3A_325] : memref<1000x16384xf32, #tpu.memory_space<hbm>> -> memref<104x128xf32, #tpu.memory_space<hbm>>
        %dma_wait3A_330 = tpu.memref_slice %arg4[%multiple_of3A_322, %add3A_325] : memref<1000x16384xf32, #tpu.memory_space<hbm>> -> memref<104x128xf32, #tpu.memory_space<hbm>>
        %dma_wait3A_331 = arith.constant 0 : i32
        %dma_wait3A_332 = arith.constant 0 : i32
        %dma_wait3A_333 = tpu.memref_slice %arg8[%dma_wait3A_331, %dma_wait3A_332] : memref<128x128xf32, #tpu.memory_space<vmem>> -> memref<104x128xf32, #tpu.memory_space<vmem>>
        tpu.wait_dma2 semaphore(%arg12 : memref<!tpu.dma_semaphore, #tpu.memory_space<semaphore_mem>>) src(%dma_wait3A_333 : memref<104x128xf32, #tpu.memory_space<vmem>>) dst(%dma_wait3A_330 : memref<104x128xf32, #tpu.memory_space<hbm>>)
      } else {
      }
      %parallel_loop3A = arith.constant 0 : i32
      %parallel_loop3A_245 = arith.constant 64 : i32
      %parallel_loop3A_246 = arith.constant 1 : i32
      scf.for %parallel_loop3A_292 = %parallel_loop3A to %parallel_loop3A_245 step %parallel_loop3A_246  : i32 {
        %parallel_loop3A_293 = arith.constant 3 : i32
        %parallel_loop3A_294 = arith.shrui %parallel_loop3A_292, %parallel_loop3A_293 : i32
        %parallel_loop3A_295 = arith.constant 7 : i32
        %parallel_loop3A_296 = arith.andi %parallel_loop3A_292, %parallel_loop3A_295 : i32
        %parallel_loop3A_297 = arith.constant 16 : i32
        %parallel_loop3A_298 = arith.muli %parallel_loop3A_294, %parallel_loop3A_297 : i32
        %parallel_loop3A_299 = arith.constant 16 : i32
        %parallel_loop3A_300 = arith.muli %parallel_loop3A_296, %parallel_loop3A_299 : i32
        %parallel_loop3A_301 = arith.constant 128 : i32
        %parallel_loop3A_302 = arith.muli %parallel_loop3A_298, %parallel_loop3A_301 : i32
        %parallel_loop3A_303 = arith.addi %parallel_loop3A_302, %parallel_loop3A_300 : i32
        %parallel_loop3A_304 = vector.broadcast %parallel_loop3A_303 : i32 to vector<16xi32>
        %parallel_loop3A_305 = arith.addi %broadcast_in_dim3A_3, %parallel_loop3A_304 : vector<16xi32>
        %parallel_loop3A_306 = arith.addi %parallel_loop3A_305, %iota3A : vector<16xi32>
        %parallel_loop3A_307 = arith.constant 128 : i32
        %parallel_loop3A_308 = arith.muli %parallel_loop3A_300, %parallel_loop3A_307 : i32
        %parallel_loop3A_309 = arith.addi %parallel_loop3A_308, %parallel_loop3A_298 : i32
        %parallel_loop3A_310 = vector.broadcast %parallel_loop3A_309 : i32 to vector<16xi32>
        %parallel_loop3A_311 = arith.addi %broadcast_in_dim3A_3, %parallel_loop3A_310 : vector<16xi32>
        %parallel_loop3A_312 = arith.addi %parallel_loop3A_311, %mul3A_6 : vector<16xi32>
        %parallel_loop3A_313 = arith.addi %parallel_loop3A_306, %mul3A_104 : vector<16xi32>
        %parallel_loop3A_314 = tpu.vector_load_idx %arg6[%broadcast_in_dim3A_3, %parallel_loop3A_313] : memref<128x128xf32, #tpu.memory_space<vmem>>[vector<16xi32>, vector<16xi32>], vector<16xf32>,
        %parallel_loop3A_315 = arith.addi %parallel_loop3A_312, %and3A_11 : vector<16xi32>
        tpu.vector_store_idx %arg8[%broadcast_in_dim3A_3, %parallel_loop3A_315], %parallel_loop3A_314 : memref<128x128xf32, #tpu.memory_space<vmem>>[vector<16xi32>, vector<16xi32>], vector<16xf32>,
        %parallel_loop3A_316 = arith.addi %parallel_loop3A_306, %mul3A_107 : vector<16xi32>
        %parallel_loop3A_317 = tpu.vector_load_idx %arg6[%broadcast_in_dim3A_3, %parallel_loop3A_316] : memref<128x128xf32, #tpu.memory_space<vmem>>[vector<16xi32>, vector<16xi32>], vector<16xf32>,
        %parallel_loop3A_318 = arith.addi %parallel_loop3A_312, %and3A_17 : vector<16xi32>
        tpu.vector_store_idx %arg8[%broadcast_in_dim3A_3, %parallel_loop3A_318], %parallel_loop3A_317 : memref<128x128xf32, #tpu.memory_space<vmem>>[vector<16xi32>, vector<16xi32>], vector<16xf32>,
        %parallel_loop3A_319 = arith.addi %parallel_loop3A_306, %mul3A_110 : vector<16xi32>
        %parallel_loop3A_320 = tpu.vector_load_idx %arg6[%broadcast_in_dim3A_3, %parallel_loop3A_319] : memref<128x128xf32, #tpu.memory_space<vmem>>[vector<16xi32>, vector<16xi32>], vector<16xf32>,
        %parallel_loop3A_321 = arith.addi %parallel_loop3A_312, %and3A_23 : vector<16xi32>
        tpu.vector_store_idx %arg8[%broadcast_in_dim3A_3, %parallel_loop3A_321], %parallel_loop3A_320 : memref<128x128xf32, #tpu.memory_space<vmem>>[vector<16xi32>, vector<16xi32>], vector<16xf32>,
        %parallel_loop3A_322 = arith.addi %parallel_loop3A_306, %mul3A_113 : vector<16xi32>
        %parallel_loop3A_323 = tpu.vector_load_idx %arg6[%broadcast_in_dim3A_3, %parallel_loop3A_322] : memref<128x128xf32, #tpu.memory_space<vmem>>[vector<16xi32>, vector<16xi32>], vector<16xf32>,
        %parallel_loop3A_324 = arith.addi %parallel_loop3A_312, %and3A_29 : vector<16xi32>
        tpu.vector_store_idx %arg8[%broadcast_in_dim3A_3, %parallel_loop3A_324], %parallel_loop3A_323 : memref<128x128xf32, #tpu.memory_space<vmem>>[vector<16xi32>, vector<16xi32>], vector<16xf32>,
        %parallel_loop3A_325 = arith.addi %parallel_loop3A_306, %mul3A_116 : vector<16xi32>
        %parallel_loop3A_326 = tpu.vector_load_idx %arg6[%broadcast_in_dim3A_3, %parallel_loop3A_325] : memref<128x128xf32, #tpu.memory_space<vmem>>[vector<16xi32>, vector<16xi32>], vector<16xf32>,
        %parallel_loop3A_327 = arith.addi %parallel_loop3A_312, %and3A_35 : vector<16xi32>
        tpu.vector_store_idx %arg8[%broadcast_in_dim3A_3, %parallel_loop3A_327], %parallel_loop3A_326 : memref<128x128xf32, #tpu.memory_space<vmem>>[vector<16xi32>, vector<16xi32>], vector<16xf32>,
        %parallel_loop3A_328 = arith.addi %parallel_loop3A_306, %mul3A_119 : vector<16xi32>
        %parallel_loop3A_329 = tpu.vector_load_idx %arg6[%broadcast_in_dim3A_3, %parallel_loop3A_328] : memref<128x128xf32, #tpu.memory_space<vmem>>[vector<16xi32>, vector<16xi32>], vector<16xf32>,
        %parallel_loop3A_330 = arith.addi %parallel_loop3A_312, %and3A_41 : vector<16xi32>
        tpu.vector_store_idx %arg8[%broadcast_in_dim3A_3, %parallel_loop3A_330], %parallel_loop3A_329 : memref<128x128xf32, #tpu.memory_space<vmem>>[vector<16xi32>, vector<16xi32>], vector<16xf32>,
        %parallel_loop3A_331 = arith.addi %parallel_loop3A_306, %mul3A_122 : vector<16xi32>
        %parallel_loop3A_332 = tpu.vector_load_idx %arg6[%broadcast_in_dim3A_3, %parallel_loop3A_331] : memref<128x128xf32, #tpu.memory_space<vmem>>[vector<16xi32>, vector<16xi32>], vector<16xf32>,
        %parallel_loop3A_333 = arith.addi %parallel_loop3A_312, %and3A_47 : vector<16xi32>
        tpu.vector_store_idx %arg8[%broadcast_in_dim3A_3, %parallel_loop3A_333], %parallel_loop3A_332 : memref<128x128xf32, #tpu.memory_space<vmem>>[vector<16xi32>, vector<16xi32>], vector<16xf32>,
        %parallel_loop3A_334 = arith.addi %parallel_loop3A_306, %mul3A_125 : vector<16xi32>
        %parallel_loop3A_335 = tpu.vector_load_idx %arg6[%broadcast_in_dim3A_3, %parallel_loop3A_334] : memref<128x128xf32, #tpu.memory_space<vmem>>[vector<16xi32>, vector<16xi32>], vector<16xf32>,
        %parallel_loop3A_336 = arith.addi %parallel_loop3A_312, %and3A_53 : vector<16xi32>
        tpu.vector_store_idx %arg8[%broadcast_in_dim3A_3, %parallel_loop3A_336], %parallel_loop3A_335 : memref<128x128xf32, #tpu.memory_space<vmem>>[vector<16xi32>, vector<16xi32>], vector<16xf32>,
        %parallel_loop3A_337 = arith.addi %parallel_loop3A_306, %mul3A_128 : vector<16xi32>
        %parallel_loop3A_338 = tpu.vector_load_idx %arg6[%broadcast_in_dim3A_3, %parallel_loop3A_337] : memref<128x128xf32, #tpu.memory_space<vmem>>[vector<16xi32>, vector<16xi32>], vector<16xf32>,
        %parallel_loop3A_339 = arith.addi %parallel_loop3A_312, %and3A_59 : vector<16xi32>
        tpu.vector_store_idx %arg8[%broadcast_in_dim3A_3, %parallel_loop3A_339], %parallel_loop3A_338 : memref<128x128xf32, #tpu.memory_space<vmem>>[vector<16xi32>, vector<16xi32>], vector<16xf32>,
        %parallel_loop3A_340 = arith.addi %parallel_loop3A_306, %mul3A_131 : vector<16xi32>
        %parallel_loop3A_341 = tpu.vector_load_idx %arg6[%broadcast_in_dim3A_3, %parallel_loop3A_340] : memref<128x128xf32, #tpu.memory_space<vmem>>[vector<16xi32>, vector<16xi32>], vector<16xf32>,
        %parallel_loop3A_342 = arith.addi %parallel_loop3A_312, %and3A_65 : vector<16xi32>
        tpu.vector_store_idx %arg8[%broadcast_in_dim3A_3, %parallel_loop3A_342], %parallel_loop3A_341 : memref<128x128xf32, #tpu.memory_space<vmem>>[vector<16xi32>, vector<16xi32>], vector<16xf32>,
        %parallel_loop3A_343 = arith.addi %parallel_loop3A_306, %mul3A_134 : vector<16xi32>
        %parallel_loop3A_344 = tpu.vector_load_idx %arg6[%broadcast_in_dim3A_3, %parallel_loop3A_343] : memref<128x128xf32, #tpu.memory_space<vmem>>[vector<16xi32>, vector<16xi32>], vector<16xf32>,
        %parallel_loop3A_345 = arith.addi %parallel_loop3A_312, %and3A_71 : vector<16xi32>
        tpu.vector_store_idx %arg8[%broadcast_in_dim3A_3, %parallel_loop3A_345], %parallel_loop3A_344 : memref<128x128xf32, #tpu.memory_space<vmem>>[vector<16xi32>, vector<16xi32>], vector<16xf32>,
        %parallel_loop3A_346 = arith.addi %parallel_loop3A_306, %mul3A_137 : vector<16xi32>
        %parallel_loop3A_347 = tpu.vector_load_idx %arg6[%broadcast_in_dim3A_3, %parallel_loop3A_346] : memref<128x128xf32, #tpu.memory_space<vmem>>[vector<16xi32>, vector<16xi32>], vector<16xf32>,
        %parallel_loop3A_348 = arith.addi %parallel_loop3A_312, %and3A_77 : vector<16xi32>
        tpu.vector_store_idx %arg8[%broadcast_in_dim3A_3, %parallel_loop3A_348], %parallel_loop3A_347 : memref<128x128xf32, #tpu.memory_space<vmem>>[vector<16xi32>, vector<16xi32>], vector<16xf32>,
        %parallel_loop3A_349 = arith.addi %parallel_loop3A_306, %mul3A_140 : vector<16xi32>
        %parallel_loop3A_350 = tpu.vector_load_idx %arg6[%broadcast_in_dim3A_3, %parallel_loop3A_349] : memref<128x128xf32, #tpu.memory_space<vmem>>[vector<16xi32>, vector<16xi32>], vector<16xf32>,
        %parallel_loop3A_351 = arith.addi %parallel_loop3A_312, %and3A_83 : vector<16xi32>
        tpu.vector_store_idx %arg8[%broadcast_in_dim3A_3, %parallel_loop3A_351], %parallel_loop3A_350 : memref<128x128xf32, #tpu.memory_space<vmem>>[vector<16xi32>, vector<16xi32>], vector<16xf32>,
        %parallel_loop3A_352 = arith.addi %parallel_loop3A_306, %mul3A_143 : vector<16xi32>
        %parallel_loop3A_353 = tpu.vector_load_idx %arg6[%broadcast_in_dim3A_3, %parallel_loop3A_352] : memref<128x128xf32, #tpu.memory_space<vmem>>[vector<16xi32>, vector<16xi32>], vector<16xf32>,
        %parallel_loop3A_354 = arith.addi %parallel_loop3A_312, %and3A_89 : vector<16xi32>
        tpu.vector_store_idx %arg8[%broadcast_in_dim3A_3, %parallel_loop3A_354], %parallel_loop3A_353 : memref<128x128xf32, #tpu.memory_space<vmem>>[vector<16xi32>, vector<16xi32>], vector<16xf32>,
        %parallel_loop3A_355 = arith.addi %parallel_loop3A_306, %mul3A_146 : vector<16xi32>
        %parallel_loop3A_356 = tpu.vector_load_idx %arg6[%broadcast_in_dim3A_3, %parallel_loop3A_355] : memref<128x128xf32, #tpu.memory_space<vmem>>[vector<16xi32>, vector<16xi32>], vector<16xf32>,
        %parallel_loop3A_357 = arith.addi %parallel_loop3A_312, %and3A_95 : vector<16xi32>
        tpu.vector_store_idx %arg8[%broadcast_in_dim3A_3, %parallel_loop3A_357], %parallel_loop3A_356 : memref<128x128xf32, #tpu.memory_space<vmem>>[vector<16xi32>, vector<16xi32>], vector<16xf32>,
        %parallel_loop3A_358 = arith.addi %parallel_loop3A_306, %mul3A_149 : vector<16xi32>
        %parallel_loop3A_359 = tpu.vector_load_idx %arg6[%broadcast_in_dim3A_3, %parallel_loop3A_358] : memref<128x128xf32, #tpu.memory_space<vmem>>[vector<16xi32>, vector<16xi32>], vector<16xf32>,
        %parallel_loop3A_360 = arith.addi %parallel_loop3A_312, %and3A_101 : vector<16xi32>
        tpu.vector_store_idx %arg8[%broadcast_in_dim3A_3, %parallel_loop3A_360], %parallel_loop3A_359 : memref<128x128xf32, #tpu.memory_space<vmem>>[vector<16xi32>, vector<16xi32>], vector<16xf32>,
      } {sc.loop_unroll_factor = 4 : i64, sc.parallel_access}
      %jit3A_247 = arith.constant 4 : i32
      %div3A_248 = arith.divsi %add3A_208, %jit3A_247 : i32
      %sign3A_249 = arith.constant 0 : i32
      %sign3A_250 = arith.cmpi sgt, %add3A_208, %sign3A_249 : i32
      %sign3A_251 = arith.extui %sign3A_250 : i1 to i32
      %sign3A_252 = arith.constant 0 : i32
      %sign3A_253 = arith.cmpi slt, %add3A_208, %sign3A_252 : i32
      %sign3A_254 = arith.extui %sign3A_253 : i1 to i32
      %sign3A_255 = arith.subi %sign3A_251, %sign3A_254 : i32
      %sign3A_256 = arith.constant 0 : i32
      %sign3A_257 = arith.cmpi sgt, %jit3A_247, %sign3A_256 : i32
      %sign3A_258 = arith.extui %sign3A_257 : i1 to i32
      %sign3A_259 = arith.constant 0 : i32
      %sign3A_260 = arith.cmpi slt, %jit3A_247, %sign3A_259 : i32
      %sign3A_261 = arith.extui %sign3A_260 : i1 to i32
      %sign3A_262 = arith.subi %sign3A_258, %sign3A_261 : i32
      %ne3A_263 = arith.cmpi ne, %sign3A_255, %sign3A_262 : i32
      %rem3A_264 = arith.remsi %add3A_208, %jit3A_247 : i32
      %ne3A_265 = arith.constant 0 : i32
      %ne3A_266 = arith.cmpi ne, %rem3A_264, %ne3A_265 : i32
      %and3A_267 = arith.andi %ne3A_263, %ne3A_266 : i1
      %sub3A_268 = arith.constant 1 : i32
      %sub3A_269 = arith.subi %div3A_248, %sub3A_268 : i32
      %select_n3A_270 = arith.select %and3A_267, %sub3A_269, %div3A_248 : i32
      %rem3A_271 = arith.constant 4 : i32
      %rem3A_272 = arith.remsi %add3A_208, %rem3A_271 : i32
      %mul3A_273 = arith.constant 128 : i32
      %mul3A_274 = arith.muli %select_n3A_270, %mul3A_273 : i32
      %multiple_of3A_275 = tpu.assume_multiple %mul3A_274, 128 : i32
      %mul3A_276 = arith.constant 128 : i32
      %mul3A_277 = arith.muli %rem3A_272, %mul3A_276 : i32
      %add3A_278 = arith.addi %mul3A_2, %mul3A_277 : i32
      %dma_start3A_279 = arith.constant 0 : i32
      %dma_start3A_280 = arith.constant 0 : i32
      %dma_start3A_281 = tpu.memref_slice %arg8[%dma_start3A_279, %dma_start3A_280] : memref<128x128xf32, #tpu.memory_space<vmem>> -> memref<104x128xf32, #tpu.memory_space<vmem>>
      %dma_start3A_282 = tpu.memref_slice %arg4[%multiple_of3A_275, %add3A_278] : memref<1000x16384xf32, #tpu.memory_space<hbm>> -> memref<104x128xf32, #tpu.memory_space<hbm>>
      %dma_start3A_283 = tpu.memref_slice %arg4[%multiple_of3A_275, %add3A_278] : memref<1000x16384xf32, #tpu.memory_space<hbm>> -> memref<104x128xf32, #tpu.memory_space<hbm>>
      %dma_start3A_284 = arith.constant 0 : i32
      %dma_start3A_285 = arith.constant 0 : i32
      %dma_start3A_286 = tpu.memref_slice %arg8[%dma_start3A_284, %dma_start3A_285] : memref<128x128xf32, #tpu.memory_space<vmem>> -> memref<104x128xf32, #tpu.memory_space<vmem>>
      tpu.enqueue_dma source(%dma_start3A_286 : memref<104x128xf32, #tpu.memory_space<vmem>>) target(%dma_start3A_283 : memref<104x128xf32, #tpu.memory_space<hbm>>) target_semaphore(%arg12 : memref<!tpu.dma_semaphore, #tpu.memory_space<semaphore_mem>>)
      %lt3A = arith.constant 3 : i32
      %lt3A_287 = arith.cmpi slt, %scan3A_205, %lt3A : i32
      %convert_element_type3A_288 = arith.extui %lt3A_287 : i1 to i32
      %cond3A_289 = arith.constant 0 : i32
      %cond3A_290 = arith.cmpi ne, %convert_element_type3A_288, %cond3A_289 : i32
      scf.if %cond3A_290 {
        %add3A_292 = arith.constant 1 : i32
        %add3A_293 = arith.addi %add3A_208, %add3A_292 : i32
        %jit3A_294 = arith.constant 4 : i32
        %div3A_295 = arith.divsi %add3A_293, %jit3A_294 : i32
        %sign3A_296 = arith.constant 0 : i32
        %sign3A_297 = arith.cmpi sgt, %add3A_293, %sign3A_296 : i32
        %sign3A_298 = arith.extui %sign3A_297 : i1 to i32
        %sign3A_299 = arith.constant 0 : i32
        %sign3A_300 = arith.cmpi slt, %add3A_293, %sign3A_299 : i32
        %sign3A_301 = arith.extui %sign3A_300 : i1 to i32
        %sign3A_302 = arith.subi %sign3A_298, %sign3A_301 : i32
        %sign3A_303 = arith.constant 0 : i32
        %sign3A_304 = arith.cmpi sgt, %jit3A_294, %sign3A_303 : i32
        %sign3A_305 = arith.extui %sign3A_304 : i1 to i32
        %sign3A_306 = arith.constant 0 : i32
        %sign3A_307 = arith.cmpi slt, %jit3A_294, %sign3A_306 : i32
        %sign3A_308 = arith.extui %sign3A_307 : i1 to i32
        %sign3A_309 = arith.subi %sign3A_305, %sign3A_308 : i32
        %ne3A_310 = arith.cmpi ne, %sign3A_302, %sign3A_309 : i32
        %rem3A_311 = arith.remsi %add3A_293, %jit3A_294 : i32
        %ne3A_312 = arith.constant 0 : i32
        %ne3A_313 = arith.cmpi ne, %rem3A_311, %ne3A_312 : i32
        %and3A_314 = arith.andi %ne3A_310, %ne3A_313 : i1
        %sub3A_315 = arith.constant 1 : i32
        %sub3A_316 = arith.subi %div3A_295, %sub3A_315 : i32
        %select_n3A_317 = arith.select %and3A_314, %sub3A_316, %div3A_295 : i32
        %rem3A_318 = arith.constant 4 : i32
        %rem3A_319 = arith.remsi %add3A_293, %rem3A_318 : i32
        %mul3A_320 = arith.constant 128 : i32
        %mul3A_321 = arith.muli %rem3A_319, %mul3A_320 : i32
        %dma_start3A_322 = tpu.memref_slice %arg5[%mul3A_321] : memref<512xi32, #tpu.memory_space<vmem>> -> memref<128xi32, #tpu.memory_space<vmem>>
        %dma_start3A_323 = arith.constant 0 : i32
        %dma_start3A_324 = arith.constant 0 : i32
        %dma_start3A_325 = tpu.memref_slice %arg3[%select_n3A_317, %dma_start3A_323, %dma_start3A_324] : memref<8x1000x128xf32, #tpu.memory_space<hbm>> -> memref<1x1000x128xf32, #tpu.memory_space<hbm>>
        %dma_start3A_326 = tpu.memref_squeeze %dma_start3A_325 : memref<1x1000x128xf32, #tpu.memory_space<hbm>> -> memref<1000x128xf32, #tpu.memory_space<hbm>>
        %dma_start3A_327 = arith.constant 0 : i32
        %dma_start3A_328 = arith.constant 0 : i32
        %dma_start3A_329 = tpu.memref_slice %dma_start3A_326[%dma_start3A_327, %dma_start3A_328] : memref<1000x128xf32, #tpu.memory_space<hbm>> -> memref<1000x128xf32, #tpu.memory_space<hbm>>
        tpu.enqueue_indirect_dma source(%dma_start3A_329 : memref<1000x128xf32, #tpu.memory_space<hbm>>) target(%arg6 : memref<128x128xf32, #tpu.memory_space<vmem>>) offsets(%dma_start3A_322 : memref<128xi32, #tpu.memory_space<vmem>>) semaphore(%arg10 : memref<!tpu.dma_semaphore, #tpu.memory_space<semaphore_mem>>)
      } else {
      }
      %scan3A_291 = arith.constant 0 : i32
      scf.yield %scan3A_291 : i32
    }
    %scan3A_174 = arith.constant 4 : i32
    %rem3A_175 = arith.constant 31 : i32
    %rem3A_176 = arith.constant 4 : i32
    %rem3A_177 = arith.remsi %rem3A_175, %rem3A_176 : i32
    %multiple_of3A = arith.constant 896 : i32
    %multiple_of3A_178 = tpu.assume_multiple %multiple_of3A, 128 : i32
    %mul3A_179 = arith.constant 128 : i32
    %mul3A_180 = arith.muli %rem3A_177, %mul3A_179 : i32
    %add3A_181 = arith.addi %mul3A_2, %mul3A_180 : i32
    %dma_wait3A = arith.constant 0 : i32
    %dma_wait3A_182 = arith.constant 0 : i32
    %dma_wait3A_183 = tpu.memref_slice %arg8[%dma_wait3A, %dma_wait3A_182] : memref<128x128xf32, #tpu.memory_space<vmem>> -> memref<104x128xf32, #tpu.memory_space<vmem>>
    %dma_wait3A_184 = tpu.memref_slice %arg4[%multiple_of3A_178, %add3A_181] : memref<1000x16384xf32, #tpu.memory_space<hbm>> -> memref<104x128xf32, #tpu.memory_space<hbm>>
    %dma_wait3A_185 = tpu.memref_slice %arg4[%multiple_of3A_178, %add3A_181] : memref<1000x16384xf32, #tpu.memory_space<hbm>> -> memref<104x128xf32, #tpu.memory_space<hbm>>
    %dma_wait3A_186 = arith.constant 0 : i32
    %dma_wait3A_187 = arith.constant 0 : i32
    %dma_wait3A_188 = tpu.memref_slice %arg8[%dma_wait3A_186, %dma_wait3A_187] : memref<128x128xf32, #tpu.memory_space<vmem>> -> memref<104x128xf32, #tpu.memory_space<vmem>>
    tpu.wait_dma2 semaphore(%arg12 : memref<!tpu.dma_semaphore, #tpu.memory_space<semaphore_mem>>) src(%dma_wait3A_188 : memref<104x128xf32, #tpu.memory_space<vmem>>) dst(%dma_wait3A_185 : memref<104x128xf32, #tpu.memory_space<hbm>>)
    %rem3A_189 = arith.constant 27 : i32
    %rem3A_190 = arith.constant 4 : i32
    %rem3A_191 = arith.remsi %rem3A_189, %rem3A_190 : i32
    %multiple_of3A_192 = arith.constant 768 : i32
    %multiple_of3A_193 = tpu.assume_multiple %multiple_of3A_192, 128 : i32
    %mul3A_194 = arith.constant 128 : i32
    %mul3A_195 = arith.muli %rem3A_191, %mul3A_194 : i32
    %add3A_196 = arith.addi %mul3A_2, %mul3A_195 : i32
    %dma_wait3A_197 = arith.constant 0 : i32
    %dma_wait3A_198 = arith.constant 0 : i32
    %dma_wait3A_199 = tpu.memref_slice %arg9[%dma_wait3A_197, %dma_wait3A_198] : memref<128x128xf32, #tpu.memory_space<vmem>> -> memref<128x128xf32, #tpu.memory_space<vmem>>
    %dma_wait3A_200 = tpu.memref_slice %arg4[%multiple_of3A_193, %add3A_196] : memref<1000x16384xf32, #tpu.memory_space<hbm>> -> memref<128x128xf32, #tpu.memory_space<hbm>>
    %dma_wait3A_201 = tpu.memref_slice %arg4[%multiple_of3A_193, %add3A_196] : memref<1000x16384xf32, #tpu.memory_space<hbm>> -> memref<128x128xf32, #tpu.memory_space<hbm>>
    %dma_wait3A_202 = arith.constant 0 : i32
    %dma_wait3A_203 = arith.constant 0 : i32
    %dma_wait3A_204 = tpu.memref_slice %arg9[%dma_wait3A_202, %dma_wait3A_203] : memref<128x128xf32, #tpu.memory_space<vmem>> -> memref<128x128xf32, #tpu.memory_space<vmem>>
    tpu.wait_dma2 semaphore(%arg13 : memref<!tpu.dma_semaphore, #tpu.memory_space<semaphore_mem>>) src(%dma_wait3A_204 : memref<128x128xf32, #tpu.memory_space<vmem>>) dst(%dma_wait3A_201 : memref<128x128xf32, #tpu.memory_space<hbm>>)
    return
  }
}

</mosaic_0001>

<sc_bundles>
// kernel: kernel.3.cloned.1.call-start
scs
__scs_entry_jumppad:
0x0: {  	(pc) =	sbr.rel $0x88, $3  }
0x1: {  	(tag) =	ssettag $0x0;
	lr =	simm.s32 $0x1  }
0x2: {  	[smem:$0x3F9F] =	sst lr;
	_ =	strace $0xD0000000  }
0x3: {  	_ = 	snop  }
0x4: {  	_ = 	snop  }
0x5: {  	_ = 	snop  }
0x6: {  	_ = 	snop  }
0x7: {  	_ = 	snop  }
__scs_overlays_trampoline_lowered:
0x8: {  	[smem:$0x3FAE] =	sst s0  }
0x9: {  	[smem:$0x3FAF] =	sst s1  }
0xa: {  	[smem:$0x3FB0] =	sst s2  }
0xb: {  	[smem:$0x3FB1] =	sst s3  }
0xc: {  	[smem:$0x3FB2] =	sst s4  }
0xd: {  	[smem:$0x3FB3] =	sst s5  }
0xe: {  	[smem:$0x3FB4] =	sst s6  }
0xf: {  	[smem:$0x3FB5] =	sst s7  }
0x10: {  	[smem:$0x3FB6] =	sst s8  }
0x11: {  	[smem:$0x3FB7] =	sst s9;
	s0 =	simm.s32 @!p0 $0x0  }
0x12: {  	s1 =	sld [smem:$0x3F9D];
	s0 =	simm.s32 @p0 $0x1  }
0x13: {  	[smem:$0x3FB8] =	sst s0;
	s0 =	simm.s32 @!p1 $0x0  }
0x14: {  	s2 =	sld [smem:$0x3F9C];
	s0 =	simm.s32 @p1 $0x1  }
0x15: {  	[smem:$0x3FB9] =	sst s0;
	s0 =	simm.s32 @!p2 $0x0  }
0x16: {  	s3 =	sld [smem:$0x3FDB];
	s0 =	simm.s32 @p2 $0x1  }
0x17: {  	s4 =	simm.s32 $0x1BF5;
	[smem:$0x3FBB] =	sst s0  }
0x18: {  	s0 =	sld [smem:$0x3F9E];
	_ =	swait.ge [sflag:s4], $0x0  }
0x19: {  	s7 =	sld [smem:$0x3F9F]  }
0x1a: {  	s8 =	sadd.s32 $0xFFFFE003, lr  }
0x1b: {  	s9 =	sadd.s32 $0xFFFFFEF7, lr;
	s5 =	simm.s32 $0xFFFFFFFF;
	p2 =	slt.u32 s8, $0xFFFFF086  }
0x1c: {  	p1 =	slt.u32 s9, $0xF7A;
	s5 =	simm.s32 @!p2 $0x0  }
0x1d: {  	s5 =	simm.s32 @p1 $0x1;
	p0 =	seq.s32 s7, s2  }
0x1e: {  	s7 =	smul.u32 @!p0 $0xF7A, s2;
	p2 =	seq.s32 @!p0 s5, $0x0  }
0x1f: {  	s9 =	smul.u32 $0xF7A, s1;
	s8 =	simm.s32 @!p0 $0x1BF5;
	p2 =	por !p2, p0  }
0x20: {  	[sflag:s8] =	ssyncset.s32 @!p0 $0xFFFFF086;
	s6 =	sadd.s32 @!p0 s3, s7;
	s7 =	simm.s32 @!p0 $0x108  }
0x21: {  	s3 =	sadd.s32 s3, s9;
	s6 =	sadd.s32 @!p0 $0x88, s6;
	s7 =	simm.s32 @p2 $0x1082  }
0x22: {  	[simem:s7], [sflag:s8] =	dma.local @!p0 [hbm:s6], $0xF7A  }
0x23: {  	s9 =	sor.u32 $0xD0000000, s2;
	s6 =	simm.s32 $0x108;
	_ =	swait.ge @!p0 [sflag:s8], $0x0  }
0x24: {  	s3 =	sadd.s32 $0x88, s3;
	s6 =	simm.s32 @!p1 $0x1082;
	[sflag:s4] =	ssyncset.s32 $0xFFFFF086  }
0x25: {  	[simem:s6], [sflag:s4] =	dma.local [hbm:s3], $0xF7A  }
0x26: {  	[smem:$0x3F9F] =	sst s1;
	(tag) =	ssettag s2;
	_ =	strace s9  }
0x27: {  	s1 =	sld [smem:$0x3FAF]  }
0x28: {  	s2 =	sld [smem:$0x3FB0]  }
0x29: {  	s4 =	sld [smem:$0x3FB2]  }
0x2a: {  	p0 =	seq.s32 s5, $0x0;
	s5 =	sld [smem:$0x3FB3]  }
0x2b: {  	s6 =	sld [smem:$0x3FB4]  }
0x2c: {  	s7 =	sld [smem:$0x3FB5]  }
0x2d: {  	s3 =	simm.s32 $0x108;
	s8 =	sld [smem:$0x3FB6]  }
0x2e: {  	s3 =	simm.s32 @!p0 $0x1082;
	s9 =	sld [smem:$0x3FB7]  }
0x2f: {  	lr =	sadd.s32 s0, s3;
	s0 =	sld [smem:$0x3FAE]  }
0x30: {  	s3 =	sld [smem:$0x3FB1]  }
0x31: {  	[smem:$0x3FBA] =	sst s10  }
0x32: {  	s10 =	sld [smem:$0x3FB8];
	_ =	sdelay $0x3  }
0x33: {  	p0 =	seq.s32 s10, $0x1;
	s10 =	sld [smem:$0x3FBA];
	_ =	sdelay $0x3  }
0x34: {  	[smem:$0x3FBA] =	sst s10  }
0x35: {  	s10 =	sld [smem:$0x3FB9];
	_ =	sdelay $0x3  }
0x36: {  	p1 =	seq.s32 s10, $0x1;
	s10 =	sld [smem:$0x3FBA];
	_ =	sdelay $0x3  }
0x37: {  	[smem:$0x3FBA] =	sst s10  }
0x38: {  	s10 =	sld [smem:$0x3FBB]  }
0x39: {  	_ = 	snop;
	(pc) =	sbr.ind lr, $3  }
0x3a: {  	_ = 	snop  }
0x3b: {  	_ = 	snop  }
0x3c: {  	p2 =	seq.s32 s10, $0x1;
	s10 =	sld [smem:$0x3FBA]  }
0x3d: {  	_ =	shalt  }
0x3e: {  	_ =	shalt  }
0x3f: {  	_ =	shalt  }
0x40: {  	_ =	shalt  }
0x41: {  	_ =	shalt  }
0x42: {  	_ =	shalt  }
0x43: {  	_ =	shalt  }
0x44: {  	_ =	shalt  }
0x45: {  	_ =	shalt  }
0x46: {  	_ =	shalt  }
0x47: {  	_ =	shalt  }
0x48: {  	_ =	shalt  }
0x49: {  	_ =	shalt  }
0x4a: {  	_ =	shalt  }
0x4b: {  	_ =	shalt  }
0x4c: {  	_ =	shalt  }
0x4d: {  	_ =	shalt  }
0x4e: {  	_ =	shalt  }
0x4f: {  	_ =	shalt  }
0x50: {  	_ =	shalt  }
0x51: {  	_ =	shalt  }
0x52: {  	_ =	shalt  }
0x53: {  	_ =	shalt  }
0x54: {  	_ =	shalt  }
0x55: {  	_ =	shalt  }
0x56: {  	_ =	shalt  }
0x57: {  	_ =	shalt  }
0x58: {  	_ =	shalt  }
0x59: {  	_ =	shalt  }
0x5a: {  	_ =	shalt  }
0x5b: {  	_ =	shalt  }
0x5c: {  	_ =	shalt  }
0x5d: {  	_ =	shalt  }
0x5e: {  	_ =	shalt  }
0x5f: {  	_ =	shalt  }
0x60: {  	_ =	shalt  }
0x61: {  	_ =	shalt  }
0x62: {  	_ =	shalt  }
0x63: {  	_ =	shalt  }
0x64: {  	_ =	shalt  }
0x65: {  	_ =	shalt  }
0x66: {  	_ =	shalt  }
0x67: {  	_ =	shalt  }
0x68: {  	_ =	shalt  }
0x69: {  	_ =	shalt  }
0x6a: {  	_ =	shalt  }
0x6b: {  	_ =	shalt  }
0x6c: {  	_ =	shalt  }
0x6d: {  	_ =	shalt  }
0x6e: {  	_ =	shalt  }
0x6f: {  	_ =	shalt  }
0x70: {  	_ =	shalt  }
0x71: {  	_ =	shalt  }
0x72: {  	_ =	shalt  }
0x73: {  	_ =	shalt  }
0x74: {  	_ =	shalt  }
0x75: {  	_ =	shalt  }
0x76: {  	_ =	shalt  }
0x77: {  	_ =	shalt  }
0x78: {  	_ =	shalt  }
0x79: {  	_ =	shalt  }
0x7a: {  	_ =	shalt  }
0x7b: {  	_ =	shalt  }
0x7c: {  	_ =	shalt  }
0x7d: {  	_ =	shalt  }
0x7e: {  	_ =	shalt  }
0x7f: {  	_ =	shalt  }
0x80: {  	_ =	shalt  }
0x81: {  	_ =	shalt  }
0x82: {  	_ =	shalt  }
0x83: {  	_ =	shalt  }
0x84: {  	_ =	shalt  }
0x85: {  	_ =	shalt  }
0x86: {  	_ =	shalt  }
0x87: {  	_ =	shalt  }
.Lfunc_end0:
.L_simem_size_0:
called_computation_lowered:
.L_overlay_start_0:
0x88: {  	s2 =	sld [smem:$0x3FD9]  }
0x89: {  	s3 =	sld [smem:$0x3FFE];
	_ =	sdelay $0x1  }
0x8a: {  	s1 =	srdreg.scid  }
0x8b: {  	s0 =	sand.u32 $0x1, s1  }
0x8c: {  	s17 =	sshll.u32 s0, $0xA;
	s2 =	sadd.s32 s3, s2  }
0x8d: {  	s2 =	sadd.s32 s2, s17  }
0x8e: {  	[smem:$0x3FC6] =	sst s2  }
0x8f: {  	_ = 	snop  }
0x90: {  	s2 =	sld [smem:$0x3FC9]  }
0x91: {  	s18 =	sld [smem:$0x3FD0];
	(tm) =	ssettm $0x1  }
0x92: {  	s4 =	sld [smem:$0x3FFB];
	_ =	sdelay $0x3  }
0x93: {  	_ =	strace s4  }
0x94: {  	s4 =	sld [smem:$0x3FFC];
	_ =	sdelay $0x3  }
0x95: {  	_ =	strace s4  }
0x96: {  	s4 =	sld [smem:$0x3FFD];
	_ =	sdelay $0x3  }
0x97: {  	_ =	strace s4  }
0x98: {  	_ =	strace $0x8FFFFFFF  }
0x99: {  	s19 =	sld [smem:$0x3FDB];
	_ =	sdelay $0x1  }
0x9a: {  	s5 =	simm.s32 $_scs_section_size  }
0x9b: {  	s6 =	simm.s32 $_size__tile_overlayer_lowered;
	s7 =	simm.s32 $_tile_overlayer_lowered  }
0x9c: {  	s22 =	simm.s32 $0x1BFF;
	s21 =	sshll.u32 s7, $0x1;
	s4 =	sadd.s32 s5, s19  }
0x9d: {  	s8 =	simm.s32 $0x0;
	s20 =	sshll.u32 s6, $0x1;
	s6 =	sadd.s32 s21, s4  }
0x9e: {  	[timem:s8], [sflag:s22] =	dma.local [hbm:s6], s20  }
0x9f: {  	_ =	swait.ge [sflag:s22], s20  }
0xa0: {  	s5 =	ssub.s32 $0x0, s20;
	[sflag:s22] =	ssyncset.done $0x0  }
0xa1: {  	[sflag:s22] =	ssyncadd.s32 s5;
	_ =	sdelay $0x1  }
0xa2: {  	s23 =	simm.s32 $0x1B8B  }
0xa3: {  	_ =	swait.ge [sflag:s23], $0x1  }
0xa4: {  	[sflag:s23] =	ssyncset.done $0x0  }
0xa5: {  	s25 =	simm.s32 $0x1B8E;
	s24 =	sld [smem:$0x3FFE];
	[sflag:s23] =	ssyncadd.s32 $0xFFFFFFFF  }
0xa6: {  	s26 =	simm.s32 $execute0_lowered;
	[smem:$0x3FD2] =	sst s25  }
0xa7: {  	s6 =	sshll.u32 s26, $0x1;
	_ =	strace $0x80000046;
	[dreg:$0x1] =	wrdreg $0xFFFFFFFF  }
0xa8: {  	s28 =	simm.s32 $_size_execute0_lowered;
	s4 =	sadd.s32 s4, s6;
	[dreg:$0x0] =	wrdreg $0x0  }
0xa9: {  	s6 =	sshll.u32 s28, $0x1;
	[dreg:$0x2] =	wrdreg s4  }
0xaa: {  	[dreg:$0x3] =	wrdreg s6  }
0xab: {  	[dreg:$0x4] =	wrdreg $0xC0  }
0xac: {  	_ =	task [dreg:s8], $0x5FFFF  }
0xad: {  	[dreg:$0x1] =	wrdreg $0xFFFFFFFF  }
0xae: {  	[dreg:$0x0] =	wrdreg $0x60  }
0xaf: {  	[dreg:$0x2] =	wrdreg s2  }
0xb0: {  	[dreg:$0x3] =	wrdreg s24  }
0xb1: {  	[dreg:$0x4] =	wrdreg s18  }
0xb2: {  	[dreg:$0x5] =	wrdreg $0x9  }
0xb3: {  	_ =	task.clear_ibuf [dreg:s8], $0x6FFFF;
	_ =	strace $0x90000046  }
0xb4: {  	s29 =	simm.s32 $0x9;
	_ =	strace $0x80000048  }
0xb5: {  	_ =	swait.ge [sflag:s29], $0x1  }
0xb6: {  	[sflag:s29] =	ssyncadd.s32 $0xFFFFFFFF  }
0xb7: {  	_ =	strace $0x90000048  }
0xb8: {  	_ =	sfence  }
0xb9: {  	s30 =	sld [smem:$0x0];
	_ =	sdelay $0x2  }
0xba: {  	s31 =	sshll.u32 s1, $0xD;
	s1 =	sshrl.u32 s1, $0x2  }
0xbb: {  	s3 =	sand.u32 $0x4000, s31;
	s1 =	sadd.s32 s1, s30  }
0xbc: {  	s0 =	sor.u32 s3, s0;
	s1 =	sshll.u32 s1, $0x11  }
0xbd: {  	s0 =	sor.u32 s1, s0  }
0xbe: {  	s0 =	sadd.s32 $0x8F2B, s0  }
0xbf: {  	[sflag:s0] =	ssyncadd.remote.s32 $0x1  }
0xc0: {  	_ =	sfence.sel $0xFFFF  }
0xc1: {  	[dreg:$0x0] =	wrdreg $0xFFFFFFFF;
	(pc) =	sbr.abs _section_cstart, $3  }
0xc2: {  	[dreg:$0x1] =	wrdreg $0xFFFFFFFF  }
0xc3: {  	_ =	task.clear_ibuf [dreg:s8], $0x2FFFF;
	_ =	strace $0x9FFFFFFF  }
0xc4: {  	(tm) =	ssettm $0x7FFFFFFF  }
0xc5: {  	_ =	shalt  }
tec
execute0_lowered:
.L_overlay_start_1:
0x0: {  	(tag) =	ssettag $0x1  }
0x1: {  	vm14 =	vcmask $0x300;
	v0 =	vimm.s32 $0xF  }
0x2: {  	vm13 =	vcmask $0x704;
	vm12 =	vcmask $0xB08;
	vm11 =	vcmask $0xF0C  }
0x3: {  	vm10 =	vcmask $0x1310;
	vm9 =	vcmask $0x1714;
	v1 =	vlaneseq.u32  }
0x4: {  	vm6 =	vcmask $0x1B18;
	vm0 =	vcmask $0x1F1C;
	v3 =	vimm.s32 $0x8F  }
0x5: {  	vm1 =	vcmask $0x2320;
	vm2 =	vcmask $0x2724;
	vm3 =	vcmask $0x2B28  }
0x6: {  	vm4 =	vcmask $0x2F2C;
	vm5 =	vcmask $0x3330;
	vm7 =	vcmask $0x3734  }
0x7: {  	vm8 =	vcmask $0x3B38;
	v4 =	vimm.s32 $0x781;
	v5 =	vimm.s32 $0x10F  }
0x8: {  	v6 =	vimm.s32 $0x782;
	v7 =	vimm.s32 $0x18F;
	v8 =	vimm.s32 $0x783  }
0x9: {  	v9 =	vimm.s32 $0x20F;
	v10 =	vimm.s32 $0x784;
	v11 =	vimm.s32 $0x28F  }
0xa: {  	v12 =	vimm.s32 $0x785;
	v13 =	vimm.s32 $0x30F;
	v14 =	vimm.s32 $0x786  }
0xb: {  	v15 =	vimm.s32 $0x38F;
	v16 =	vimm.s32 $0x787;
	v17 =	vimm.s32 $0x40F  }
0xc: {  	v18 =	vimm.s32 $0x788;
	v19 =	vimm.s32 $0x48F;
	v20 =	vimm.s32 $0x789  }
0xd: {  	v21 =	vimm.s32 $0x50F;
	v22 =	vimm.s32 $0x78A;
	v23 =	vimm.s32 $0x58F  }
0xe: {  	v24 =	vimm.s32 $0x78B;
	v25 =	vimm.s32 $0x60F;
	v26 =	vimm.s32 $0x78C  }
0xf: {  	v27 =	vimm.s32 $0x68F;
	v28 =	vimm.s32 $0x78D;
	v29 =	vimm.s32 $0x70F  }
0x10: {  	v30 =	vimm.s32 $0x78E;
	v0 =	vsel vm14, $0x80, v0;
	v3 =	vsel vm14, $0x100, v3  }
0x11: {  	v4 =	vsel vm14, $0x2, v4;
	v5 =	vsel vm14, $0x180, v5;
	v6 =	vsel vm14, $0x3, v6  }
0x12: {  	v7 =	vsel vm14, $0x200, v7;
	v8 =	vsel vm14, $0x4, v8;
	v9 =	vsel vm14, $0x280, v9  }
0x13: {  	v10 =	vsel vm14, $0x5, v10;
	v11 =	vsel vm14, $0x300, v11;
	v12 =	vsel vm14, $0x6, v12  }
0x14: {  	v13 =	vsel vm14, $0x380, v13;
	v14 =	vsel vm14, $0x7, v14;
	v15 =	vsel vm14, $0x400, v15  }
0x15: {  	v16 =	vsel vm14, $0x8, v16;
	v17 =	vsel vm14, $0x480, v17;
	v18 =	vsel vm14, $0x9, v18  }
0x16: {  	v19 =	vsel vm14, $0x500, v19;
	v20 =	vsel vm14, $0xA, v20;
	v21 =	vsel vm14, $0x580, v21  }
0x17: {  	v22 =	vsel vm14, $0xB, v22;
	v23 =	vsel vm14, $0x600, v23;
	v24 =	vsel vm14, $0xC, v24  }
0x18: {  	v25 =	vsel vm14, $0x680, v25;
	v26 =	vsel vm14, $0xD, v26;
	v27 =	vsel vm14, $0x700, v27  }
0x19: {  	v28 =	vsel vm14, $0xE, v28;
	v29 =	vsel vm14, $0x780, v29;
	v30 =	vsel vm14, $0xF, v30  }
0x1a: {  	v0 =	vsel vm13, $0x101, v0;
	v3 =	vsel vm13, $0x181, v3;
	v4 =	vsel vm13, $0x83, v4  }
0x1b: {  	v5 =	vsel vm13, $0x201, v5;
	v6 =	vsel vm13, $0x84, v6;
	v7 =	vsel vm13, $0x281, v7  }
0x1c: {  	v8 =	vsel vm13, $0x85, v8;
	v9 =	vsel vm13, $0x301, v9;
	v10 =	vsel vm13, $0x86, v10  }
0x1d: {  	v11 =	vsel vm13, $0x381, v11;
	v12 =	vsel vm13, $0x87, v12;
	v13 =	vsel vm13, $0x401, v13  }
0x1e: {  	v14 =	vsel vm13, $0x88, v14;
	v15 =	vsel vm13, $0x481, v15;
	v16 =	vsel vm13, $0x89, v16  }
0x1f: {  	v17 =	vsel vm13, $0x501, v17;
	v18 =	vsel vm13, $0x8A, v18;
	v19 =	vsel vm13, $0x581, v19  }
0x20: {  	v20 =	vsel vm13, $0x8B, v20;
	v21 =	vsel vm13, $0x601, v21;
	v22 =	vsel vm13, $0x8C, v22  }
0x21: {  	v23 =	vsel vm13, $0x681, v23;
	v24 =	vsel vm13, $0x8D, v24;
	v25 =	vsel vm13, $0x701, v25  }
0x22: {  	v26 =	vsel vm13, $0x8E, v26;
	v27 =	vsel vm13, $0x781, v27;
	v28 =	vsel vm13, $0x8F, v28  }
0x23: {  	v29 =	vsel vm13, $0x1, v29;
	v30 =	vsel vm13, $0x80, v30;
	v0 =	vsel vm12, $0x182, v0  }
0x24: {  	v3 =	vsel vm12, $0x202, v3;
	v4 =	vsel vm12, $0x104, v4;
	v5 =	vsel vm12, $0x282, v5  }
0x25: {  	v6 =	vsel vm12, $0x105, v6;
	v7 =	vsel vm12, $0x302, v7;
	v8 =	vsel vm12, $0x106, v8  }
0x26: {  	v9 =	vsel vm12, $0x382, v9;
	v10 =	vsel vm12, $0x107, v10;
	v11 =	vsel vm12, $0x402, v11  }
0x27: {  	v12 =	vsel vm12, $0x108, v12;
	v13 =	vsel vm12, $0x482, v13;
	v14 =	vsel vm12, $0x109, v14  }
0x28: {  	v15 =	vsel vm12, $0x502, v15;
	v16 =	vsel vm12, $0x10A, v16;
	v17 =	vsel vm12, $0x582, v17  }
0x29: {  	v18 =	vsel vm12, $0x10B, v18;
	v19 =	vsel vm12, $0x602, v19;
	v20 =	vsel vm12, $0x10C, v20  }
0x2a: {  	v21 =	vsel vm12, $0x682, v21;
	v22 =	vsel vm12, $0x10D, v22;
	v23 =	vsel vm12, $0x702, v23  }
0x2b: {  	v24 =	vsel vm12, $0x10E, v24;
	v25 =	vsel vm12, $0x782, v25;
	v26 =	vsel vm12, $0x10F, v26  }
0x2c: {  	v27 =	vsel vm12, $0x2, v27;
	v28 =	vsel vm12, $0x100, v28;
	v29 =	vsel vm12, $0x82, v29  }
0x2d: {  	v30 =	vsel vm12, $0x101, v30;
	v0 =	vsel vm11, $0x203, v0;
	v3 =	vsel vm11, $0x283, v3  }
0x2e: {  	v4 =	vsel vm11, $0x185, v4;
	v5 =	vsel vm11, $0x303, v5;
	v6 =	vsel vm11, $0x186, v6  }
0x2f: {  	v7 =	vsel vm11, $0x383, v7;
	v8 =	vsel vm11, $0x187, v8;
	v9 =	vsel vm11, $0x403, v9  }
0x30: {  	v10 =	vsel vm11, $0x188, v10;
	v11 =	vsel vm11, $0x483, v11;
	v12 =	vsel vm11, $0x189, v12  }
0x31: {  	v13 =	vsel vm11, $0x503, v13;
	v14 =	vsel vm11, $0x18A, v14;
	v15 =	vsel vm11, $0x583, v15  }
0x32: {  	v16 =	vsel vm11, $0x18B, v16;
	v17 =	vsel vm11, $0x603, v17;
	v18 =	vsel vm11, $0x18C, v18  }
0x33: {  	v19 =	vsel vm11, $0x683, v19;
	v20 =	vsel vm11, $0x18D, v20;
	v21 =	vsel vm11, $0x703, v21  }
0x34: {  	v22 =	vsel vm11, $0x18E, v22;
	v23 =	vsel vm11, $0x783, v23;
	v24 =	vsel vm11, $0x18F, v24  }
0x35: {  	v25 =	vsel vm11, $0x3, v25;
	v26 =	vsel vm11, $0x180, v26;
	v27 =	vsel vm11, $0x83, v27  }
0x36: {  	v28 =	vsel vm11, $0x181, v28;
	v29 =	vsel vm11, $0x103, v29;
	v30 =	vsel vm11, $0x182, v30  }
0x37: {  	v0 =	vsel vm10, $0x284, v0;
	v3 =	vsel vm10, $0x304, v3;
	v4 =	vsel vm10, $0x206, v4  }
0x38: {  	v5 =	vsel vm10, $0x384, v5;
	v6 =	vsel vm10, $0x207, v6;
	v7 =	vsel vm10, $0x404, v7  }
0x39: {  	v8 =	vsel vm10, $0x208, v8;
	v9 =	vsel vm10, $0x484, v9;
	v10 =	vsel vm10, $0x209, v10  }
0x3a: {  	v11 =	vsel vm10, $0x504, v11;
	v12 =	vsel vm10, $0x20A, v12;
	v13 =	vsel vm10, $0x584, v13  }
0x3b: {  	v14 =	vsel vm10, $0x20B, v14;
	v15 =	vsel vm10, $0x604, v15;
	v16 =	vsel vm10, $0x20C, v16  }
0x3c: {  	v17 =	vsel vm10, $0x684, v17;
	v18 =	vsel vm10, $0x20D, v18;
	v19 =	vsel vm10, $0x704, v19  }
0x3d: {  	v20 =	vsel vm10, $0x20E, v20;
	v21 =	vsel vm10, $0x784, v21;
	v22 =	vsel vm10, $0x20F, v22  }
0x3e: {  	v23 =	vsel vm10, $0x4, v23;
	v24 =	vsel vm10, $0x200, v24;
	v25 =	vsel vm10, $0x84, v25  }
0x3f: {  	v26 =	vsel vm10, $0x201, v26;
	v27 =	vsel vm10, $0x104, v27;
	v28 =	vsel vm10, $0x202, v28  }
0x40: {  	v29 =	vsel vm10, $0x184, v29;
	v30 =	vsel vm10, $0x203, v30;
	v2 =	vsel vm9, $0x305, v0  }
0x41: {  	v0 =	vmul.u32 $0x81, v1;
	v3 =	vsel vm9, $0x385, v3;
	v4 =	vsel vm9, $0x287, v4  }
0x42: {  	v5 =	vsel vm9, $0x405, v5;
	v6 =	vsel vm9, $0x288, v6;
	v7 =	vsel vm9, $0x485, v7  }
0x43: {  	v8 =	vsel vm9, $0x289, v8;
	v9 =	vsel vm9, $0x505, v9;
	v10 =	vsel vm9, $0x28A, v10  }
0x44: {  	v11 =	vsel vm9, $0x585, v11;
	v12 =	vsel vm9, $0x28B, v12;
	v13 =	vsel vm9, $0x605, v13  }
0x45: {  	v14 =	vsel vm9, $0x28C, v14;
	v15 =	vsel vm9, $0x685, v15;
	v16 =	vsel vm9, $0x28D, v16  }
0x46: {  	v17 =	vsel vm9, $0x705, v17;
	v18 =	vsel vm9, $0x28E, v18;
	v19 =	vsel vm9, $0x785, v19  }
0x47: {  	v20 =	vsel vm9, $0x28F, v20;
	v21 =	vsel vm9, $0x5, v21;
	v22 =	vsel vm9, $0x280, v22  }
0x48: {  	v23 =	vsel vm9, $0x85, v23;
	v24 =	vsel vm9, $0x281, v24;
	v25 =	vsel vm9, $0x105, v25  }
0x49: {  	v26 =	vsel vm9, $0x282, v26;
	v27 =	vsel vm9, $0x185, v27;
	v28 =	vsel vm9, $0x283, v28  }
0x4a: {  	v29 =	vsel vm9, $0x205, v29;
	v30 =	vsel vm9, $0x284, v30;
	v1 =	vsel vm6, $0x386, v2  }
0x4b: {  	v2 =	vimm.s32 $0x780;
	v3 =	vsel vm6, $0x406, v3;
	v4 =	vsel vm6, $0x308, v4  }
0x4c: {  	v5 =	vsel vm6, $0x486, v5;
	v6 =	vsel vm6, $0x309, v6;
	v7 =	vsel vm6, $0x506, v7  }
0x4d: {  	v8 =	vsel vm6, $0x30A, v8;
	v9 =	vsel vm6, $0x586, v9;
	v10 =	vsel vm6, $0x30B, v10  }
0x4e: {  	v11 =	vsel vm6, $0x606, v11;
	v12 =	vsel vm6, $0x30C, v12;
	v13 =	vsel vm6, $0x686, v13  }
0x4f: {  	v14 =	vsel vm6, $0x30D, v14;
	v15 =	vsel vm6, $0x706, v15;
	v16 =	vsel vm6, $0x30E, v16  }
0x50: {  	v17 =	vsel vm6, $0x786, v17;
	v18 =	vsel vm6, $0x30F, v18;
	v19 =	vsel vm6, $0x6, v19  }
0x51: {  	v20 =	vsel vm6, $0x300, v20;
	v21 =	vsel vm6, $0x86, v21;
	v22 =	vsel vm6, $0x301, v22  }
0x52: {  	v23 =	vsel vm6, $0x106, v23;
	v24 =	vsel vm6, $0x302, v24;
	v25 =	vsel vm6, $0x186, v25  }
0x53: {  	v26 =	vsel vm6, $0x303, v26;
	v27 =	vsel vm6, $0x206, v27;
	v28 =	vsel vm6, $0x304, v28  }
0x54: {  	v29 =	vsel vm6, $0x286, v29;
	v30 =	vsel vm6, $0x305, v30;
	v1 =	vsel vm0, $0x407, v1  }
0x55: {  	v2 =	vsel vm14, $0x1, v2;
	v3 =	vsel vm0, $0x487, v3;
	v4 =	vsel vm0, $0x389, v4  }
0x56: {  	v5 =	vsel vm0, $0x507, v5;
	v6 =	vsel vm0, $0x38A, v6;
	v7 =	vsel vm0, $0x587, v7  }
0x57: {  	v8 =	vsel vm0, $0x38B, v8;
	v9 =	vsel vm0, $0x607, v9;
	v10 =	vsel vm0, $0x38C, v10  }
0x58: {  	v11 =	vsel vm0, $0x687, v11;
	v12 =	vsel vm0, $0x38D, v12;
	v13 =	vsel vm0, $0x707, v13  }
0x59: {  	v14 =	vsel vm0, $0x38E, v14;
	v15 =	vsel vm0, $0x787, v15;
	v16 =	vsel vm0, $0x38F, v16  }
0x5a: {  	v17 =	vsel vm0, $0x7, v17;
	v18 =	vsel vm0, $0x380, v18;
	v19 =	vsel vm0, $0x87, v19  }
0x5b: {  	v20 =	vsel vm0, $0x381, v20;
	v21 =	vsel vm0, $0x107, v21;
	v22 =	vsel vm0, $0x382, v22  }
0x5c: {  	v23 =	vsel vm0, $0x187, v23;
	v24 =	vsel vm0, $0x383, v24;
	v25 =	vsel vm0, $0x207, v25  }
0x5d: {  	v26 =	vsel vm0, $0x384, v26;
	v27 =	vsel vm0, $0x287, v27;
	v28 =	vsel vm0, $0x385, v28  }
0x5e: {  	v29 =	vsel vm0, $0x307, v29;
	v30 =	vsel vm0, $0x386, v30;
	v2 =	vsel vm13, $0x82, v2  }
0x5f: {  	v1 =	vsel vm1, $0x488, v1;
	v3 =	vsel vm1, $0x508, v3;
	v4 =	vsel vm1, $0x40A, v4  }
0x60: {  	v5 =	vsel vm1, $0x588, v5;
	v6 =	vsel vm1, $0x40B, v6;
	v7 =	vsel vm1, $0x608, v7  }
0x61: {  	v8 =	vsel vm1, $0x40C, v8;
	v9 =	vsel vm1, $0x688, v9;
	v10 =	vsel vm1, $0x40D, v10  }
0x62: {  	v11 =	vsel vm1, $0x708, v11;
	v12 =	vsel vm1, $0x40E, v12;
	v13 =	vsel vm1, $0x788, v13  }
0x63: {  	v14 =	vsel vm1, $0x40F, v14;
	v15 =	vsel vm1, $0x8, v15;
	v16 =	vsel vm1, $0x400, v16  }
0x64: {  	v17 =	vsel vm1, $0x88, v17;
	v18 =	vsel vm1, $0x401, v18;
	v19 =	vsel vm1, $0x108, v19  }
0x65: {  	v20 =	vsel vm1, $0x402, v20;
	v21 =	vsel vm1, $0x188, v21;
	v22 =	vsel vm1, $0x403, v22  }
0x66: {  	v23 =	vsel vm1, $0x208, v23;
	v24 =	vsel vm1, $0x404, v24;
	v25 =	vsel vm1, $0x288, v25  }
0x67: {  	v26 =	vsel vm1, $0x405, v26;
	v27 =	vsel vm1, $0x308, v27;
	v28 =	vsel vm1, $0x406, v28  }
0x68: {  	v29 =	vsel vm1, $0x388, v29;
	v30 =	vsel vm1, $0x407, v30;
	v2 =	vsel vm12, $0x103, v2  }
0x69: {  	v1 =	vsel vm2, $0x509, v1;
	v3 =	vsel vm2, $0x589, v3;
	v4 =	vsel vm2, $0x48B, v4  }
0x6a: {  	v5 =	vsel vm2, $0x609, v5;
	v6 =	vsel vm2, $0x48C, v6;
	v7 =	vsel vm2, $0x689, v7  }
0x6b: {  	v8 =	vsel vm2, $0x48D, v8;
	v9 =	vsel vm2, $0x709, v9;
	v10 =	vsel vm2, $0x48E, v10  }
0x6c: {  	v11 =	vsel vm2, $0x789, v11;
	v12 =	vsel vm2, $0x48F, v12;
	v13 =	vsel vm2, $0x9, v13  }
0x6d: {  	v14 =	vsel vm2, $0x480, v14;
	v15 =	vsel vm2, $0x89, v15;
	v16 =	vsel vm2, $0x481, v16  }
0x6e: {  	v17 =	vsel vm2, $0x109, v17;
	v18 =	vsel vm2, $0x482, v18;
	v19 =	vsel vm2, $0x189, v19  }
0x6f: {  	v20 =	vsel vm2, $0x483, v20;
	v21 =	vsel vm2, $0x209, v21;
	v22 =	vsel vm2, $0x484, v22  }
0x70: {  	v23 =	vsel vm2, $0x289, v23;
	v24 =	vsel vm2, $0x485, v24;
	v25 =	vsel vm2, $0x309, v25  }
0x71: {  	v26 =	vsel vm2, $0x486, v26;
	v27 =	vsel vm2, $0x389, v27;
	v28 =	vsel vm2, $0x487, v28  }
0x72: {  	v29 =	vsel vm2, $0x409, v29;
	v30 =	vsel vm2, $0x488, v30;
	v2 =	vsel vm11, $0x184, v2  }
0x73: {  	v1 =	vsel vm3, $0x58A, v1;
	v3 =	vsel vm3, $0x60A, v3;
	v4 =	vsel vm3, $0x50C, v4  }
0x74: {  	v5 =	vsel vm3, $0x68A, v5;
	v6 =	vsel vm3, $0x50D, v6;
	v7 =	vsel vm3, $0x70A, v7  }
0x75: {  	v8 =	vsel vm3, $0x50E, v8;
	v9 =	vsel vm3, $0x78A, v9;
	v10 =	vsel vm3, $0x50F, v10  }
0x76: {  	v11 =	vsel vm3, $0xA, v11;
	v12 =	vsel vm3, $0x500, v12;
	v13 =	vsel vm3, $0x8A, v13  }
0x77: {  	v14 =	vsel vm3, $0x501, v14;
	v15 =	vsel vm3, $0x10A, v15;
	v16 =	vsel vm3, $0x502, v16  }
0x78: {  	v17 =	vsel vm3, $0x18A, v17;
	v18 =	vsel vm3, $0x503, v18;
	v19 =	vsel vm3, $0x20A, v19  }
0x79: {  	v20 =	vsel vm3, $0x504, v20;
	v21 =	vsel vm3, $0x28A, v21;
	v22 =	vsel vm3, $0x505, v22  }
0x7a: {  	v23 =	vsel vm3, $0x30A, v23;
	v24 =	vsel vm3, $0x506, v24;
	v25 =	vsel vm3, $0x38A, v25  }
0x7b: {  	v26 =	vsel vm3, $0x507, v26;
	v27 =	vsel vm3, $0x40A, v27;
	v28 =	vsel vm3, $0x508, v28  }
0x7c: {  	v29 =	vsel vm3, $0x48A, v29;
	v30 =	vsel vm3, $0x509, v30;
	v2 =	vsel vm10, $0x205, v2  }
0x7d: {  	v1 =	vsel vm4, $0x60B, v1;
	v3 =	vsel vm4, $0x68B, v3;
	v4 =	vsel vm4, $0x58D, v4  }
0x7e: {  	v5 =	vsel vm4, $0x70B, v5;
	v6 =	vsel vm4, $0x58E, v6;
	v7 =	vsel vm4, $0x78B, v7  }
0x7f: {  	v8 =	vsel vm4, $0x58F, v8;
	v9 =	vsel vm4, $0xB, v9;
	v10 =	vsel vm4, $0x580, v10  }
0x80: {  	v11 =	vsel vm4, $0x8B, v11;
	v12 =	vsel vm4, $0x581, v12;
	v13 =	vsel vm4, $0x10B, v13  }
0x81: {  	v14 =	vsel vm4, $0x582, v14;
	v15 =	vsel vm4, $0x18B, v15;
	v16 =	vsel vm4, $0x583, v16  }
0x82: {  	v17 =	vsel vm4, $0x20B, v17;
	v18 =	vsel vm4, $0x584, v18;
	v19 =	vsel vm4, $0x28B, v19  }
0x83: {  	v20 =	vsel vm4, $0x585, v20;
	v21 =	vsel vm4, $0x30B, v21;
	v22 =	vsel vm4, $0x586, v22  }
0x84: {  	v23 =	vsel vm4, $0x38B, v23;
	v24 =	vsel vm4, $0x587, v24;
	v25 =	vsel vm4, $0x40B, v25  }
0x85: {  	v26 =	vsel vm4, $0x588, v26;
	v27 =	vsel vm4, $0x48B, v27;
	v28 =	vsel vm4, $0x589, v28  }
0x86: {  	v29 =	vsel vm4, $0x50B, v29;
	v30 =	vsel vm4, $0x58A, v30;
	v2 =	vsel vm9, $0x286, v2  }
0x87: {  	v1 =	vsel vm5, $0x68C, v1;
	v3 =	vsel vm5, $0x70C, v3;
	v4 =	vsel vm5, $0x60E, v4  }
0x88: {  	v5 =	vsel vm5, $0x78C, v5;
	v6 =	vsel vm5, $0x60F, v6;
	v7 =	vsel vm5, $0xC, v7  }
0x89: {  	v8 =	vsel vm5, $0x600, v8;
	v9 =	vsel vm5, $0x8C, v9;
	v10 =	vsel vm5, $0x601, v10  }
0x8a: {  	v11 =	vsel vm5, $0x10C, v11;
	v12 =	vsel vm5, $0x602, v12;
	v13 =	vsel vm5, $0x18C, v13  }
0x8b: {  	v14 =	vsel vm5, $0x603, v14;
	v15 =	vsel vm5, $0x20C, v15;
	v16 =	vsel vm5, $0x604, v16  }
0x8c: {  	v17 =	vsel vm5, $0x28C, v17;
	v18 =	vsel vm5, $0x605, v18;
	v19 =	vsel vm5, $0x30C, v19  }
0x8d: {  	v20 =	vsel vm5, $0x606, v20;
	v21 =	vsel vm5, $0x38C, v21;
	v22 =	vsel vm5, $0x607, v22  }
0x8e: {  	v23 =	vsel vm5, $0x40C, v23;
	v24 =	vsel vm5, $0x608, v24;
	v25 =	vsel vm5, $0x48C, v25  }
0x8f: {  	v26 =	vsel vm5, $0x609, v26;
	v27 =	vsel vm5, $0x50C, v27;
	v28 =	vsel vm5, $0x60A, v28  }
0x90: {  	v29 =	vsel vm5, $0x58C, v29;
	v30 =	vsel vm5, $0x60B, v30;
	v2 =	vsel vm6, $0x307, v2  }
0x91: {  	v1 =	vsel vm7, $0x70D, v1;
	v3 =	vsel vm7, $0x78D, v3;
	v4 =	vsel vm7, $0x68F, v4  }
0x92: {  	v5 =	vsel vm7, $0xD, v5;
	v6 =	vsel vm7, $0x680, v6;
	v7 =	vsel vm7, $0x8D, v7  }
0x93: {  	v8 =	vsel vm7, $0x681, v8;
	v9 =	vsel vm7, $0x10D, v9;
	v10 =	vsel vm7, $0x682, v10  }
0x94: {  	v11 =	vsel vm7, $0x18D, v11;
	v12 =	vsel vm7, $0x683, v12;
	v13 =	vsel vm7, $0x20D, v13  }
0x95: {  	v14 =	vsel vm7, $0x684, v14;
	v15 =	vsel vm7, $0x28D, v15;
	v16 =	vsel vm7, $0x685, v16  }
0x96: {  	v17 =	vsel vm7, $0x30D, v17;
	v18 =	vsel vm7, $0x686, v18;
	v19 =	vsel vm7, $0x38D, v19  }
0x97: {  	v20 =	vsel vm7, $0x687, v20;
	v21 =	vsel vm7, $0x40D, v21;
	v22 =	vsel vm7, $0x688, v22  }
0x98: {  	v23 =	vsel vm7, $0x48D, v23;
	v24 =	vsel vm7, $0x689, v24;
	v25 =	vsel vm7, $0x50D, v25  }
0x99: {  	v26 =	vsel vm7, $0x68A, v26;
	v27 =	vsel vm7, $0x58D, v27;
	v28 =	vsel vm7, $0x68B, v28  }
0x9a: {  	v29 =	vsel vm7, $0x60D, v29;
	v30 =	vsel vm7, $0x68C, v30;
	v2 =	vsel vm0, $0x388, v2  }
0x9b: {  	s0 =	rddreg [dreg:$0x0];
	v1 =	vsel vm8, $0x78E, v1;
	v3 =	vsel vm8, $0xE, v3;
	v4 =	vsel vm8, $0x700, v4  }
0x9c: {  	s1 =	rddreg [dreg:$0x1];
	v5 =	vsel vm8, $0x8E, v5;
	v6 =	vsel vm8, $0x701, v6;
	v7 =	vsel vm8, $0x10E, v7  }
0x9d: {  	s2 =	rddreg [dreg:$0x2];
	s3 =	srdreg.scid;
	s5 =	simm.s32 $0x0;
	v8 =	vsel vm8, $0x702, v8;
	v9 =	vsel vm8, $0x18E, v9;
	v10 =	vsel vm8, $0x703, v10  }
0x9e: {  	s4 =	stileid.u32;
	s10 =	simm.s32 $0x200;
	s3 =	sand.u32 $0x1, s3;
	v11 =	vsel vm8, $0x20E, v11;
	v12 =	vsel vm8, $0x704, v12;
	v13 =	vsel vm8, $0x28E, v13  }
0x9f: {  	[smem:$0x7FF] =	sst s5;
	s4 =	sshll.u32 s4, $0xA;
	s1 =	sadd.s32 $0x400, s1;
	v14 =	vsel vm8, $0x705, v14;
	v15 =	vsel vm8, $0x30E, v15;
	v16 =	vsel vm8, $0x706, v16  }
0xa0: {  	s28 =	sshll.u32 s3, $0x9;
	_ =	strace $0x80000047;
	s6 =	ssub.s32 $0x2, s3;
	v17 =	vsel vm8, $0x38E, v17;
	v18 =	vsel vm8, $0x707, v18;
	v2 =	vsel vm1, $0x409, v2  }
0xa1: {  	[dreg:$0x4] =	wrdreg s1;
	s4 =	sor.u32 s28, s4;
	s29 =	sshrl.u32 s6, $0x1;
	v19 =	vsel vm8, $0x40E, v19;
	v20 =	vsel vm8, $0x708, v20;
	v2 =	vsel vm2, $0x48A, v2  }
.Ltmp0:
0xa2: {  	s5 =	sshrl.u32 s4, $0x3;
	s30 =	sadd.s32 s2, s4;
	v21 =	vsel vm8, $0x48E, v21;
	v22 =	vsel vm8, $0x709, v22;
	v2 =	vsel vm3, $0x50B, v2;
	(pc) =	sbr.rel .LBB2_1-.Ltmp0, $4  }
0xa3: {  	s1 =	ssub.s32 s6, s29;
	s0 =	sadd.s32 s0, s5;
	[dreg:$0x6] =	wrdreg s30;
	v23 =	vsel vm8, $0x50E, v23;
	v24 =	vsel vm8, $0x70A, v24;
	v2 =	vsel vm4, $0x58C, v2  }
0xa4: {  	s11 =	simm.s32 $0x4200;
	s31 =	smax.u32 s1, $0x1;
	[dreg:$0x5] =	wrdreg s0;
	v25 =	vsel vm8, $0x58E, v25;
	v26 =	vsel vm8, $0x70B, v26;
	v2 =	vsel vm5, $0x60D, v2  }
0xa5: {  	s13 =	simm.s32 $0x8200;
	s0 =	sadd.s32 $0x1C0000, s30;
	[dreg:$0x8] =	wrdreg s31;
	v27 =	vsel vm8, $0x60E, v27;
	v28 =	vsel vm8, $0x70C, v28;
	v2 =	vsel vm7, $0x68E, v2  }
0xa6: {  	s17 =	simm.s32 $0xC200;
	s2 =	simm.s32 $0x0;
	[dreg:$0x7] =	wrdreg s0;
	v29 =	vsel vm8, $0x68E, v29;
	v30 =	vsel vm8, $0x70D, v30;
	v2 =	vsel vm8, $0x70F, v2  }
.LBB2_12:
0xa7: {  	s0 =	simm.s32 $0x3  }
0xa8: {  	_ =	swait.ge [sflag:s0], $0x3400  }
0xa9: {  	[sflag:s0] =	ssyncset.done $0x0  }
0xaa: {  	s1 =	simm.s32 $0x4;
	[sflag:s0] =	ssyncadd.s32 $0xFFFFCC00  }
0xab: {  	_ =	swait.ge [sflag:s1], $0x4000  }
0xac: {  	s2 =	rddreg [dreg:$0x9]  }
0xad: {  	s31 =	rddreg [dreg:$0x8];
	s2 =	sadd.s32 $0x1, s2  }
0xae: {  	p0 =	sne.s32 s2, s31  }
.Ltmp1:
0xaf: {  	_ = 	snop;
	(pc) =	sbr.rel @!p0 .LBB2_13-.Ltmp1, $3  }
0xb0: {  	_ =	sdelay $0x1  }
0xb1: {  	[sflag:s1] =	ssyncset.done $0x0  }
0xb2: {  	[sflag:s1] =	ssyncadd.s32 $0xFFFFC000  }
.LBB2_1:
0xb3: {  	[dreg:$0x9] =	wrdreg s2  }
0xb4: {  	s0 =	simm.s32 $0x0;
	s1 =	rddreg [dreg:$0x5];
	s29 =	simm.s32 $0x5  }
0xb5: {  	[tilespmem:s0], [sflag:$0x5] =	stream.linear.gather [hbm4b:s1+s0], $0x200, $0x38;
	[tilespmem:$0x10200] =	vst v63  }
0xb6: {  	_ =	swait.ge [sflag:s29], $0x200  }
0xb7: {  	s31 =	simm.s32 $0x80;
	[sflag:s29] =	ssyncset.done $0x0  }
0xb8: {  	s21 =	simm.s32 $0x0;
	s30 =	rddreg [dreg:$0x4];
	[sflag:s29] =	ssyncadd.s32 $0xFFFFFE00  }
0xb9: {  	[tilespmem:s10], [sflag:$0x1] =	stream.indirect.gather [hbm4b:s30+s31], $0x80, s0, s31, $0xb8;
	[tilespmem:$0x10200] =	vst v63  }
.LBB2_2:
0xba: {  	s24 =	sshll.u32 s21, $0x1;
	s22 =	sshrl.u32 s21, $0x1  }
0xbb: {  	s0 =	sand.u32 $0x2, s24;
	s1 =	smul.u32 $0x3E80, s22  }
0xbc: {  	s19 =	rddreg [dreg:$0x4];
	s20 =	simm.s32 $0x80;
	s0 =	sor.u32 $0x1, s0  }
0xbd: {  	s25 =	simm.s32 $0x0;
	s23 =	sshll.u32 s0, $0x7;
	s0 =	sadd.s32 s19, s1  }
0xbe: {  	[tilespmem:s11], [sflag:$0x2] =	stream.indirect.gather [hbm4b:s0+s20], $0x80, s23, s20, $0xb8;
	[tilespmem:$0x10200] =	vst v63  }
0xbf: {  	s0 =	sand.u32 $0x4, s25  }
0xc0: {  	s26 =	sor.u32 $0x1, s0  }
0xc1: {  	s2 =	simm.s32 $0x0;
	s3 =	simm.s32 $0x1;
	s4 =	sshll.u32 s26, $0x4  }
0xc2: {  	_ =	swait.ge [sflag:s3], $0x4000;
	s5 =	sor.u32 $0x3, s0;
	s9 =	sor.u32 s2, s4  }
0xc3: {  	p0 =	seq.s32 s21, $0x0;
	[sflag:s3] =	ssyncset.done $0x0;
	s7 =	sshll.u32 s5, $0x4;
	v31 =	vor.u32 s9, v0  }
0xc4: {  	s6 =	simm.s32 @!p0 $0x3;
	[sflag:s3] =	ssyncadd.s32 $0xFFFFC000;
	s28 =	sor.u32 s2, s7  }
0xc5: {  	_ =	swait.ge @!p0 [sflag:s6], $0x4000;
	v32 =	vor.u32 s28, v0  }
0xc6: {  	s1 =	sshll.u32 s26, $0xB;
	[sflag:s6] =	ssyncset.done @!p0 $0x0  }
0xc7: {  	s20 =	sadd.s32 $0x0, s1;
	[sflag:s6] =	ssyncadd.s32 @!p0 $0xFFFFC000  }
0xc8: {  	s7 =	sshll.u32 s5, $0xB;
	v33 =	vor.u32 s20, v0;
	v31 =	vld.idx.msk [tilespmem:v31+s10+$0x0], $0xffff  }
0xc9: {  	s8 =	sor.u32 $0x2, s0;
	v34 =	vor.u32 s9, v1;
	s25 =	sadd.s32 $0x0, s7  }
0xca: {  	s12 =	sshll.u32 s8, $0x4;
	v35 =	vor.u32 s25, v0;
	v32 =	vld.idx.msk [tilespmem:v32+s10+$0x0], $0xffff  }
0xcb: {  	v36 =	vor.u32 s28, v1;
	s6 =	sor.u32 s2, s12  }
0xcc: {  	v37 =	vor.u32 s6, v0  }
0xcd: {  	[tilespmem:v33+s13+$0x0] =	vst.idx.msk $0xffff, v31  }
0xce: {  	v51 =	vor.u32 s20, v2;
	v31 =	vld.idx.msk [tilespmem:v34+s10+$0x0], $0xffff  }
0xcf: {  	s14 =	sshll.u32 s8, $0xB;
	v52 =	vor.u32 s9, v3;
	[tilespmem:v35+s13+$0x0] =	vst.idx.msk $0xffff, v32  }
0xd0: {  	s29 =	sadd.s32 $0x0, s14;
	v53 =	vor.u32 s25, v2;
	v32 =	vld.idx.msk [tilespmem:v36+s10+$0x0], $0xffff  }
0xd1: {  	s15 =	sshll.u32 s0, $0x4;
	v55 =	vor.u32 s29, v0;
	v38 =	vor.u32 s28, v3;
	v54 =	vld.idx.msk [tilespmem:v37+s10+$0x0], $0xffff  }
0xd2: {  	s30 =	sor.u32 s15, s2;
	v39 =	vor.u32 s6, v1  }
0xd3: {  	[tilespmem:v51+s13+$0x0] =	vst.idx.msk $0xffff, v31;
	v31 =	vor.u32 s30, v0  }
0xd4: {  	v56 =	vor.u32 s20, v4;
	v33 =	vld.idx.msk [tilespmem:v52+s10+$0x0], $0xffff  }
0xd5: {  	v40 =	vor.u32 s9, v5;
	[tilespmem:v53+s13+$0x0] =	vst.idx.msk $0xffff, v32  }
0xd6: {  	s0 =	sshll.u32 s0, $0xB;
	v57 =	vor.u32 s25, v4;
	[tilespmem:v55+s13+$0x0] =	vst.idx.msk $0xffff, v54;
	v32 =	vld.idx.msk [tilespmem:v38+s10+$0x0], $0xffff  }
0xd7: {  	s26 =	sadd.s32 $0x0, s0;
	v58 =	vor.u32 s29, v2;
	v59 =	vor.u32 s28, v5;
	v36 =	vld.idx.msk [tilespmem:v39+s10+$0x0], $0xffff  }
0xd8: {  	v60 =	vor.u32 s26, v0;
	v41 =	vor.u32 s6, v3;
	v31 =	vld.idx.msk [tilespmem:v31+s10+$0x0], $0xffff  }
0xd9: {  	v61 =	vor.u32 s30, v1;
	[tilespmem:v56+s13+$0x0] =	vst.idx.msk $0xffff, v33  }
0xda: {  	v62 =	vor.u32 s20, v6;
	v34 =	vld.idx.msk [tilespmem:v40+s10+$0x0], $0xffff  }
0xdb: {  	v42 =	vor.u32 s9, v7;
	[tilespmem:v57+s13+$0x0] =	vst.idx.msk $0xffff, v32  }
0xdc: {  	v63 =	vor.u32 s25, v6;
	[tilespmem:v58+s13+$0x0] =	vst.idx.msk $0xffff, v36;
	v32 =	vld.idx.msk [tilespmem:v59+s10+$0x0], $0xffff  }
0xdd: {  	v45 =	vor.u32 s29, v4;
	v46 =	vor.u32 s28, v7;
	[tilespmem:v60+s13+$0x0] =	vst.idx.msk $0xffff, v31;
	v31 =	vld.idx.msk [tilespmem:v41+s10+$0x0], $0xffff  }
0xde: {  	v47 =	vor.u32 s26, v2;
	v48 =	vor.u32 s6, v5;
	v33 =	vld.idx.msk [tilespmem:v61+s10+$0x0], $0xffff  }
0xdf: {  	v49 =	vor.u32 s30, v3;
	[tilespmem:v62+s13+$0x0] =	vst.idx.msk $0xffff, v34  }
0xe0: {  	v50 =	vor.u32 s20, v8;
	v40 =	vld.idx.msk [tilespmem:v42+s10+$0x0], $0xffff  }
0xe1: {  	v51 =	vor.u32 s9, v9;
	[tilespmem:v63+s13+$0x0] =	vst.idx.msk $0xffff, v32  }
0xe2: {  	v52 =	vor.u32 s25, v8;
	[tilespmem:v45+s13+$0x0] =	vst.idx.msk $0xffff, v31;
	v31 =	vld.idx.msk [tilespmem:v46+s10+$0x0], $0xffff  }
0xe3: {  	v54 =	vor.u32 s29, v6;
	v55 =	vor.u32 s28, v9;
	[tilespmem:v47+s13+$0x0] =	vst.idx.msk $0xffff, v33;
	v53 =	vld.idx.msk [tilespmem:v48+s10+$0x0], $0xffff  }
0xe4: {  	v56 =	vor.u32 s26, v4;
	v57 =	vor.u32 s6, v7;
	v34 =	vld.idx.msk [tilespmem:v49+s10+$0x0], $0xffff  }
0xe5: {  	v58 =	vor.u32 s30, v5;
	[tilespmem:v50+s13+$0x0] =	vst.idx.msk $0xffff, v40  }
0xe6: {  	v59 =	vor.u32 s20, v10;
	v40 =	vld.idx.msk [tilespmem:v51+s10+$0x0], $0xffff  }
0xe7: {  	v60 =	vor.u32 s9, v11;
	[tilespmem:v52+s13+$0x0] =	vst.idx.msk $0xffff, v31  }
0xe8: {  	v61 =	vor.u32 s25, v10;
	[tilespmem:v54+s13+$0x0] =	vst.idx.msk $0xffff, v53;
	v31 =	vld.idx.msk [tilespmem:v55+s10+$0x0], $0xffff  }
0xe9: {  	v62 =	vor.u32 s28, v11;
	v45 =	vor.u32 s29, v8;
	[tilespmem:v56+s13+$0x0] =	vst.idx.msk $0xffff, v34;
	v63 =	vld.idx.msk [tilespmem:v57+s10+$0x0], $0xffff  }
0xea: {  	v47 =	vor.u32 s26, v6;
	v48 =	vor.u32 s6, v9;
	v46 =	vld.idx.msk [tilespmem:v58+s10+$0x0], $0xffff  }
0xeb: {  	v49 =	vor.u32 s30, v7;
	[tilespmem:v59+s13+$0x0] =	vst.idx.msk $0xffff, v40  }
0xec: {  	v50 =	vor.u32 s20, v12;
	v40 =	vld.idx.msk [tilespmem:v60+s10+$0x0], $0xffff  }
0xed: {  	v51 =	vor.u32 s9, v13;
	[tilespmem:v61+s13+$0x0] =	vst.idx.msk $0xffff, v31  }
0xee: {  	v52 =	vor.u32 s25, v12;
	v31 =	vld.idx.msk [tilespmem:v62+s10+$0x0], $0xffff;
	[tilespmem:v45+s13+$0x0] =	vst.idx.msk $0xffff, v63  }
0xef: {  	s19 =	simm.s32 $0x4;
	v53 =	vor.u32 s28, v13;
	v54 =	vor.u32 s29, v10;
	[tilespmem:v47+s13+$0x0] =	vst.idx.msk $0xffff, v46;
	v34 =	vld.idx.msk [tilespmem:v48+s10+$0x0], $0xffff  }
0xf0: {  	s18 =	sand.u32 $0x4, s19;
	v55 =	vor.u32 s26, v8;
	v56 =	vor.u32 s6, v11;
	v36 =	vld.idx.msk [tilespmem:v49+s10+$0x0], $0xffff  }
0xf1: {  	s3 =	sor.u32 $0x3, s18;
	v57 =	vor.u32 s30, v9;
	[tilespmem:v50+s13+$0x0] =	vst.idx.msk $0xffff, v40  }
0xf2: {  	s5 =	simm.s32 $0x0;
	s14 =	sshll.u32 s3, $0x4;
	v58 =	vor.u32 s20, v14;
	v40 =	vld.idx.msk [tilespmem:v51+s10+$0x0], $0xffff  }
0xf3: {  	s31 =	sor.u32 s5, s14;
	v59 =	vor.u32 s9, v15;
	[tilespmem:v52+s13+$0x0] =	vst.idx.msk $0xffff, v31  }
0xf4: {  	v43 =	vor.u32 s31, v0;
	v60 =	vor.u32 s25, v14;
	v31 =	vld.idx.msk [tilespmem:v53+s10+$0x0], $0xffff;
	[tilespmem:v54+s13+$0x0] =	vst.idx.msk $0xffff, v34  }
0xf5: {  	s8 =	sor.u32 $0x2, s18;
	v61 =	vor.u32 s28, v15;
	v62 =	vor.u32 s29, v12;
	[tilespmem:v55+s13+$0x0] =	vst.idx.msk $0xffff, v36;
	v34 =	vld.idx.msk [tilespmem:v56+s10+$0x0], $0xffff  }
0xf6: {  	s16 =	sor.u32 $0x1, s18;
	s15 =	sshll.u32 s8, $0x4;
	v63 =	vor.u32 s26, v10;
	v45 =	vor.u32 s6, v13;
	v36 =	vld.idx.msk [tilespmem:v57+s10+$0x0], $0xffff  }
0xf7: {  	s7 =	sor.u32 s5, s15;
	s12 =	sshll.u32 s16, $0x4;
	v48 =	vor.u32 s30, v11;
	[tilespmem:v58+s13+$0x0] =	vst.idx.msk $0xffff, v40  }
0xf8: {  	s0 =	sor.u32 s5, s12;
	v47 =	vor.u32 s20, v16;
	v53 =	vor.u32 s7, v0;
	v46 =	vld.idx.msk [tilespmem:v59+s10+$0x0], $0xffff  }
0xf9: {  	v59 =	vld.idx.msk [tilespmem:v43+s10+$0x0], $0xffff;
	[tilespmem:v60+s13+$0x0] =	vst.idx.msk $0xffff, v31;
	v31 =	vor.u32 s0, v0  }
0xfa: {  	s14 =	sshll.u32 s18, $0x4;
	v49 =	vor.u32 s9, v17;
	v50 =	vor.u32 s25, v16;
	v32 =	vld.idx.msk [tilespmem:v61+s10+$0x0], $0xffff;
	[tilespmem:v62+s13+$0x0] =	vst.idx.msk $0xffff, v34  }
0xfb: {  	s1 =	sshll.u32 s16, $0xB;
	s2 =	sor.u32 s14, s5;
	s16 =	sshll.u32 s3, $0xB;
	v51 =	vor.u32 s28, v17;
	v52 =	vor.u32 s29, v14;
	[tilespmem:v63+s13+$0x0] =	vst.idx.msk $0xffff, v36;
	v34 =	vld.idx.msk [tilespmem:v45+s10+$0x0], $0xffff  }
0xfc: {  	s4 =	sadd.s32 $0x0, s1;
	s1 =	sadd.s32 $0x0, s16;
	v55 =	vor.u32 s26, v12;
	v57 =	vor.u32 s2, v0;
	v54 =	vld.idx.msk [tilespmem:v48+s10+$0x0], $0xffff  }
0xfd: {  	s8 =	sshll.u32 s8, $0xB;
	v56 =	vor.u32 s6, v15;
	v61 =	vld.idx.msk [tilespmem:v53+s10+$0x0], $0xffff;
	[tilespmem:v47+s13+$0x0] =	vst.idx.msk $0xffff, v46;
	v46 =	vor.u32 s1, v0  }
0xfe: {  	s8 =	sadd.s32 $0x0, s8;
	v58 =	vor.u32 s4, v0;
	v60 =	vor.u32 s30, v13;
	v31 =	vld.idx.msk [tilespmem:v31+s10+$0x0], $0xffff  }
0xff: {  	v62 =	vor.u32 s31, v1;
	v48 =	vor.u32 s8, v0;
	v40 =	vld.idx.msk [tilespmem:v49+s10+$0x0], $0xffff;
	[tilespmem:v50+s13+$0x0] =	vst.idx.msk $0xffff, v32  }
0x100: {  	v44 =	vor.u32 s20, v18;
	s18 =	sshll.u32 s18, $0xB;
	v45 =	vor.u32 s0, v1;
	v35 =	vld.idx.msk [tilespmem:v51+s10+$0x0], $0xffff;
	[tilespmem:v52+s13+$0x0] =	vst.idx.msk $0xffff, v34  }
0x101: {  	s18 =	sadd.s32 $0x0, s18;
	v63 =	vor.u32 s25, v18;
	v51 =	vld.idx.msk [tilespmem:v57+s10+$0x0], $0xffff;
	v52 =	vor.u32 s7, v1;
	[tilespmem:v55+s13+$0x0] =	vst.idx.msk $0xffff, v54  }
0x102: {  	v53 =	vor.u32 s18, v0;
	v47 =	vor.u32 s28, v19;
	v49 =	vld.idx.msk [tilespmem:v56+s10+$0x0], $0xffff;
	[tilespmem:v46+s13+$0x0] =	vst.idx.msk $0xffff, v59  }
0x103: {  	v50 =	vor.u32 s29, v16;
	v56 =	vor.u32 s2, v1;
	[tilespmem:v58+s13+$0x0] =	vst.idx.msk $0xffff, v31;
	v31 =	vld.idx.msk [tilespmem:v60+s10+$0x0], $0xffff  }
0x104: {  	v54 =	vor.u32 s6, v17;
	v55 =	vor.u32 s26, v14;
	[tilespmem:v48+s13+$0x0] =	vst.idx.msk $0xffff, v61;
	v36 =	vld.idx.msk [tilespmem:v62+s10+$0x0], $0xffff  }
0x105: {  	v57 =	vor.u32 s30, v15;
	[tilespmem:v44+s13+$0x0] =	vst.idx.msk $0xffff, v40;
	v58 =	vor.u32 s4, v2;
	v45 =	vld.idx.msk [tilespmem:v45+s10+$0x0], $0xffff  }
0x106: {  	v59 =	vor.u32 s0, v3;
	v60 =	vor.u32 s1, v2;
	[tilespmem:v63+s13+$0x0] =	vst.idx.msk $0xffff, v35;
	v42 =	vld.idx.msk [tilespmem:v52+s10+$0x0], $0xffff  }
0x107: {  	v61 =	vor.u32 s31, v3;
	[tilespmem:v53+s13+$0x0] =	vst.idx.msk $0xffff, v51;
	v52 =	vor.u32 s8, v2;
	v37 =	vld.idx.msk [tilespmem:v47+s10+$0x0], $0xffff  }
0x108: {  	v62 =	vor.u32 s25, v20;
	v63 =	vor.u32 s9, v19;
	[tilespmem:v50+s13+$0x0] =	vst.idx.msk $0xffff, v49;
	v44 =	vld.idx.msk [tilespmem:v56+s10+$0x0], $0xffff  }
0x109: {  	v53 =	vor.u32 s28, v21;
	v32 =	vld.idx.msk [tilespmem:v54+s10+$0x0], $0xffff;
	[tilespmem:v55+s13+$0x0] =	vst.idx.msk $0xffff, v31;
	v31 =	vor.u32 s29, v18  }
0x10a: {  	v56 =	vor.u32 s18, v2;
	[tilespmem:v58+s13+$0x0] =	vst.idx.msk $0xffff, v45;
	v33 =	vld.idx.msk [tilespmem:v57+s10+$0x0], $0xffff;
	v57 =	vor.u32 s6, v19  }
0x10b: {  	[tilespmem:v60+s13+$0x0] =	vst.idx.msk $0xffff, v36;
	v58 =	vor.u32 s26, v16;
	v35 =	vld.idx.msk [tilespmem:v59+s10+$0x0], $0xffff;
	v59 =	vor.u32 s7, v3  }
0x10c: {  	v38 =	vor.u32 s1, v4;
	v49 =	vor.u32 s30, v17;
	v47 =	vld.idx.msk [tilespmem:v61+s10+$0x0], $0xffff;
	[tilespmem:v52+s13+$0x0] =	vst.idx.msk $0xffff, v42  }
0x10d: {  	v50 =	vor.u32 s4, v4;
	v54 =	vor.u32 s31, v5;
	v39 =	vld.idx.msk [tilespmem:v63+s10+$0x0], $0xffff;
	[tilespmem:v62+s13+$0x0] =	vst.idx.msk $0xffff, v37  }
0x10e: {  	v51 =	vor.u32 s0, v5;
	v55 =	vor.u32 s20, v20;
	[tilespmem:v31+s13+$0x0] =	vst.idx.msk $0xffff, v32;
	v31 =	vld.idx.msk [tilespmem:v53+s10+$0x0], $0xffff  }
0x10f: {  	v60 =	vor.u32 s9, v21;
	[tilespmem:v56+s13+$0x0] =	vst.idx.msk $0xffff, v44;
	v62 =	vor.u32 s25, v22;
	v61 =	vld.idx.msk [tilespmem:v57+s10+$0x0], $0xffff  }
0x110: {  	v63 =	vor.u32 s2, v3;
	v53 =	vor.u32 s29, v20;
	[tilespmem:v58+s13+$0x0] =	vst.idx.msk $0xffff, v33;
	v52 =	vld.idx.msk [tilespmem:v59+s10+$0x0], $0xffff  }
0x111: {  	v56 =	vor.u32 s8, v4;
	v57 =	vor.u32 s6, v21;
	[tilespmem:v38+s13+$0x0] =	vst.idx.msk $0xffff, v47;
	v34 =	vld.idx.msk [tilespmem:v49+s10+$0x0], $0xffff  }
0x112: {  	v58 =	vor.u32 s26, v18;
	[tilespmem:v50+s13+$0x0] =	vst.idx.msk $0xffff, v35;
	v59 =	vor.u32 s7, v5;
	v40 =	vld.idx.msk [tilespmem:v54+s10+$0x0], $0xffff  }
0x113: {  	v49 =	vor.u32 s30, v19;
	[tilespmem:v55+s13+$0x0] =	vst.idx.msk $0xffff, v39;
	v54 =	vor.u32 s1, v6;
	v37 =	vld.idx.msk [tilespmem:v51+s10+$0x0], $0xffff  }
0x114: {  	v50 =	vor.u32 s4, v6;
	v55 =	vor.u32 s31, v7;
	v32 =	vld.idx.msk [tilespmem:v60+s10+$0x0], $0xffff;
	[tilespmem:v62+s13+$0x0] =	vst.idx.msk $0xffff, v31  }
0x115: {  	v51 =	vor.u32 s0, v7;
	v60 =	vor.u32 s20, v22;
	v31 =	vld.idx.msk [tilespmem:v63+s10+$0x0], $0xffff;
	[tilespmem:v53+s13+$0x0] =	vst.idx.msk $0xffff, v61  }
0x116: {  	v62 =	vor.u32 s9, v23;
	v61 =	vor.u32 s18, v4;
	[tilespmem:v56+s13+$0x0] =	vst.idx.msk $0xffff, v52;
	v36 =	vld.idx.msk [tilespmem:v57+s10+$0x0], $0xffff  }
0x117: {  	v63 =	vor.u32 s2, v5;
	[tilespmem:v58+s13+$0x0] =	vst.idx.msk $0xffff, v34;
	v52 =	vor.u32 s29, v22;
	v45 =	vld.idx.msk [tilespmem:v59+s10+$0x0], $0xffff  }
0x118: {  	v53 =	vor.u32 s8, v6;
	[tilespmem:v54+s13+$0x0] =	vst.idx.msk $0xffff, v40;
	v58 =	vor.u32 s28, v23;
	v38 =	vld.idx.msk [tilespmem:v49+s10+$0x0], $0xffff  }
0x119: {  	v56 =	vor.u32 s6, v23;
	v57 =	vor.u32 s26, v20;
	[tilespmem:v50+s13+$0x0] =	vst.idx.msk $0xffff, v37;
	v43 =	vld.idx.msk [tilespmem:v55+s10+$0x0], $0xffff  }
0x11a: {  	v42 =	vor.u32 s30, v21;
	v59 =	vor.u32 s4, v8;
	[tilespmem:v60+s13+$0x0] =	vst.idx.msk $0xffff, v32;
	v39 =	vld.idx.msk [tilespmem:v51+s10+$0x0], $0xffff  }
0x11b: {  	v54 =	vor.u32 s1, v8;
	v55 =	vld.idx.msk [tilespmem:v62+s10+$0x0], $0xffff;
	[tilespmem:v61+s13+$0x0] =	vst.idx.msk $0xffff, v31;
	v31 =	vor.u32 s0, v9  }
0x11c: {  	v62 =	vor.u32 s20, v24;
	v61 =	vor.u32 s31, v9;
	v60 =	vld.idx.msk [tilespmem:v63+s10+$0x0], $0xffff;
	[tilespmem:v52+s13+$0x0] =	vst.idx.msk $0xffff, v36  }
0x11d: {  	v63 =	vor.u32 s18, v6;
	v52 =	vor.u32 s9, v25;
	v40 =	vld.idx.msk [tilespmem:v58+s10+$0x0], $0xffff;
	[tilespmem:v53+s13+$0x0] =	vst.idx.msk $0xffff, v45  }
0x11e: {  	v58 =	vor.u32 s7, v7;
	v53 =	vld.idx.msk [tilespmem:v56+s10+$0x0], $0xffff;
	[tilespmem:v57+s13+$0x0] =	vst.idx.msk $0xffff, v38;
	v57 =	vor.u32 s29, v24  }
0x11f: {  	v56 =	vor.u32 s2, v7;
	[tilespmem:v59+s13+$0x0] =	vst.idx.msk $0xffff, v39;
	v42 =	vld.idx.msk [tilespmem:v42+s10+$0x0], $0xffff;
	v59 =	vor.u32 s25, v24  }
0x120: {  	v47 =	vor.u32 s26, v22;
	v32 =	vor.u32 s28, v25;
	[tilespmem:v54+s13+$0x0] =	vst.idx.msk $0xffff, v43;
	v31 =	vld.idx.msk [tilespmem:v31+s10+$0x0], $0xffff  }
0x121: {  	v48 =	vor.u32 s4, v10;
	v43 =	vor.u32 s30, v23;
	[tilespmem:v62+s13+$0x0] =	vst.idx.msk $0xffff, v55;
	v41 =	vld.idx.msk [tilespmem:v61+s10+$0x0], $0xffff  }
0x122: {  	v61 =	vor.u32 s1, v10;
	[tilespmem:v63+s13+$0x0] =	vst.idx.msk $0xffff, v60;
	v60 =	vor.u32 s0, v11;
	v62 =	vld.idx.msk [tilespmem:v52+s10+$0x0], $0xffff  }
0x123: {  	v54 =	vor.u32 s31, v11;
	v55 =	vor.u32 s20, v26;
	v39 =	vld.idx.msk [tilespmem:v58+s10+$0x0], $0xffff;
	[tilespmem:v57+s13+$0x0] =	vst.idx.msk $0xffff, v53  }
0x124: {  	v58 =	vor.u32 s6, v25;
	v63 =	vld.idx.msk [tilespmem:v56+s10+$0x0], $0xffff;
	v57 =	vor.u32 s18, v8;
	[tilespmem:v59+s13+$0x0] =	vst.idx.msk $0xffff, v40  }
0x125: {  	v56 =	vor.u32 s9, v27;
	v59 =	vor.u32 s8, v8;
	[tilespmem:v47+s13+$0x0] =	vst.idx.msk $0xffff, v42;
	v32 =	vld.idx.msk [tilespmem:v32+s10+$0x0], $0xffff  }
0x126: {  	v42 =	vor.u32 s25, v26;
	v43 =	vld.idx.msk [tilespmem:v43+s10+$0x0], $0xffff;
	[tilespmem:v48+s13+$0x0] =	vst.idx.msk $0xffff, v31;
	v31 =	vor.u32 s7, v9  }
0x127: {  	v47 =	vor.u32 s26, v24;
	v48 =	vor.u32 s2, v9;
	[tilespmem:v61+s13+$0x0] =	vst.idx.msk $0xffff, v41;
	v49 =	vld.idx.msk [tilespmem:v60+s10+$0x0], $0xffff  }
0x128: {  	v35 =	vor.u32 s30, v27;
	v61 =	vor.u32 s4, v12;
	v60 =	vor.u32 s30, v25;
	v44 =	vld.idx.msk [tilespmem:v54+s10+$0x0], $0xffff;
	[tilespmem:v55+s13+$0x0] =	vst.idx.msk $0xffff, v62  }
0x129: {  	v46 =	vor.u32 s1, v14;
	v50 =	vor.u32 s0, v13;
	v52 =	vor.u32 s1, v12;
	v54 =	vld.idx.msk [tilespmem:v58+s10+$0x0], $0xffff;
	[tilespmem:v57+s13+$0x0] =	vst.idx.msk $0xffff, v63  }
0x12a: {  	v62 =	vor.u32 s31, v13;
	v53 =	vld.idx.msk [tilespmem:v56+s10+$0x0], $0xffff;
	v63 =	vor.u32 s20, v28;
	[tilespmem:v59+s13+$0x0] =	vst.idx.msk $0xffff, v39  }
0x12b: {  	v34 =	vor.u32 s29, v28;
	v51 =	vor.u32 s9, v29;
	v56 =	vor.u32 s29, v26;
	[tilespmem:v42+s13+$0x0] =	vst.idx.msk $0xffff, v32;
	v57 =	vld.idx.msk [tilespmem:v31+s10+$0x0], $0xffff  }
0x12c: {  	v33 =	vor.u32 s6, v29;
	v55 =	vor.u32 s6, v27;
	v58 =	vor.u32 s8, v10;
	[tilespmem:v47+s13+$0x0] =	vst.idx.msk $0xffff, v43;
	v45 =	vld.idx.msk [tilespmem:v48+s10+$0x0], $0xffff  }
0x12d: {  	v36 =	vor.u32 s28, v27;
	[tilespmem:v61+s13+$0x0] =	vst.idx.msk $0xffff, v49;
	v41 =	vld.idx.msk [tilespmem:v60+s10+$0x0], $0xffff;
	v49 =	vor.u32 s18, v10  }
0x12e: {  	v38 =	vor.u32 s26, v26;
	[tilespmem:v52+s13+$0x0] =	vst.idx.msk $0xffff, v44;
	v43 =	vld.idx.msk [tilespmem:v50+s10+$0x0], $0xffff;
	v50 =	vor.u32 s7, v11  }
0x12f: {  	v37 =	vor.u32 s20, v30;
	v48 =	vor.u32 s4, v14;
	v42 =	vld.idx.msk [tilespmem:v62+s10+$0x0], $0xffff;
	[tilespmem:v63+s13+$0x0] =	vst.idx.msk $0xffff, v53  }
0x130: {  	v32 =	vor.u32 s26, v28;
	v47 =	vor.u32 s0, v15;
	[tilespmem:v56+s13+$0x0] =	vst.idx.msk $0xffff, v54;
	v40 =	vld.idx.msk [tilespmem:v51+s10+$0x0], $0xffff  }
0x131: {  	v31 =	vor.u32 s18, v28;
	v44 =	vor.u32 s31, v15;
	v39 =	vld.idx.msk [tilespmem:v55+s10+$0x0], $0xffff;
	[tilespmem:v58+s13+$0x0] =	vst.idx.msk $0xffff, v57  }
.LBB2_3:
0x132: {  	s19 =	sadd.s32 $0x4, s19;
	[tilespmem:v49+s13+$0x0] =	vst.idx.msk $0xffff, v45;
	v36 =	vld.idx.msk [tilespmem:v36+s10+$0x0], $0xffff;
	v49 =	vor.u32 s28, v29  }
0x133: {  	s6 =	sshrl.u32 s19, $0x3;
	s14 =	sand.u32 $0x4, s19;
	p1 =	slt.u32 s19, $0x3C;
	v45 =	vld.idx.msk [tilespmem:v50+s10+$0x0], $0xffff;
	[tilespmem:v38+s13+$0x0] =	vst.idx.msk $0xffff, v41;
	v38 =	vor.u32 s30, v29;
	v41 =	vor.u32 s25, v28  }
0x134: {  	s20 =	sor.u32 $0x1, s14;
	s9 =	sor.u32 $0x2, s14;
	s30 =	sor.u32 $0x3, s14;
	[tilespmem:v48+s13+$0x0] =	vst.idx.msk $0xffff, v43;
	v43 =	vor.u32 s8, v12;
	v35 =	vld.idx.msk [tilespmem:v35+s10+$0x0], $0xffff;
	v48 =	vor.u32 s29, v30  }
0x135: {  	v50 =	vor.u32 s7, v13;
	s29 =	sshll.u32 s6, $0xB;
	s28 =	sshll.u32 s9, $0xB;
	s15 =	sshll.u32 s30, $0x4;
	v47 =	vld.idx.msk [tilespmem:v47+s10+$0x0], $0xffff;
	[tilespmem:v46+s13+$0x0] =	vst.idx.msk $0xffff, v42  }
0x136: {  	s16 =	sshll.u32 s20, $0x4;
	s5 =	sshll.u32 s9, $0x4;
	s30 =	sshll.u32 s30, $0xB;
	v42 =	vor.u32 s4, v16;
	v44 =	vld.idx.msk [tilespmem:v44+s10+$0x0], $0xffff;
	[tilespmem:v37+s13+$0x0] =	vst.idx.msk $0xffff, v40  }
0x137: {  	v51 =	vor.u32 s4, v18;
	s3 =	sshll.u32 s14, $0x4;
	s9 =	sor.u32 s29, s16;
	s15 =	sor.u32 s29, s15;
	v37 =	vor.u32 s2, v11;
	v40 =	vor.u32 s1, v16;
	[tilespmem:v34+s13+$0x0] =	vst.idx.msk $0xffff, v39  }
0x138: {  	s16 =	sshll.u32 s6, $0x4;
	s6 =	sshll.u32 s14, $0xB;
	s14 =	sshll.u32 s20, $0xB;
	v34 =	vor.u32 s9, v0;
	v39 =	vor.u32 s0, v17;
	v33 =	vld.idx.msk [tilespmem:v33+s10+$0x0], $0xffff;
	[tilespmem:v41+s13+$0x0] =	vst.idx.msk $0xffff, v36  }
0x139: {  	s12 =	sadd.s32 s16, s6;
	s6 =	sadd.s32 s16, s14;
	s14 =	sadd.s32 s16, s30;
	v36 =	vor.u32 s15, v0;
	v41 =	vor.u32 s26, v30;
	[tilespmem:v43+s13+$0x0] =	vst.idx.msk $0xffff, v45;
	v43 =	vld.idx.msk [tilespmem:v49+s10+$0x0], $0xffff  }
0x13a: {  	s3 =	sor.u32 s3, s29;
	s16 =	sadd.s32 s16, s28;
	s28 =	smov.u32 s31;
	v45 =	vld.idx.msk [tilespmem:v50+s10+$0x0], $0xffff;
	[tilespmem:v32+s13+$0x0] =	vst.idx.msk $0xffff, v35;
	v35 =	vor.u32 s25, v30;
	v32 =	vmov v31;
	v31 =	vor.u32 s12, v28  }
0x13b: {  	s20 =	sor.u32 s29, s5;
	s31 =	smov.u32 s15;
	v46 =	vor.u32 s28, v17;
	s26 =	smov.u32 s18;
	[tilespmem:v42+s13+$0x0] =	vst.idx.msk $0xffff, v47;
	v42 =	vor.u32 s8, v14;
	v38 =	vld.idx.msk [tilespmem:v38+s10+$0x0], $0xffff  }
0x13c: {  	s18 =	smov.u32 s12;
	v52 =	vor.u32 s28, v19;
	s25 =	smov.u32 s1;
	s1 =	smov.u32 s14;
	v47 =	vor.u32 s20, v0;
	v37 =	vld.idx.msk [tilespmem:v37+s10+$0x0], $0xffff;
	[tilespmem:v40+s13+$0x0] =	vst.idx.msk $0xffff, v44  }
0x13d: {  	s29 =	smov.u32 s8;
	s30 =	smov.u32 s2;
	s2 =	smov.u32 s3;
	v49 =	vor.u32 s7, v15;
	v40 =	vor.u32 s18, v0;
	v44 =	vor.u32 s26, v12;
	v39 =	vld.idx.msk [tilespmem:v39+s10+$0x0], $0xffff  }
0x13e: {  	v50 =	vor.u32 s2, v0;
	s8 =	smov.u32 s16;
	v34 =	vld.idx.msk [tilespmem:v34+s10+$0x0], $0xffff;
	[tilespmem:v48+s13+$0x0] =	vst.idx.msk $0xffff, v33;
	v33 =	vor.u32 s6, v0  }
0x13f: {  	v48 =	vor.u32 s30, v13;
	v36 =	vld.idx.msk [tilespmem:v36+s10+$0x0], $0xffff;
	[tilespmem:v35+s13+$0x0] =	vst.idx.msk $0xffff, v43;
	v35 =	vor.u32 s9, v1  }
0x140: {  	v43 =	vor.u32 s1, v0;
	[tilespmem:v42+s13+$0x0] =	vst.idx.msk $0xffff, v45;
	v42 =	vld.idx.msk [tilespmem:v46+s10+$0x0], $0xffff;
	v46 =	vor.u32 s31, v1  }
0x141: {  	v45 =	vld.idx.msk [tilespmem:v47+s10+$0x0], $0xffff;
	v47 =	vor.u32 s25, v18;
	[tilespmem:v41+s13+$0x0] =	vst.idx.msk $0xffff, v38;
	v38 =	vor.u32 s8, v0  }
0x142: {  	[tilespmem:v44+s13+$0x0] =	vst.idx.msk $0xffff, v37;
	v37 =	vor.u32 s26, v14;
	v41 =	vld.idx.msk [tilespmem:v49+s10+$0x0], $0xffff;
	v44 =	vor.u32 s29, v16  }
0x143: {  	v53 =	vor.u32 s30, v15;
	v49 =	vld.idx.msk [tilespmem:v50+s10+$0x0], $0xffff;
	v50 =	vor.u32 s20, v1;
	[tilespmem:v51+s13+$0x0] =	vst.idx.msk $0xffff, v39  }
0x144: {  	[tilespmem:v33+s13+$0x0] =	vst.idx.msk $0xffff, v34;
	v33 =	vld.idx.msk [tilespmem:v48+s10+$0x0], $0xffff;
	v34 =	vor.u32 s7, v17  }
0x145: {  	v39 =	vor.u32 s2, v1;
	v48 =	vor.u32 s31, v3;
	v35 =	vld.idx.msk [tilespmem:v35+s10+$0x0], $0xffff;
	[tilespmem:v43+s13+$0x0] =	vst.idx.msk $0xffff, v36  }
0x146: {  	v36 =	vor.u32 s6, v2;
	v43 =	vld.idx.msk [tilespmem:v46+s10+$0x0], $0xffff;
	[tilespmem:v47+s13+$0x0] =	vst.idx.msk $0xffff, v42;
	v42 =	vor.u32 s9, v3  }
0x147: {  	[tilespmem:v38+s13+$0x0] =	vst.idx.msk $0xffff, v45;
	v38 =	vor.u32 s1, v2;
	v45 =	vor.u32 s0, v19;
	v46 =	vld.idx.msk [tilespmem:v52+s10+$0x0], $0xffff  }
0x148: {  	v47 =	vld.idx.msk [tilespmem:v50+s10+$0x0], $0xffff;
	[tilespmem:v44+s13+$0x0] =	vst.idx.msk $0xffff, v41;
	v41 =	vor.u32 s25, v20;
	v44 =	vor.u32 s28, v21  }
0x149: {  	[tilespmem:v40+s13+$0x0] =	vst.idx.msk $0xffff, v49;
	v40 =	vor.u32 s8, v2;
	v49 =	vor.u32 s26, v16;
	v34 =	vld.idx.msk [tilespmem:v34+s10+$0x0], $0xffff  }
0x14a: {  	v39 =	vld.idx.msk [tilespmem:v39+s10+$0x0], $0xffff;
	[tilespmem:v37+s13+$0x0] =	vst.idx.msk $0xffff, v33;
	v33 =	vor.u32 s30, v17;
	v37 =	vor.u32 s29, v18  }
0x14b: {  	v50 =	vor.u32 s18, v2;
	[tilespmem:v36+s13+$0x0] =	vst.idx.msk $0xffff, v35;
	v35 =	vld.idx.msk [tilespmem:v53+s10+$0x0], $0xffff;
	v36 =	vor.u32 s7, v19  }
0x14c: {  	v51 =	vor.u32 s20, v3;
	v42 =	vld.idx.msk [tilespmem:v42+s10+$0x0], $0xffff;
	[tilespmem:v38+s13+$0x0] =	vst.idx.msk $0xffff, v43;
	v38 =	vor.u32 s6, v4  }
0x14d: {  	v43 =	vld.idx.msk [tilespmem:v48+s10+$0x0], $0xffff;
	[tilespmem:v41+s13+$0x0] =	vst.idx.msk $0xffff, v46;
	v41 =	vor.u32 s9, v5;
	v46 =	vor.u32 s0, v21  }
0x14e: {  	v48 =	vor.u32 s4, v20;
	[tilespmem:v40+s13+$0x0] =	vst.idx.msk $0xffff, v47;
	v40 =	vor.u32 s1, v4;
	v45 =	vld.idx.msk [tilespmem:v45+s10+$0x0], $0xffff  }
0x14f: {  	v47 =	vor.u32 s31, v5;
	[tilespmem:v37+s13+$0x0] =	vst.idx.msk $0xffff, v34;
	v34 =	vld.idx.msk [tilespmem:v44+s10+$0x0], $0xffff;
	v37 =	vor.u32 s26, v18  }
0x150: {  	v44 =	vor.u32 s2, v3;
	[tilespmem:v50+s13+$0x0] =	vst.idx.msk $0xffff, v39;
	v36 =	vld.idx.msk [tilespmem:v36+s10+$0x0], $0xffff;
	v39 =	vor.u32 s25, v22  }
0x151: {  	v50 =	vld.idx.msk [tilespmem:v51+s10+$0x0], $0xffff;
	[tilespmem:v49+s13+$0x0] =	vst.idx.msk $0xffff, v35;
	v35 =	vor.u32 s30, v19;
	v49 =	vor.u32 s29, v20  }
0x152: {  	[tilespmem:v38+s13+$0x0] =	vst.idx.msk $0xffff, v42;
	v38 =	vor.u32 s8, v4;
	v33 =	vld.idx.msk [tilespmem:v33+s10+$0x0], $0xffff;
	v42 =	vor.u32 s7, v21  }
0x153: {  	v51 =	vor.u32 s20, v5;
	v41 =	vld.idx.msk [tilespmem:v41+s10+$0x0], $0xffff;
	[tilespmem:v40+s13+$0x0] =	vst.idx.msk $0xffff, v43;
	v40 =	vor.u32 s6, v6  }
0x154: {  	v43 =	vld.idx.msk [tilespmem:v47+s10+$0x0], $0xffff;
	[tilespmem:v48+s13+$0x0] =	vst.idx.msk $0xffff, v45;
	v45 =	vor.u32 s9, v7;
	v47 =	vor.u32 s1, v6  }
0x155: {  	v48 =	vor.u32 s0, v23;
	v46 =	vld.idx.msk [tilespmem:v46+s10+$0x0], $0xffff;
	[tilespmem:v39+s13+$0x0] =	vst.idx.msk $0xffff, v34;
	v39 =	vor.u32 s31, v7  }
0x156: {  	v34 =	vld.idx.msk [tilespmem:v44+s10+$0x0], $0xffff;
	v44 =	vor.u32 s4, v22;
	[tilespmem:v49+s13+$0x0] =	vst.idx.msk $0xffff, v36;
	v36 =	vor.u32 s18, v4  }
0x157: {  	v49 =	vor.u32 s2, v5;
	[tilespmem:v38+s13+$0x0] =	vst.idx.msk $0xffff, v50;
	v38 =	vor.u32 s26, v20;
	v42 =	vld.idx.msk [tilespmem:v42+s10+$0x0], $0xffff  }
0x158: {  	v50 =	vld.idx.msk [tilespmem:v51+s10+$0x0], $0xffff;
	[tilespmem:v37+s13+$0x0] =	vst.idx.msk $0xffff, v33;
	v33 =	vor.u32 s30, v21;
	v37 =	vor.u32 s29, v22  }
0x159: {  	[tilespmem:v40+s13+$0x0] =	vst.idx.msk $0xffff, v41;
	v40 =	vor.u32 s8, v6;
	v35 =	vld.idx.msk [tilespmem:v35+s10+$0x0], $0xffff;
	v41 =	vor.u32 s7, v23  }
0x15a: {  	v45 =	vld.idx.msk [tilespmem:v45+s10+$0x0], $0xffff;
	[tilespmem:v47+s13+$0x0] =	vst.idx.msk $0xffff, v43;
	v43 =	vor.u32 s28, v23  }
0x15b: {  	v47 =	vor.u32 s6, v8;
	v39 =	vld.idx.msk [tilespmem:v39+s10+$0x0], $0xffff;
	[tilespmem:v44+s13+$0x0] =	vst.idx.msk $0xffff, v46  }
0x15c: {  	[tilespmem:v36+s13+$0x0] =	vst.idx.msk $0xffff, v34;
	v34 =	vor.u32 s9, v9;
	v36 =	vor.u32 s1, v8;
	v44 =	vld.idx.msk [tilespmem:v48+s10+$0x0], $0xffff  }
0x15d: {  	v52 =	vor.u32 s4, v26;
	v48 =	vor.u32 s31, v9;
	v46 =	vld.idx.msk [tilespmem:v49+s10+$0x0], $0xffff  }
0x15e: {  	v49 =	vor.u32 s4, v24;
	[tilespmem:v37+s13+$0x0] =	vst.idx.msk $0xffff, v42;
	v37 =	vor.u32 s18, v6;
	v42 =	vor.u32 s0, v25  }
0x15f: {  	[tilespmem:v40+s13+$0x0] =	vst.idx.msk $0xffff, v50;
	v40 =	vor.u32 s26, v22;
	v41 =	vld.idx.msk [tilespmem:v41+s10+$0x0], $0xffff;
	v50 =	vor.u32 s2, v7  }
0x160: {  	[tilespmem:v38+s13+$0x0] =	vst.idx.msk $0xffff, v35;
	v35 =	vor.u32 s30, v23;
	v38 =	vor.u32 s29, v24;
	v43 =	vld.idx.msk [tilespmem:v43+s10+$0x0], $0xffff  }
0x161: {  	[tilespmem:v47+s13+$0x0] =	vst.idx.msk $0xffff, v45;
	v45 =	vor.u32 s20, v7;
	v33 =	vld.idx.msk [tilespmem:v33+s10+$0x0], $0xffff;
	v47 =	vor.u32 s25, v24  }
0x162: {  	v34 =	vld.idx.msk [tilespmem:v34+s10+$0x0], $0xffff;
	[tilespmem:v36+s13+$0x0] =	vst.idx.msk $0xffff, v39;
	v36 =	vor.u32 s28, v25;
	v39 =	vor.u32 s6, v10  }
0x163: {  	v48 =	vld.idx.msk [tilespmem:v48+s10+$0x0], $0xffff;
	[tilespmem:v49+s13+$0x0] =	vst.idx.msk $0xffff, v44;
	v44 =	vor.u32 s25, v26;
	v49 =	vor.u32 s0, v27  }
0x164: {  	[tilespmem:v37+s13+$0x0] =	vst.idx.msk $0xffff, v46;
	v37 =	vor.u32 s9, v11;
	v46 =	vor.u32 s1, v10;
	v42 =	vld.idx.msk [tilespmem:v42+s10+$0x0], $0xffff  }
0x165: {  	v53 =	vor.u32 s26, v24;
	v51 =	vor.u32 s31, v11;
	v50 =	vld.idx.msk [tilespmem:v50+s10+$0x0], $0xffff;
	[tilespmem:v38+s13+$0x0] =	vst.idx.msk $0xffff, v41  }
0x166: {  	v38 =	vor.u32 s18, v8;
	v41 =	vld.idx.msk [tilespmem:v45+s10+$0x0], $0xffff;
	v45 =	vor.u32 s7, v25;
	[tilespmem:v47+s13+$0x0] =	vst.idx.msk $0xffff, v43  }
0x167: {  	v43 =	vor.u32 s8, v8;
	[tilespmem:v40+s13+$0x0] =	vst.idx.msk $0xffff, v33;
	v33 =	vor.u32 s30, v25;
	v40 =	vld.idx.msk [tilespmem:v36+s10+$0x0], $0xffff  }
0x168: {  	[tilespmem:v39+s13+$0x0] =	vst.idx.msk $0xffff, v34;
	v34 =	vor.u32 s20, v9;
	v35 =	vld.idx.msk [tilespmem:v35+s10+$0x0], $0xffff;
	v39 =	vor.u32 s29, v26  }
0x169: {  	v54 =	vor.u32 s7, v27;
	v47 =	vor.u32 s2, v9;
	v37 =	vld.idx.msk [tilespmem:v37+s10+$0x0], $0xffff;
	[tilespmem:v46+s13+$0x0] =	vst.idx.msk $0xffff, v48  }
0x16a: {  	v56 =	vor.u32 s4, v28;
	v46 =	vor.u32 s6, v12;
	v48 =	vld.idx.msk [tilespmem:v51+s10+$0x0], $0xffff;
	[tilespmem:v52+s13+$0x0] =	vst.idx.msk $0xffff, v42  }
0x16b: {  	v42 =	vor.u32 s9, v13;
	v51 =	vor.u32 s1, v12;
	[tilespmem:v38+s13+$0x0] =	vst.idx.msk $0xffff, v50;
	v52 =	vld.idx.msk [tilespmem:v49+s10+$0x0], $0xffff  }
0x16c: {  	v55 =	vor.u32 s31, v13;
	v36 =	vor.u32 s28, v27;
	[tilespmem:v43+s13+$0x0] =	vst.idx.msk $0xffff, v41;
	v57 =	vld.idx.msk [tilespmem:v45+s10+$0x0], $0xffff  }
0x16d: {  	v59 =	vor.u32 s0, v29;
	s0 =	smov.u32 s9;
	v38 =	vor.u32 s26, v26;
	v58 =	vld.idx.msk [tilespmem:v34+s10+$0x0], $0xffff;
	[tilespmem:v44+s13+$0x0] =	vst.idx.msk $0xffff, v40  }
0x16e: {  	v44 =	vor.u32 s8, v10;
	v45 =	vld.idx.msk [tilespmem:v47+s10+$0x0], $0xffff;
	[tilespmem:v53+s13+$0x0] =	vst.idx.msk $0xffff, v35;
	v35 =	vor.u32 s30, v27  }
.Ltmp2:
0x16f: {  	v49 =	vor.u32 s18, v10;
	v34 =	vor.u32 s29, v28;
	[tilespmem:v46+s13+$0x0] =	vst.idx.msk $0xffff, v37;
	v41 =	vld.idx.msk [tilespmem:v33+s10+$0x0], $0xffff;
	(pc) =	sbr.rel @p1 .LBB2_3-.Ltmp2, $4  }
0x170: {  	v50 =	vor.u32 s20, v11;
	v33 =	vor.u32 s7, v29;
	s7 =	smov.u32 s20;
	v43 =	vld.idx.msk [tilespmem:v42+s10+$0x0], $0xffff;
	[tilespmem:v51+s13+$0x0] =	vst.idx.msk $0xffff, v48  }
0x171: {  	v48 =	vor.u32 s6, v14;
	v42 =	vld.idx.msk [tilespmem:v55+s10+$0x0], $0xffff;
	[tilespmem:v56+s13+$0x0] =	vst.idx.msk $0xffff, v52  }
0x172: {  	v47 =	vor.u32 s0, v15;
	v46 =	vor.u32 s1, v14;
	v40 =	vld.idx.msk [tilespmem:v59+s10+$0x0], $0xffff;
	[tilespmem:v39+s13+$0x0] =	vst.idx.msk $0xffff, v57  }
0x173: {  	v37 =	vor.u32 s4, v30;
	s4 =	smov.u32 s6;
	[tilespmem:v44+s13+$0x0] =	vst.idx.msk $0xffff, v58;
	v44 =	vor.u32 s31, v15;
	v39 =	vld.idx.msk [tilespmem:v54+s10+$0x0], $0xffff  }
0x174: {  	_ = 	snop  }
0x175: {  	v51 =	vor.u32 s2, v11;
	_ =	sdelay $0x2  }
0x176: {  	v50 =	vld.idx.msk [tilespmem:v50+s10+$0x0], $0xffff;
	v52 =	vor.u32 s8, v12  }
0x177: {  	[tilespmem:v49+s13+$0x0] =	vst.idx.msk $0xffff, v45;
	v60 =	vor.u32 s7, v13  }
0x178: {  	v61 =	vor.u32 s18, v12;
	v49 =	vld.idx.msk [tilespmem:v51+s10+$0x0], $0xffff  }
0x179: {  	v53 =	vor.u32 s2, v13;
	_ =	sdelay $0x1  }
0x17a: {  	[tilespmem:v52+s13+$0x0] =	vst.idx.msk $0xffff, v50  }
0x17b: {  	v62 =	vor.u32 s8, v14;
	v45 =	vld.idx.msk [tilespmem:v60+s10+$0x0], $0xffff  }
0x17c: {  	v63 =	vor.u32 s7, v15;
	[tilespmem:v61+s13+$0x0] =	vst.idx.msk $0xffff, v49  }
0x17d: {  	v56 =	vor.u32 s18, v14;
	v51 =	vld.idx.msk [tilespmem:v53+s10+$0x0], $0xffff  }
0x17e: {  	v57 =	vor.u32 s2, v15  }
0x17f: {  	[tilespmem:v48+s13+$0x0] =	vst.idx.msk $0xffff, v43  }
0x180: {  	v43 =	vld.idx.msk [tilespmem:v47+s10+$0x0], $0xffff;
	v47 =	vor.u32 s4, v16;
	[tilespmem:v62+s13+$0x0] =	vst.idx.msk $0xffff, v45  }
0x181: {  	v58 =	vor.u32 s0, v17;
	v59 =	vor.u32 s8, v16;
	[tilespmem:v46+s13+$0x0] =	vst.idx.msk $0xffff, v42;
	v45 =	vld.idx.msk [tilespmem:v63+s10+$0x0], $0xffff  }
0x182: {  	v44 =	vld.idx.msk [tilespmem:v44+s10+$0x0], $0xffff;
	v60 =	vor.u32 s1, v16;
	v61 =	vor.u32 s7, v17;
	[tilespmem:v56+s13+$0x0] =	vst.idx.msk $0xffff, v51  }
0x183: {  	v62 =	vor.u32 s31, v17;
	v63 =	vor.u32 s18, v16;
	v56 =	vld.idx.msk [tilespmem:v57+s10+$0x0], $0xffff  }
0x184: {  	v57 =	vor.u32 s2, v17  }
0x185: {  	[tilespmem:v47+s13+$0x0] =	vst.idx.msk $0xffff, v43  }
0x186: {  	v43 =	vor.u32 s4, v18;
	v42 =	vld.idx.msk [tilespmem:v58+s10+$0x0], $0xffff;
	[tilespmem:v59+s13+$0x0] =	vst.idx.msk $0xffff, v45  }
0x187: {  	v58 =	vor.u32 s0, v19;
	[tilespmem:v60+s13+$0x0] =	vst.idx.msk $0xffff, v44;
	v59 =	vor.u32 s8, v18;
	v45 =	vld.idx.msk [tilespmem:v61+s10+$0x0], $0xffff  }
0x188: {  	v60 =	vld.idx.msk [tilespmem:v62+s10+$0x0], $0xffff;
	v62 =	vor.u32 s7, v19;
	v61 =	vor.u32 s1, v18;
	[tilespmem:v63+s13+$0x0] =	vst.idx.msk $0xffff, v56  }
0x189: {  	v63 =	vor.u32 s31, v19;
	v56 =	vor.u32 s18, v18;
	v52 =	vld.idx.msk [tilespmem:v57+s10+$0x0], $0xffff  }
0x18a: {  	v57 =	vor.u32 s2, v19  }
0x18b: {  	[tilespmem:v43+s13+$0x0] =	vst.idx.msk $0xffff, v42  }
0x18c: {  	v42 =	vld.idx.msk [tilespmem:v58+s10+$0x0], $0xffff;
	v58 =	vor.u32 s4, v20;
	[tilespmem:v59+s13+$0x0] =	vst.idx.msk $0xffff, v45  }
0x18d: {  	[tilespmem:v61+s13+$0x0] =	vst.idx.msk $0xffff, v60;
	v59 =	vor.u32 s0, v21;
	v60 =	vor.u32 s8, v20;
	v45 =	vld.idx.msk [tilespmem:v62+s10+$0x0], $0xffff  }
0x18e: {  	v61 =	vor.u32 s1, v20;
	v62 =	vor.u32 s7, v21;
	v47 =	vld.idx.msk [tilespmem:v63+s10+$0x0], $0xffff;
	[tilespmem:v56+s13+$0x0] =	vst.idx.msk $0xffff, v52  }
0x18f: {  	v63 =	vor.u32 s31, v21;
	v56 =	vor.u32 s18, v20;
	v52 =	vld.idx.msk [tilespmem:v57+s10+$0x0], $0xffff  }
0x190: {  	v57 =	vor.u32 s2, v21  }
0x191: {  	[tilespmem:v58+s13+$0x0] =	vst.idx.msk $0xffff, v42  }
0x192: {  	v58 =	vor.u32 s4, v22;
	v42 =	vld.idx.msk [tilespmem:v59+s10+$0x0], $0xffff;
	[tilespmem:v60+s13+$0x0] =	vst.idx.msk $0xffff, v45  }
0x193: {  	v59 =	vor.u32 s0, v23;
	v60 =	vor.u32 s8, v22;
	v45 =	vld.idx.msk [tilespmem:v62+s10+$0x0], $0xffff;
	[tilespmem:v61+s13+$0x0] =	vst.idx.msk $0xffff, v47  }
0x194: {  	v62 =	vor.u32 s7, v23;
	v61 =	vor.u32 s1, v22;
	v47 =	vld.idx.msk [tilespmem:v63+s10+$0x0], $0xffff;
	[tilespmem:v56+s13+$0x0] =	vst.idx.msk $0xffff, v52  }
0x195: {  	v63 =	vor.u32 s31, v23;
	v56 =	vor.u32 s18, v22;
	v52 =	vld.idx.msk [tilespmem:v57+s10+$0x0], $0xffff  }
0x196: {  	v57 =	vor.u32 s2, v23  }
0x197: {  	[tilespmem:v58+s13+$0x0] =	vst.idx.msk $0xffff, v42  }
0x198: {  	v58 =	vor.u32 s4, v24;
	v42 =	vld.idx.msk [tilespmem:v59+s10+$0x0], $0xffff;
	[tilespmem:v60+s13+$0x0] =	vst.idx.msk $0xffff, v45  }
0x199: {  	v59 =	vor.u32 s0, v25;
	v60 =	vor.u32 s8, v24;
	v45 =	vld.idx.msk [tilespmem:v62+s10+$0x0], $0xffff;
	[tilespmem:v61+s13+$0x0] =	vst.idx.msk $0xffff, v47  }
0x19a: {  	v62 =	vor.u32 s7, v25;
	v61 =	vor.u32 s1, v24;
	v47 =	vld.idx.msk [tilespmem:v63+s10+$0x0], $0xffff;
	[tilespmem:v56+s13+$0x0] =	vst.idx.msk $0xffff, v52  }
0x19b: {  	[tilespmem:v38+s13+$0x0] =	vst.idx.msk $0xffff, v41;
	v63 =	vor.u32 s31, v25;
	v52 =	vor.u32 s18, v24;
	v54 =	vld.idx.msk [tilespmem:v57+s10+$0x0], $0xffff  }
0x19c: {  	v55 =	vor.u32 s2, v25;
	[tilespmem:v37+s13+$0x0] =	vst.idx.msk $0xffff, v40  }
0x19d: {  	v36 =	vld.idx.msk [tilespmem:v36+s10+$0x0], $0xffff;
	[tilespmem:v58+s13+$0x0] =	vst.idx.msk $0xffff, v42;
	v56 =	vor.u32 s25, v28  }
0x19e: {  	v42 =	vld.idx.msk [tilespmem:v59+s10+$0x0], $0xffff;
	v57 =	vor.u32 s4, v26;
	[tilespmem:v60+s13+$0x0] =	vst.idx.msk $0xffff, v45  }
0x19f: {  	v58 =	vor.u32 s0, v27;
	v59 =	vor.u32 s8, v26;
	v46 =	vld.idx.msk [tilespmem:v62+s10+$0x0], $0xffff;
	[tilespmem:v61+s13+$0x0] =	vst.idx.msk $0xffff, v47  }
0x1a0: {  	v60 =	vor.u32 s1, v26;
	v61 =	vor.u32 s7, v27;
	v38 =	vld.idx.msk [tilespmem:v63+s10+$0x0], $0xffff;
	[tilespmem:v52+s13+$0x0] =	vst.idx.msk $0xffff, v54  }
0x1a1: {  	[tilespmem:v34+s13+$0x0] =	vst.idx.msk $0xffff, v39;
	v62 =	vor.u32 s31, v27;
	v63 =	vor.u32 s18, v26;
	v37 =	vld.idx.msk [tilespmem:v55+s10+$0x0], $0xffff  }
0x1a2: {  	v35 =	vld.idx.msk [tilespmem:v35+s10+$0x0], $0xffff;
	v49 =	vor.u32 s2, v27;
	[tilespmem:v56+s13+$0x0] =	vst.idx.msk $0xffff, v36  }
0x1a3: {  	v50 =	vor.u32 s29, v30;
	v33 =	vld.idx.msk [tilespmem:v33+s10+$0x0], $0xffff;
	v51 =	vor.u32 s28, v29;
	[tilespmem:v57+s13+$0x0] =	vst.idx.msk $0xffff, v42  }
0x1a4: {  	v53 =	vor.u32 s4, v28;
	v52 =	vor.u32 s30, v29;
	v43 =	vld.idx.msk [tilespmem:v58+s10+$0x0], $0xffff;
	[tilespmem:v59+s13+$0x0] =	vst.idx.msk $0xffff, v46  }
0x1a5: {  	v54 =	vor.u32 s0, v29;
	v55 =	vor.u32 s8, v28;
	v46 =	vld.idx.msk [tilespmem:v61+s10+$0x0], $0xffff;
	[tilespmem:v60+s13+$0x0] =	vst.idx.msk $0xffff, v38  }
0x1a6: {  	v56 =	vor.u32 s7, v29;
	v57 =	vor.u32 s1, v28;
	v34 =	vld.idx.msk [tilespmem:v62+s10+$0x0], $0xffff;
	[tilespmem:v63+s13+$0x0] =	vst.idx.msk $0xffff, v37  }
0x1a7: {  	[tilespmem:v32+s13+$0x0] =	vst.idx.msk $0xffff, v35;
	v59 =	vor.u32 s31, v29;
	v58 =	vld.idx.msk [tilespmem:v49+s10+$0x0], $0xffff  }
0x1a8: {  	[tilespmem:v50+s13+$0x0] =	vst.idx.msk $0xffff, v33;
	v61 =	vor.u32 s25, v30;
	v60 =	vld.idx.msk [tilespmem:v51+s10+$0x0], $0xffff;
	v62 =	vor.u32 s2, v29  }
0x1a9: {  	v48 =	vld.idx.msk [tilespmem:v52+s10+$0x0], $0xffff;
	v63 =	vor.u32 s26, v30;
	[tilespmem:v53+s13+$0x0] =	vst.idx.msk $0xffff, v43  }
0x1aa: {  	v50 =	vor.u32 s4, v30;
	v49 =	vld.idx.msk [tilespmem:v54+s10+$0x0], $0xffff;
	[tilespmem:v55+s13+$0x0] =	vst.idx.msk $0xffff, v46  }
0x1ab: {  	v51 =	vor.u32 s8, v30;
	v52 =	vld.idx.msk [tilespmem:v56+s10+$0x0], $0xffff;
	[tilespmem:v57+s13+$0x0] =	vst.idx.msk $0xffff, v34  }
0x1ac: {  	v34 =	vld.idx.msk [tilespmem:v59+s10+$0x0], $0xffff;
	[tilespmem:v31+s13+$0x0] =	vst.idx.msk $0xffff, v58;
	v31 =	vor.u32 s1, v30  }
0x1ad: {  	v53 =	vor.u32 s18, v30;
	[tilespmem:v61+s13+$0x0] =	vst.idx.msk $0xffff, v60;
	v33 =	vld.idx.msk [tilespmem:v62+s10+$0x0], $0xffff  }
0x1ae: {  	[tilespmem:v63+s13+$0x0] =	vst.idx.msk $0xffff, v48  }
0x1af: {  	[tilespmem:v50+s13+$0x0] =	vst.idx.msk $0xffff, v49  }
0x1b0: {  	[tilespmem:v51+s13+$0x0] =	vst.idx.msk $0xffff, v52  }
0x1b1: {  	s3 =	simm.s32 $0x400;
	s31 =	sshll.u32 s21, $0x8;
	s26 =	sshll.u32 s21, $0x11;
	[tilespmem:v31+s13+$0x0] =	vst.idx.msk $0xffff, v34  }
0x1b2: {  	s5 =	sadd.s32 $0x2, s24;
	s0 =	sand.u32 $0x1C0000, s26;
	s1 =	sand.u32 $0x100, s31;
	[tilespmem:v53+s13+$0x0] =	vst.idx.msk $0xffff, v33  }
0x1b3: {  	s6 =	sshrl.u32 s5, $0x2;
	s0 =	sor.u32 s0, s1;
	s2 =	rddreg [dreg:$0x6]  }
0x1b4: {  	s4 =	simm.s32 $0x20000;
	s1 =	smul.u32 $0x3E80, s6;
	s0 =	sadd.s32 s0, s2  }
0x1b5: {  	[hbm4b:s0+s3] =	stream.strided.scatter [tilespmem:s13], [sflag:$0x3], $0x4000, s4, s3, $0x38;
	[tilespmem:$0x10200] =	vst v63  }
0x1b6: {  	s9 =	simm.s32 $0x0;
	s7 =	rddreg [dreg:$0x4];
	s0 =	sshll.u32 s5, $0x7  }
0x1b7: {  	s8 =	simm.s32 $0x80;
	s1 =	sadd.s32 s7, s1;
	s0 =	sand.u32 $0x100, s0  }
0x1b8: {  	[tilespmem:s10], [sflag:$0x1] =	stream.indirect.gather [hbm4b:s1+s8], $0x80, s0, s8, $0xb8;
	[tilespmem:$0x10200] =	vst v63  }
0x1b9: {  	s0 =	sand.u32 $0x4, s9  }
0x1ba: {  	s12 =	sor.u32 $0x1, s0  }
0x1bb: {  	s14 =	simm.s32 $0x0;
	s15 =	simm.s32 $0x2;
	s3 =	sshll.u32 s12, $0x4  }
0x1bc: {  	_ =	swait.ge [sflag:s15], $0x4000;
	s16 =	sor.u32 $0x3, s0;
	s9 =	sor.u32 s14, s3  }
0x1bd: {  	[sflag:s15] =	ssyncset.done $0x0;
	s5 =	sshll.u32 s16, $0x4;
	v31 =	vor.u32 s9, v0  }
0x1be: {  	s4 =	simm.s32 @!p0 $0x4;
	[sflag:s15] =	ssyncadd.s32 $0xFFFFC000;
	s26 =	sor.u32 s14, s5  }
0x1bf: {  	_ =	swait.ge @!p0 [sflag:s4], $0x4000;
	v54 =	vor.u32 s26, v0  }
0x1c0: {  	s1 =	sshll.u32 s12, $0xB;
	[sflag:s4] =	ssyncset.done @!p0 $0x0  }
0x1c1: {  	s20 =	sadd.s32 $0x0, s1;
	[sflag:s4] =	ssyncadd.s32 @!p0 $0xFFFFC000  }
0x1c2: {  	s18 =	sshll.u32 s16, $0xB;
	v55 =	vor.u32 s20, v0;
	v31 =	vld.idx.msk [tilespmem:v31+s11+$0x0], $0xffff  }
0x1c3: {  	s19 =	sor.u32 $0x2, s0;
	s24 =	sadd.s32 $0x0, s18;
	v56 =	vor.u32 s9, v1  }
0x1c4: {  	s25 =	sshll.u32 s19, $0x4;
	v57 =	vor.u32 s24, v0;
	v32 =	vld.idx.msk [tilespmem:v54+s11+$0x0], $0xffff  }
0x1c5: {  	s6 =	sor.u32 s14, s25;
	v58 =	vor.u32 s26, v1  }
0x1c6: {  	v59 =	vor.u32 s6, v0  }
0x1c7: {  	[tilespmem:v55+s17+$0x0] =	vst.idx.msk $0xffff, v31  }
0x1c8: {  	v60 =	vor.u32 s20, v2;
	v31 =	vld.idx.msk [tilespmem:v56+s11+$0x0], $0xffff  }
0x1c9: {  	s31 =	sshll.u32 s19, $0xB;
	v61 =	vor.u32 s9, v3;
	[tilespmem:v57+s17+$0x0] =	vst.idx.msk $0xffff, v32  }
0x1ca: {  	s28 =	sadd.s32 $0x0, s31;
	v62 =	vor.u32 s24, v2;
	v32 =	vld.idx.msk [tilespmem:v58+s11+$0x0], $0xffff  }
0x1cb: {  	s3 =	sshll.u32 s0, $0x4;
	v44 =	vor.u32 s28, v0;
	v45 =	vor.u32 s26, v3;
	v63 =	vld.idx.msk [tilespmem:v59+s11+$0x0], $0xffff  }
0x1cc: {  	s29 =	sor.u32 s3, s14;
	v46 =	vor.u32 s6, v1  }
0x1cd: {  	[tilespmem:v60+s17+$0x0] =	vst.idx.msk $0xffff, v31;
	v31 =	vor.u32 s29, v0  }
0x1ce: {  	v47 =	vor.u32 s20, v4;
	v33 =	vld.idx.msk [tilespmem:v61+s11+$0x0], $0xffff  }
0x1cf: {  	v48 =	vor.u32 s9, v5;
	[tilespmem:v62+s17+$0x0] =	vst.idx.msk $0xffff, v32  }
0x1d0: {  	s0 =	sshll.u32 s0, $0xB;
	v49 =	vor.u32 s24, v4;
	[tilespmem:v44+s17+$0x0] =	vst.idx.msk $0xffff, v63;
	v32 =	vld.idx.msk [tilespmem:v45+s11+$0x0], $0xffff  }
0x1d1: {  	s25 =	sadd.s32 $0x0, s0;
	v50 =	vor.u32 s28, v2;
	v51 =	vor.u32 s26, v5;
	v36 =	vld.idx.msk [tilespmem:v46+s11+$0x0], $0xffff  }
0x1d2: {  	v53 =	vor.u32 s6, v3;
	v52 =	vor.u32 s25, v0;
	v31 =	vld.idx.msk [tilespmem:v31+s11+$0x0], $0xffff  }
0x1d3: {  	[tilespmem:v47+s17+$0x0] =	vst.idx.msk $0xffff, v33  }
0x1d4: {  	v54 =	vor.u32 s29, v1;
	v55 =	vor.u32 s20, v6;
	v34 =	vld.idx.msk [tilespmem:v48+s11+$0x0], $0xffff  }
0x1d5: {  	v56 =	vor.u32 s9, v7;
	[tilespmem:v49+s17+$0x0] =	vst.idx.msk $0xffff, v32  }
0x1d6: {  	v57 =	vor.u32 s24, v6;
	[tilespmem:v50+s17+$0x0] =	vst.idx.msk $0xffff, v36;
	v32 =	vld.idx.msk [tilespmem:v51+s11+$0x0], $0xffff  }
0x1d7: {  	v59 =	vor.u32 s26, v7;
	v58 =	vor.u32 s28, v4;
	[tilespmem:v52+s17+$0x0] =	vst.idx.msk $0xffff, v31;
	v31 =	vld.idx.msk [tilespmem:v53+s11+$0x0], $0xffff;
	_ =	sdelay $0x1  }
0x1d8: {  	v60 =	vor.u32 s25, v2;
	v61 =	vor.u32 s6, v5;
	v33 =	vld.idx.msk [tilespmem:v54+s11+$0x0], $0xffff;
	[tilespmem:v55+s17+$0x0] =	vst.idx.msk $0xffff, v34  }
0x1d9: {  	v63 =	vor.u32 s20, v8;
	v62 =	vor.u32 s29, v3;
	v40 =	vld.idx.msk [tilespmem:v56+s11+$0x0], $0xffff  }
0x1da: {  	v45 =	vor.u32 s9, v9;
	[tilespmem:v57+s17+$0x0] =	vst.idx.msk $0xffff, v32  }
0x1db: {  	v46 =	vor.u32 s24, v8;
	[tilespmem:v58+s17+$0x0] =	vst.idx.msk $0xffff, v31;
	v31 =	vld.idx.msk [tilespmem:v59+s11+$0x0], $0xffff  }
0x1dc: {  	v49 =	vor.u32 s26, v9  }
0x1dd: {  	v48 =	vor.u32 s28, v6;
	[tilespmem:v60+s17+$0x0] =	vst.idx.msk $0xffff, v33;
	v47 =	vld.idx.msk [tilespmem:v61+s11+$0x0], $0xffff  }
0x1de: {  	v50 =	vor.u32 s25, v4;
	v51 =	vor.u32 s6, v7;
	v34 =	vld.idx.msk [tilespmem:v62+s11+$0x0], $0xffff;
	[tilespmem:v63+s17+$0x0] =	vst.idx.msk $0xffff, v40  }
0x1df: {  	v52 =	vor.u32 s29, v5;
	v53 =	vor.u32 s20, v10;
	v40 =	vld.idx.msk [tilespmem:v45+s11+$0x0], $0xffff  }
0x1e0: {  	v54 =	vor.u32 s9, v11;
	[tilespmem:v46+s17+$0x0] =	vst.idx.msk $0xffff, v31  }
0x1e1: {  	v55 =	vor.u32 s24, v10;
	v31 =	vld.idx.msk [tilespmem:v49+s11+$0x0], $0xffff  }
0x1e2: {  	v56 =	vor.u32 s26, v11;
	[tilespmem:v48+s17+$0x0] =	vst.idx.msk $0xffff, v47  }
0x1e3: {  	v58 =	vor.u32 s28, v8;
	[tilespmem:v50+s17+$0x0] =	vst.idx.msk $0xffff, v34;
	v57 =	vld.idx.msk [tilespmem:v51+s11+$0x0], $0xffff  }
0x1e4: {  	v60 =	vor.u32 s25, v6;
	v61 =	vor.u32 s6, v9;
	v59 =	vld.idx.msk [tilespmem:v52+s11+$0x0], $0xffff;
	[tilespmem:v53+s17+$0x0] =	vst.idx.msk $0xffff, v40  }
0x1e5: {  	v62 =	vor.u32 s29, v7;
	v63 =	vor.u32 s20, v12;
	v40 =	vld.idx.msk [tilespmem:v54+s11+$0x0], $0xffff  }
0x1e6: {  	v45 =	vor.u32 s9, v13;
	[tilespmem:v55+s17+$0x0] =	vst.idx.msk $0xffff, v31  }
0x1e7: {  	v46 =	vor.u32 s24, v12;
	v31 =	vld.idx.msk [tilespmem:v56+s11+$0x0], $0xffff  }
0x1e8: {  	v47 =	vor.u32 s26, v13;
	[tilespmem:v58+s17+$0x0] =	vst.idx.msk $0xffff, v57  }
0x1e9: {  	v48 =	vor.u32 s28, v10;
	[tilespmem:v60+s17+$0x0] =	vst.idx.msk $0xffff, v59;
	v34 =	vld.idx.msk [tilespmem:v61+s11+$0x0], $0xffff  }
0x1ea: {  	s19 =	simm.s32 $0x4;
	v49 =	vor.u32 s25, v8;
	v50 =	vor.u32 s6, v11;
	v36 =	vld.idx.msk [tilespmem:v62+s11+$0x0], $0xffff;
	[tilespmem:v63+s17+$0x0] =	vst.idx.msk $0xffff, v40  }
0x1eb: {  	s3 =	sand.u32 $0x4, s19;
	v51 =	vor.u32 s29, v9;
	v52 =	vor.u32 s20, v14;
	v40 =	vld.idx.msk [tilespmem:v45+s11+$0x0], $0xffff  }
0x1ec: {  	s18 =	sor.u32 $0x3, s3;
	v53 =	vor.u32 s9, v15;
	[tilespmem:v46+s17+$0x0] =	vst.idx.msk $0xffff, v31  }
0x1ed: {  	s31 =	simm.s32 $0x0;
	s12 =	sshll.u32 s18, $0x4;
	v54 =	vor.u32 s24, v14;
	v31 =	vld.idx.msk [tilespmem:v47+s11+$0x0], $0xffff  }
0x1ee: {  	s30 =	sor.u32 s31, s12;
	v55 =	vor.u32 s26, v15;
	[tilespmem:v48+s17+$0x0] =	vst.idx.msk $0xffff, v34  }
0x1ef: {  	v56 =	vor.u32 s28, v12;
	v48 =	vor.u32 s30, v0;
	[tilespmem:v49+s17+$0x0] =	vst.idx.msk $0xffff, v36;
	v34 =	vld.idx.msk [tilespmem:v50+s11+$0x0], $0xffff  }
0x1f0: {  	s4 =	sor.u32 $0x1, s3;
	v57 =	vor.u32 s25, v10;
	v58 =	vor.u32 s6, v13;
	v36 =	vld.idx.msk [tilespmem:v51+s11+$0x0], $0xffff;
	[tilespmem:v52+s17+$0x0] =	vst.idx.msk $0xffff, v40  }
0x1f1: {  	s8 =	sshll.u32 s4, $0x4;
	v60 =	vor.u32 s20, v16;
	v61 =	vor.u32 s29, v11;
	v59 =	vld.idx.msk [tilespmem:v53+s11+$0x0], $0xffff  }
0x1f2: {  	s14 =	sor.u32 $0x2, s3;
	s0 =	sor.u32 s31, s8;
	v62 =	vor.u32 s9, v17;
	[tilespmem:v54+s17+$0x0] =	vst.idx.msk $0xffff, v31  }
0x1f3: {  	s15 =	sshll.u32 s14, $0x4;
	v63 =	vor.u32 s24, v16;
	v31 =	vor.u32 s0, v0;
	v32 =	vld.idx.msk [tilespmem:v55+s11+$0x0], $0xffff  }
0x1f4: {  	s16 =	sshll.u32 s3, $0x4;
	s7 =	sor.u32 s31, s15;
	v49 =	vor.u32 s26, v17;
	v33 =	vld.idx.msk [tilespmem:v48+s11+$0x0], $0xffff;
	[tilespmem:v56+s17+$0x0] =	vst.idx.msk $0xffff, v34  }
0x1f5: {  	s2 =	sor.u32 s16, s31;
	s18 =	sshll.u32 s18, $0xB;
	s1 =	sshll.u32 s4, $0xB;
	v50 =	vor.u32 s28, v14;
	v51 =	vor.u32 s7, v0;
	[tilespmem:v57+s17+$0x0] =	vst.idx.msk $0xffff, v36;
	v34 =	vld.idx.msk [tilespmem:v58+s11+$0x0], $0xffff  }
0x1f6: {  	s4 =	sadd.s32 $0x0, s1;
	s1 =	sadd.s32 $0x0, s18;
	v52 =	vor.u32 s25, v12;
	v54 =	vor.u32 s2, v0;
	v38 =	vld.idx.msk [tilespmem:v61+s11+$0x0], $0xffff;
	[tilespmem:v60+s17+$0x0] =	vst.idx.msk $0xffff, v59  }
0x1f7: {  	v53 =	vor.u32 s6, v15;
	v59 =	vor.u32 s1, v0;
	v40 =	vld.idx.msk [tilespmem:v62+s11+$0x0], $0xffff  }
0x1f8: {  	v56 =	vor.u32 s4, v0;
	v57 =	vor.u32 s29, v13;
	v31 =	vld.idx.msk [tilespmem:v31+s11+$0x0], $0xffff;
	[tilespmem:v63+s17+$0x0] =	vst.idx.msk $0xffff, v32  }
0x1f9: {  	s31 =	sshll.u32 s14, $0xB;
	v55 =	vor.u32 s20, v18;
	v60 =	vor.u32 s30, v1;
	v35 =	vld.idx.msk [tilespmem:v49+s11+$0x0], $0xffff  }
0x1fa: {  	s8 =	sadd.s32 $0x0, s31;
	v58 =	vor.u32 s0, v1;
	v61 =	vor.u32 s24, v18;
	[tilespmem:v50+s17+$0x0] =	vst.idx.msk $0xffff, v34;
	v34 =	vld.idx.msk [tilespmem:v51+s11+$0x0], $0xffff  }
0x1fb: {  	s3 =	sshll.u32 s3, $0xB;
	v62 =	vor.u32 s26, v19;
	v63 =	vor.u32 s8, v0;
	v51 =	vld.idx.msk [tilespmem:v54+s11+$0x0], $0xffff;
	[tilespmem:v52+s17+$0x0] =	vst.idx.msk $0xffff, v38  }
0x1fc: {  	s18 =	sadd.s32 $0x0, s3;
	v50 =	vor.u32 s28, v16;
	v49 =	vld.idx.msk [tilespmem:v53+s11+$0x0], $0xffff;
	v52 =	vor.u32 s7, v1;
	[tilespmem:v59+s17+$0x0] =	vst.idx.msk $0xffff, v33  }
0x1fd: {  	v54 =	vor.u32 s6, v17;
	v53 =	vor.u32 s18, v0;
	[tilespmem:v56+s17+$0x0] =	vst.idx.msk $0xffff, v31;
	v31 =	vld.idx.msk [tilespmem:v57+s11+$0x0], $0xffff  }
0x1fe: {  	[tilespmem:v55+s17+$0x0] =	vst.idx.msk $0xffff, v40;
	v55 =	vor.u32 s25, v14;
	v56 =	vor.u32 s2, v1;
	v36 =	vld.idx.msk [tilespmem:v60+s11+$0x0], $0xffff  }
0x1ff: {  	v57 =	vor.u32 s29, v15;
	v45 =	vld.idx.msk [tilespmem:v58+s11+$0x0], $0xffff;
	v58 =	vor.u32 s4, v2;
	[tilespmem:v61+s17+$0x0] =	vst.idx.msk $0xffff, v35  }
0x200: {  	v59 =	vor.u32 s0, v3;
	v60 =	vor.u32 s1, v2;
	[tilespmem:v63+s17+$0x0] =	vst.idx.msk $0xffff, v34;
	v37 =	vld.idx.msk [tilespmem:v62+s11+$0x0], $0xffff  }
0x201: {  	v61 =	vor.u32 s30, v3;
	v42 =	vld.idx.msk [tilespmem:v52+s11+$0x0], $0xffff;
	[tilespmem:v50+s17+$0x0] =	vst.idx.msk $0xffff, v49;
	v62 =	vor.u32 s24, v20  }
0x202: {  	v63 =	vor.u32 s9, v19;
	[tilespmem:v53+s17+$0x0] =	vst.idx.msk $0xffff, v51;
	v52 =	vor.u32 s8, v2;
	v32 =	vld.idx.msk [tilespmem:v54+s11+$0x0], $0xffff  }
0x203: {  	v53 =	vor.u32 s26, v21;
	v44 =	vld.idx.msk [tilespmem:v56+s11+$0x0], $0xffff;
	[tilespmem:v55+s17+$0x0] =	vst.idx.msk $0xffff, v31;
	v31 =	vor.u32 s28, v18  }
0x204: {  	v56 =	vor.u32 s18, v2;
	[tilespmem:v58+s17+$0x0] =	vst.idx.msk $0xffff, v45;
	v33 =	vld.idx.msk [tilespmem:v57+s11+$0x0], $0xffff;
	v57 =	vor.u32 s6, v19  }
0x205: {  	[tilespmem:v60+s17+$0x0] =	vst.idx.msk $0xffff, v36;
	v58 =	vor.u32 s25, v16;
	v35 =	vld.idx.msk [tilespmem:v59+s11+$0x0], $0xffff;
	v59 =	vor.u32 s7, v3  }
0x206: {  	v49 =	vor.u32 s29, v17;
	v50 =	vor.u32 s4, v4;
	v47 =	vld.idx.msk [tilespmem:v61+s11+$0x0], $0xffff;
	[tilespmem:v62+s17+$0x0] =	vst.idx.msk $0xffff, v37  }
0x207: {  	v38 =	vor.u32 s1, v4;
	v51 =	vor.u32 s0, v5;
	v39 =	vld.idx.msk [tilespmem:v63+s11+$0x0], $0xffff;
	[tilespmem:v52+s17+$0x0] =	vst.idx.msk $0xffff, v42  }
0x208: {  	v54 =	vor.u32 s30, v5;
	v55 =	vor.u32 s20, v20;
	[tilespmem:v31+s17+$0x0] =	vst.idx.msk $0xffff, v32;
	v31 =	vld.idx.msk [tilespmem:v53+s11+$0x0], $0xffff  }
0x209: {  	v60 =	vor.u32 s9, v21;
	v62 =	vor.u32 s24, v22;
	[tilespmem:v56+s17+$0x0] =	vst.idx.msk $0xffff, v44;
	v61 =	vld.idx.msk [tilespmem:v57+s11+$0x0], $0xffff  }
0x20a: {  	v63 =	vor.u32 s2, v3;
	v53 =	vor.u32 s28, v20;
	[tilespmem:v58+s17+$0x0] =	vst.idx.msk $0xffff, v33;
	v52 =	vld.idx.msk [tilespmem:v59+s11+$0x0], $0xffff  }
0x20b: {  	v56 =	vor.u32 s8, v4;
	v57 =	vor.u32 s6, v21;
	[tilespmem:v50+s17+$0x0] =	vst.idx.msk $0xffff, v35;
	v34 =	vld.idx.msk [tilespmem:v49+s11+$0x0], $0xffff  }
0x20c: {  	v58 =	vor.u32 s25, v18;
	v59 =	vor.u32 s7, v5;
	[tilespmem:v38+s17+$0x0] =	vst.idx.msk $0xffff, v47;
	v37 =	vld.idx.msk [tilespmem:v51+s11+$0x0], $0xffff  }
0x20d: {  	v49 =	vor.u32 s29, v19;
	v50 =	vor.u32 s4, v6;
	[tilespmem:v55+s17+$0x0] =	vst.idx.msk $0xffff, v39;
	v40 =	vld.idx.msk [tilespmem:v54+s11+$0x0], $0xffff  }
0x20e: {  	v51 =	vor.u32 s0, v7;
	v54 =	vor.u32 s1, v6;
	v32 =	vld.idx.msk [tilespmem:v60+s11+$0x0], $0xffff;
	[tilespmem:v62+s17+$0x0] =	vst.idx.msk $0xffff, v31  }
0x20f: {  	v55 =	vor.u32 s30, v7;
	v60 =	vor.u32 s20, v22;
	v31 =	vld.idx.msk [tilespmem:v63+s11+$0x0], $0xffff;
	[tilespmem:v53+s17+$0x0] =	vst.idx.msk $0xffff, v61  }
0x210: {  	v62 =	vor.u32 s9, v23;
	v61 =	vor.u32 s18, v4;
	[tilespmem:v56+s17+$0x0] =	vst.idx.msk $0xffff, v52;
	v36 =	vld.idx.msk [tilespmem:v57+s11+$0x0], $0xffff  }
0x211: {  	v63 =	vor.u32 s2, v5;
	[tilespmem:v58+s17+$0x0] =	vst.idx.msk $0xffff, v34;
	v52 =	vor.u32 s28, v22;
	v45 =	vld.idx.msk [tilespmem:v59+s11+$0x0], $0xffff  }
0x212: {  	v53 =	vor.u32 s8, v6;
	v58 =	vor.u32 s26, v23;
	[tilespmem:v50+s17+$0x0] =	vst.idx.msk $0xffff, v37;
	v38 =	vld.idx.msk [tilespmem:v49+s11+$0x0], $0xffff  }
0x213: {  	v56 =	vor.u32 s6, v23;
	v57 =	vor.u32 s25, v20;
	[tilespmem:v54+s17+$0x0] =	vst.idx.msk $0xffff, v40;
	v39 =	vld.idx.msk [tilespmem:v51+s11+$0x0], $0xffff  }
0x214: {  	v42 =	vor.u32 s29, v21;
	v59 =	vor.u32 s4, v8;
	[tilespmem:v60+s17+$0x0] =	vst.idx.msk $0xffff, v32;
	v43 =	vld.idx.msk [tilespmem:v55+s11+$0x0], $0xffff  }
0x215: {  	v54 =	vor.u32 s1, v8;
	v55 =	vld.idx.msk [tilespmem:v62+s11+$0x0], $0xffff;
	[tilespmem:v61+s17+$0x0] =	vst.idx.msk $0xffff, v31;
	v31 =	vor.u32 s0, v9  }
0x216: {  	v62 =	vor.u32 s20, v24;
	v61 =	vor.u32 s30, v9;
	v60 =	vld.idx.msk [tilespmem:v63+s11+$0x0], $0xffff;
	[tilespmem:v52+s17+$0x0] =	vst.idx.msk $0xffff, v36  }
0x217: {  	v63 =	vor.u32 s18, v6;
	v52 =	vor.u32 s9, v25;
	v40 =	vld.idx.msk [tilespmem:v58+s11+$0x0], $0xffff;
	[tilespmem:v53+s17+$0x0] =	vst.idx.msk $0xffff, v45  }
0x218: {  	v58 =	vor.u32 s7, v7;
	v53 =	vld.idx.msk [tilespmem:v56+s11+$0x0], $0xffff;
	[tilespmem:v57+s17+$0x0] =	vst.idx.msk $0xffff, v38;
	v57 =	vor.u32 s28, v24  }
0x219: {  	v56 =	vor.u32 s2, v7;
	[tilespmem:v59+s17+$0x0] =	vst.idx.msk $0xffff, v39;
	v42 =	vld.idx.msk [tilespmem:v42+s11+$0x0], $0xffff;
	v59 =	vor.u32 s24, v24  }
0x21a: {  	v47 =	vor.u32 s25, v22;
	v32 =	vor.u32 s26, v25;
	[tilespmem:v54+s17+$0x0] =	vst.idx.msk $0xffff, v43;
	v31 =	vld.idx.msk [tilespmem:v31+s11+$0x0], $0xffff  }
0x21b: {  	v48 =	vor.u32 s4, v10;
	v43 =	vor.u32 s29, v23;
	[tilespmem:v62+s17+$0x0] =	vst.idx.msk $0xffff, v55;
	v41 =	vld.idx.msk [tilespmem:v61+s11+$0x0], $0xffff  }
0x21c: {  	v61 =	vor.u32 s1, v10;
	[tilespmem:v63+s17+$0x0] =	vst.idx.msk $0xffff, v60;
	v60 =	vor.u32 s0, v11;
	v62 =	vld.idx.msk [tilespmem:v52+s11+$0x0], $0xffff  }
0x21d: {  	v54 =	vor.u32 s30, v11;
	v55 =	vor.u32 s20, v26;
	v39 =	vld.idx.msk [tilespmem:v58+s11+$0x0], $0xffff;
	[tilespmem:v57+s17+$0x0] =	vst.idx.msk $0xffff, v53  }
0x21e: {  	v58 =	vor.u32 s6, v25;
	v63 =	vld.idx.msk [tilespmem:v56+s11+$0x0], $0xffff;
	v57 =	vor.u32 s18, v8;
	[tilespmem:v59+s17+$0x0] =	vst.idx.msk $0xffff, v40  }
0x21f: {  	v56 =	vor.u32 s9, v27;
	v59 =	vor.u32 s8, v8;
	[tilespmem:v47+s17+$0x0] =	vst.idx.msk $0xffff, v42;
	v32 =	vld.idx.msk [tilespmem:v32+s11+$0x0], $0xffff  }
0x220: {  	v42 =	vor.u32 s24, v26;
	v43 =	vld.idx.msk [tilespmem:v43+s11+$0x0], $0xffff;
	[tilespmem:v48+s17+$0x0] =	vst.idx.msk $0xffff, v31;
	v31 =	vor.u32 s7, v9  }
0x221: {  	v47 =	vor.u32 s25, v24;
	v48 =	vor.u32 s2, v9;
	[tilespmem:v61+s17+$0x0] =	vst.idx.msk $0xffff, v41;
	v49 =	vld.idx.msk [tilespmem:v60+s11+$0x0], $0xffff  }
0x222: {  	v35 =	vor.u32 s29, v27;
	v34 =	vor.u32 s29, v25;
	v41 =	vor.u32 s4, v12;
	v44 =	vld.idx.msk [tilespmem:v54+s11+$0x0], $0xffff;
	[tilespmem:v55+s17+$0x0] =	vst.idx.msk $0xffff, v62  }
0x223: {  	v46 =	vor.u32 s1, v14;
	v50 =	vor.u32 s0, v13;
	v60 =	vor.u32 s1, v12;
	v54 =	vld.idx.msk [tilespmem:v58+s11+$0x0], $0xffff;
	[tilespmem:v57+s17+$0x0] =	vst.idx.msk $0xffff, v63  }
0x224: {  	v37 =	vor.u32 s20, v30;
	v62 =	vor.u32 s30, v13;
	v61 =	vld.idx.msk [tilespmem:v56+s11+$0x0], $0xffff;
	v63 =	vor.u32 s20, v28;
	[tilespmem:v59+s17+$0x0] =	vst.idx.msk $0xffff, v39  }
0x225: {  	v51 =	vor.u32 s9, v29;
	v56 =	vor.u32 s28, v26;
	[tilespmem:v42+s17+$0x0] =	vst.idx.msk $0xffff, v32;
	v57 =	vld.idx.msk [tilespmem:v31+s11+$0x0], $0xffff  }
0x226: {  	v33 =	vor.u32 s6, v29;
	v55 =	vor.u32 s6, v27;
	v58 =	vor.u32 s8, v10;
	[tilespmem:v47+s17+$0x0] =	vst.idx.msk $0xffff, v43;
	v45 =	vld.idx.msk [tilespmem:v48+s11+$0x0], $0xffff  }
0x227: {  	v36 =	vor.u32 s26, v27;
	[tilespmem:v41+s17+$0x0] =	vst.idx.msk $0xffff, v49;
	v41 =	vld.idx.msk [tilespmem:v34+s11+$0x0], $0xffff;
	v49 =	vor.u32 s18, v10  }
0x228: {  	v38 =	vor.u32 s25, v26;
	[tilespmem:v60+s17+$0x0] =	vst.idx.msk $0xffff, v44;
	v43 =	vld.idx.msk [tilespmem:v50+s11+$0x0], $0xffff;
	v50 =	vor.u32 s7, v11  }
0x229: {  	v32 =	vor.u32 s25, v28;
	v48 =	vor.u32 s4, v14;
	v42 =	vld.idx.msk [tilespmem:v62+s11+$0x0], $0xffff;
	[tilespmem:v63+s17+$0x0] =	vst.idx.msk $0xffff, v61  }
0x22a: {  	v47 =	vor.u32 s0, v15;
	v31 =	vor.u32 s18, v28;
	[tilespmem:v56+s17+$0x0] =	vst.idx.msk $0xffff, v54;
	v40 =	vld.idx.msk [tilespmem:v51+s11+$0x0], $0xffff  }
0x22b: {  	v34 =	vor.u32 s28, v28;
	v44 =	vor.u32 s30, v15;
	v39 =	vld.idx.msk [tilespmem:v55+s11+$0x0], $0xffff;
	[tilespmem:v58+s17+$0x0] =	vst.idx.msk $0xffff, v57  }
.LBB2_5:
0x22c: {  	s19 =	sadd.s32 $0x4, s19;
	[tilespmem:v49+s17+$0x0] =	vst.idx.msk $0xffff, v45;
	v36 =	vld.idx.msk [tilespmem:v36+s11+$0x0], $0xffff;
	v49 =	vor.u32 s26, v29  }
0x22d: {  	s3 =	sshrl.u32 s19, $0x3;
	s5 =	sand.u32 $0x4, s19;
	p0 =	slt.u32 s19, $0x3C;
	v45 =	vld.idx.msk [tilespmem:v50+s11+$0x0], $0xffff;
	[tilespmem:v38+s17+$0x0] =	vst.idx.msk $0xffff, v41;
	v38 =	vor.u32 s29, v29;
	v41 =	vor.u32 s24, v28  }
0x22e: {  	s6 =	sor.u32 $0x1, s5;
	s9 =	sor.u32 $0x2, s5;
	s12 =	sor.u32 $0x3, s5;
	[tilespmem:v48+s17+$0x0] =	vst.idx.msk $0xffff, v43;
	v43 =	vor.u32 s8, v12;
	v35 =	vld.idx.msk [tilespmem:v35+s11+$0x0], $0xffff;
	v48 =	vor.u32 s28, v30  }
0x22f: {  	v50 =	vor.u32 s7, v13;
	s14 =	sshll.u32 s3, $0xB;
	s15 =	sshll.u32 s9, $0xB;
	s16 =	sshll.u32 s12, $0x4;
	v47 =	vld.idx.msk [tilespmem:v47+s11+$0x0], $0xffff;
	[tilespmem:v46+s17+$0x0] =	vst.idx.msk $0xffff, v42  }
0x230: {  	s20 =	sshll.u32 s6, $0x4;
	s28 =	sshll.u32 s9, $0x4;
	s12 =	sshll.u32 s12, $0xB;
	v42 =	vor.u32 s4, v16;
	v44 =	vld.idx.msk [tilespmem:v44+s11+$0x0], $0xffff;
	[tilespmem:v37+s17+$0x0] =	vst.idx.msk $0xffff, v40  }
0x231: {  	v51 =	vor.u32 s4, v18;
	s26 =	sshll.u32 s5, $0x4;
	s9 =	sor.u32 s14, s20;
	s16 =	sor.u32 s14, s16;
	v37 =	vor.u32 s2, v11;
	v40 =	vor.u32 s1, v16;
	[tilespmem:v34+s17+$0x0] =	vst.idx.msk $0xffff, v39  }
0x232: {  	s3 =	sshll.u32 s3, $0x4;
	s5 =	sshll.u32 s5, $0xB;
	s6 =	sshll.u32 s6, $0xB;
	v34 =	vor.u32 s9, v0;
	v39 =	vor.u32 s0, v17;
	v33 =	vld.idx.msk [tilespmem:v33+s11+$0x0], $0xffff;
	[tilespmem:v41+s17+$0x0] =	vst.idx.msk $0xffff, v36  }
0x233: {  	s5 =	sadd.s32 s3, s5;
	s6 =	sadd.s32 s3, s6;
	s12 =	sadd.s32 s3, s12;
	v36 =	vor.u32 s16, v0;
	v41 =	vor.u32 s25, v30;
	[tilespmem:v43+s17+$0x0] =	vst.idx.msk $0xffff, v45;
	v43 =	vld.idx.msk [tilespmem:v49+s11+$0x0], $0xffff  }
0x234: {  	s31 =	sor.u32 s26, s14;
	s26 =	smov.u32 s30;
	s3 =	sadd.s32 s3, s15;
	v45 =	vld.idx.msk [tilespmem:v50+s11+$0x0], $0xffff;
	[tilespmem:v32+s17+$0x0] =	vst.idx.msk $0xffff, v35;
	v35 =	vor.u32 s24, v30;
	v32 =	vmov v31;
	v31 =	vor.u32 s5, v28  }
0x235: {  	s20 =	sor.u32 s14, s28;
	v46 =	vor.u32 s26, v17;
	s30 =	smov.u32 s16;
	s25 =	smov.u32 s18;
	[tilespmem:v42+s17+$0x0] =	vst.idx.msk $0xffff, v47;
	v42 =	vor.u32 s8, v14;
	v38 =	vld.idx.msk [tilespmem:v38+s11+$0x0], $0xffff  }
0x236: {  	v52 =	vor.u32 s26, v19;
	s18 =	smov.u32 s5;
	s24 =	smov.u32 s1;
	s1 =	smov.u32 s12;
	v47 =	vor.u32 s20, v0;
	v37 =	vld.idx.msk [tilespmem:v37+s11+$0x0], $0xffff;
	[tilespmem:v40+s17+$0x0] =	vst.idx.msk $0xffff, v44  }
0x237: {  	s29 =	smov.u32 s2;
	s2 =	smov.u32 s31;
	s28 =	smov.u32 s8;
	v49 =	vor.u32 s7, v15;
	v40 =	vor.u32 s18, v0;
	v44 =	vor.u32 s25, v12;
	v39 =	vld.idx.msk [tilespmem:v39+s11+$0x0], $0xffff  }
0x238: {  	v50 =	vor.u32 s2, v0;
	s8 =	smov.u32 s3;
	v34 =	vld.idx.msk [tilespmem:v34+s11+$0x0], $0xffff;
	[tilespmem:v48+s17+$0x0] =	vst.idx.msk $0xffff, v33;
	v33 =	vor.u32 s6, v0  }
0x239: {  	v48 =	vor.u32 s29, v13;
	v36 =	vld.idx.msk [tilespmem:v36+s11+$0x0], $0xffff;
	[tilespmem:v35+s17+$0x0] =	vst.idx.msk $0xffff, v43;
	v35 =	vor.u32 s9, v1  }
0x23a: {  	v43 =	vor.u32 s1, v0;
	[tilespmem:v42+s17+$0x0] =	vst.idx.msk $0xffff, v45;
	v42 =	vld.idx.msk [tilespmem:v46+s11+$0x0], $0xffff;
	v46 =	vor.u32 s30, v1  }
0x23b: {  	v45 =	vld.idx.msk [tilespmem:v47+s11+$0x0], $0xffff;
	v47 =	vor.u32 s24, v18;
	[tilespmem:v41+s17+$0x0] =	vst.idx.msk $0xffff, v38;
	v38 =	vor.u32 s8, v0  }
0x23c: {  	[tilespmem:v44+s17+$0x0] =	vst.idx.msk $0xffff, v37;
	v37 =	vor.u32 s25, v14;
	v41 =	vld.idx.msk [tilespmem:v49+s11+$0x0], $0xffff;
	v44 =	vor.u32 s28, v16  }
0x23d: {  	v53 =	vor.u32 s29, v15;
	v49 =	vld.idx.msk [tilespmem:v50+s11+$0x0], $0xffff;
	v50 =	vor.u32 s20, v1;
	[tilespmem:v51+s17+$0x0] =	vst.idx.msk $0xffff, v39  }
0x23e: {  	[tilespmem:v33+s17+$0x0] =	vst.idx.msk $0xffff, v34;
	v33 =	vld.idx.msk [tilespmem:v48+s11+$0x0], $0xffff;
	v34 =	vor.u32 s7, v17  }
0x23f: {  	v39 =	vor.u32 s2, v1;
	v48 =	vor.u32 s30, v3;
	v35 =	vld.idx.msk [tilespmem:v35+s11+$0x0], $0xffff;
	[tilespmem:v43+s17+$0x0] =	vst.idx.msk $0xffff, v36  }
0x240: {  	v36 =	vor.u32 s6, v2;
	v43 =	vld.idx.msk [tilespmem:v46+s11+$0x0], $0xffff;
	[tilespmem:v47+s17+$0x0] =	vst.idx.msk $0xffff, v42;
	v42 =	vor.u32 s9, v3  }
0x241: {  	[tilespmem:v38+s17+$0x0] =	vst.idx.msk $0xffff, v45;
	v38 =	vor.u32 s1, v2;
	v45 =	vor.u32 s0, v19;
	v46 =	vld.idx.msk [tilespmem:v52+s11+$0x0], $0xffff  }
0x242: {  	v47 =	vld.idx.msk [tilespmem:v50+s11+$0x0], $0xffff;
	[tilespmem:v44+s17+$0x0] =	vst.idx.msk $0xffff, v41;
	v41 =	vor.u32 s24, v20;
	v44 =	vor.u32 s26, v21  }
0x243: {  	[tilespmem:v40+s17+$0x0] =	vst.idx.msk $0xffff, v49;
	v40 =	vor.u32 s8, v2;
	v49 =	vor.u32 s25, v16;
	v34 =	vld.idx.msk [tilespmem:v34+s11+$0x0], $0xffff  }
0x244: {  	v39 =	vld.idx.msk [tilespmem:v39+s11+$0x0], $0xffff;
	[tilespmem:v37+s17+$0x0] =	vst.idx.msk $0xffff, v33;
	v33 =	vor.u32 s29, v17;
	v37 =	vor.u32 s28, v18  }
0x245: {  	v50 =	vor.u32 s18, v2;
	[tilespmem:v36+s17+$0x0] =	vst.idx.msk $0xffff, v35;
	v35 =	vld.idx.msk [tilespmem:v53+s11+$0x0], $0xffff;
	v36 =	vor.u32 s7, v19  }
0x246: {  	v51 =	vor.u32 s20, v3;
	v42 =	vld.idx.msk [tilespmem:v42+s11+$0x0], $0xffff;
	[tilespmem:v38+s17+$0x0] =	vst.idx.msk $0xffff, v43;
	v38 =	vor.u32 s6, v4  }
0x247: {  	v43 =	vld.idx.msk [tilespmem:v48+s11+$0x0], $0xffff;
	[tilespmem:v41+s17+$0x0] =	vst.idx.msk $0xffff, v46;
	v41 =	vor.u32 s9, v5;
	v46 =	vor.u32 s0, v21  }
0x248: {  	v48 =	vor.u32 s4, v20;
	[tilespmem:v40+s17+$0x0] =	vst.idx.msk $0xffff, v47;
	v40 =	vor.u32 s1, v4;
	v45 =	vld.idx.msk [tilespmem:v45+s11+$0x0], $0xffff  }
0x249: {  	v47 =	vor.u32 s30, v5;
	[tilespmem:v37+s17+$0x0] =	vst.idx.msk $0xffff, v34;
	v34 =	vld.idx.msk [tilespmem:v44+s11+$0x0], $0xffff;
	v37 =	vor.u32 s25, v18  }
0x24a: {  	v44 =	vor.u32 s2, v3;
	[tilespmem:v50+s17+$0x0] =	vst.idx.msk $0xffff, v39;
	v36 =	vld.idx.msk [tilespmem:v36+s11+$0x0], $0xffff;
	v39 =	vor.u32 s24, v22  }
0x24b: {  	v50 =	vld.idx.msk [tilespmem:v51+s11+$0x0], $0xffff;
	[tilespmem:v49+s17+$0x0] =	vst.idx.msk $0xffff, v35;
	v35 =	vor.u32 s29, v19;
	v49 =	vor.u32 s28, v20  }
0x24c: {  	[tilespmem:v38+s17+$0x0] =	vst.idx.msk $0xffff, v42;
	v38 =	vor.u32 s8, v4;
	v33 =	vld.idx.msk [tilespmem:v33+s11+$0x0], $0xffff;
	v42 =	vor.u32 s7, v21  }
0x24d: {  	v51 =	vor.u32 s20, v5;
	v41 =	vld.idx.msk [tilespmem:v41+s11+$0x0], $0xffff;
	[tilespmem:v40+s17+$0x0] =	vst.idx.msk $0xffff, v43;
	v40 =	vor.u32 s6, v6  }
0x24e: {  	v43 =	vld.idx.msk [tilespmem:v47+s11+$0x0], $0xffff;
	[tilespmem:v48+s17+$0x0] =	vst.idx.msk $0xffff, v45;
	v45 =	vor.u32 s9, v7;
	v47 =	vor.u32 s1, v6  }
0x24f: {  	v48 =	vor.u32 s0, v23;
	v46 =	vld.idx.msk [tilespmem:v46+s11+$0x0], $0xffff;
	[tilespmem:v39+s17+$0x0] =	vst.idx.msk $0xffff, v34;
	v39 =	vor.u32 s30, v7  }
0x250: {  	v34 =	vld.idx.msk [tilespmem:v44+s11+$0x0], $0xffff;
	v44 =	vor.u32 s4, v22;
	[tilespmem:v49+s17+$0x0] =	vst.idx.msk $0xffff, v36;
	v36 =	vor.u32 s18, v4  }
0x251: {  	v49 =	vor.u32 s2, v5;
	[tilespmem:v38+s17+$0x0] =	vst.idx.msk $0xffff, v50;
	v38 =	vor.u32 s25, v20;
	v42 =	vld.idx.msk [tilespmem:v42+s11+$0x0], $0xffff  }
0x252: {  	v50 =	vld.idx.msk [tilespmem:v51+s11+$0x0], $0xffff;
	[tilespmem:v37+s17+$0x0] =	vst.idx.msk $0xffff, v33;
	v33 =	vor.u32 s29, v21;
	v37 =	vor.u32 s28, v22  }
0x253: {  	[tilespmem:v40+s17+$0x0] =	vst.idx.msk $0xffff, v41;
	v40 =	vor.u32 s8, v6;
	v35 =	vld.idx.msk [tilespmem:v35+s11+$0x0], $0xffff;
	v41 =	vor.u32 s7, v23  }
0x254: {  	v45 =	vld.idx.msk [tilespmem:v45+s11+$0x0], $0xffff;
	[tilespmem:v47+s17+$0x0] =	vst.idx.msk $0xffff, v43;
	v43 =	vor.u32 s26, v23  }
0x255: {  	v47 =	vor.u32 s6, v8;
	v39 =	vld.idx.msk [tilespmem:v39+s11+$0x0], $0xffff;
	[tilespmem:v44+s17+$0x0] =	vst.idx.msk $0xffff, v46  }
0x256: {  	[tilespmem:v36+s17+$0x0] =	vst.idx.msk $0xffff, v34;
	v34 =	vor.u32 s9, v9;
	v36 =	vor.u32 s1, v8;
	v44 =	vld.idx.msk [tilespmem:v48+s11+$0x0], $0xffff  }
0x257: {  	v52 =	vor.u32 s4, v26;
	v48 =	vor.u32 s30, v9;
	v46 =	vld.idx.msk [tilespmem:v49+s11+$0x0], $0xffff  }
0x258: {  	v49 =	vor.u32 s4, v24;
	[tilespmem:v37+s17+$0x0] =	vst.idx.msk $0xffff, v42;
	v37 =	vor.u32 s18, v6;
	v42 =	vor.u32 s0, v25  }
0x259: {  	[tilespmem:v40+s17+$0x0] =	vst.idx.msk $0xffff, v50;
	v40 =	vor.u32 s25, v22;
	v41 =	vld.idx.msk [tilespmem:v41+s11+$0x0], $0xffff;
	v50 =	vor.u32 s2, v7  }
0x25a: {  	[tilespmem:v38+s17+$0x0] =	vst.idx.msk $0xffff, v35;
	v35 =	vor.u32 s29, v23;
	v38 =	vor.u32 s28, v24;
	v43 =	vld.idx.msk [tilespmem:v43+s11+$0x0], $0xffff  }
0x25b: {  	[tilespmem:v47+s17+$0x0] =	vst.idx.msk $0xffff, v45;
	v45 =	vor.u32 s20, v7;
	v33 =	vld.idx.msk [tilespmem:v33+s11+$0x0], $0xffff;
	v47 =	vor.u32 s24, v24  }
0x25c: {  	v34 =	vld.idx.msk [tilespmem:v34+s11+$0x0], $0xffff;
	[tilespmem:v36+s17+$0x0] =	vst.idx.msk $0xffff, v39;
	v36 =	vor.u32 s26, v25;
	v39 =	vor.u32 s6, v10  }
0x25d: {  	v48 =	vld.idx.msk [tilespmem:v48+s11+$0x0], $0xffff;
	[tilespmem:v49+s17+$0x0] =	vst.idx.msk $0xffff, v44;
	v44 =	vor.u32 s24, v26;
	v49 =	vor.u32 s0, v27  }
0x25e: {  	[tilespmem:v37+s17+$0x0] =	vst.idx.msk $0xffff, v46;
	v37 =	vor.u32 s9, v11;
	v46 =	vor.u32 s1, v10;
	v42 =	vld.idx.msk [tilespmem:v42+s11+$0x0], $0xffff  }
0x25f: {  	v53 =	vor.u32 s25, v24;
	v51 =	vor.u32 s30, v11;
	v50 =	vld.idx.msk [tilespmem:v50+s11+$0x0], $0xffff;
	[tilespmem:v38+s17+$0x0] =	vst.idx.msk $0xffff, v41  }
0x260: {  	v38 =	vor.u32 s18, v8;
	v41 =	vld.idx.msk [tilespmem:v45+s11+$0x0], $0xffff;
	v45 =	vor.u32 s7, v25;
	[tilespmem:v47+s17+$0x0] =	vst.idx.msk $0xffff, v43  }
0x261: {  	v43 =	vor.u32 s8, v8;
	[tilespmem:v40+s17+$0x0] =	vst.idx.msk $0xffff, v33;
	v33 =	vor.u32 s29, v25;
	v40 =	vld.idx.msk [tilespmem:v36+s11+$0x0], $0xffff  }
0x262: {  	[tilespmem:v39+s17+$0x0] =	vst.idx.msk $0xffff, v34;
	v34 =	vor.u32 s20, v9;
	v35 =	vld.idx.msk [tilespmem:v35+s11+$0x0], $0xffff;
	v39 =	vor.u32 s28, v26  }
0x263: {  	v54 =	vor.u32 s7, v27;
	v47 =	vor.u32 s2, v9;
	v37 =	vld.idx.msk [tilespmem:v37+s11+$0x0], $0xffff;
	[tilespmem:v46+s17+$0x0] =	vst.idx.msk $0xffff, v48  }
0x264: {  	v56 =	vor.u32 s4, v28;
	v46 =	vor.u32 s6, v12;
	v48 =	vld.idx.msk [tilespmem:v51+s11+$0x0], $0xffff;
	[tilespmem:v52+s17+$0x0] =	vst.idx.msk $0xffff, v42  }
0x265: {  	v42 =	vor.u32 s9, v13;
	v51 =	vor.u32 s1, v12;
	[tilespmem:v38+s17+$0x0] =	vst.idx.msk $0xffff, v50;
	v52 =	vld.idx.msk [tilespmem:v49+s11+$0x0], $0xffff  }
0x266: {  	v55 =	vor.u32 s30, v13;
	v36 =	vor.u32 s26, v27;
	[tilespmem:v43+s17+$0x0] =	vst.idx.msk $0xffff, v41;
	v57 =	vld.idx.msk [tilespmem:v45+s11+$0x0], $0xffff  }
0x267: {  	v59 =	vor.u32 s0, v29;
	s0 =	smov.u32 s9;
	v38 =	vor.u32 s25, v26;
	v58 =	vld.idx.msk [tilespmem:v34+s11+$0x0], $0xffff;
	[tilespmem:v44+s17+$0x0] =	vst.idx.msk $0xffff, v40  }
0x268: {  	v44 =	vor.u32 s8, v10;
	v45 =	vld.idx.msk [tilespmem:v47+s11+$0x0], $0xffff;
	[tilespmem:v53+s17+$0x0] =	vst.idx.msk $0xffff, v35;
	v35 =	vor.u32 s29, v27  }
.Ltmp3:
0x269: {  	v49 =	vor.u32 s18, v10;
	v34 =	vor.u32 s28, v28;
	[tilespmem:v46+s17+$0x0] =	vst.idx.msk $0xffff, v37;
	v41 =	vld.idx.msk [tilespmem:v33+s11+$0x0], $0xffff;
	(pc) =	sbr.rel @p0 .LBB2_5-.Ltmp3, $4  }
0x26a: {  	v50 =	vor.u32 s20, v11;
	v33 =	vor.u32 s7, v29;
	s7 =	smov.u32 s20;
	v43 =	vld.idx.msk [tilespmem:v42+s11+$0x0], $0xffff;
	[tilespmem:v51+s17+$0x0] =	vst.idx.msk $0xffff, v48  }
0x26b: {  	v48 =	vor.u32 s6, v14;
	v42 =	vld.idx.msk [tilespmem:v55+s11+$0x0], $0xffff;
	[tilespmem:v56+s17+$0x0] =	vst.idx.msk $0xffff, v52  }
0x26c: {  	v47 =	vor.u32 s0, v15;
	v46 =	vor.u32 s1, v14;
	v40 =	vld.idx.msk [tilespmem:v59+s11+$0x0], $0xffff;
	[tilespmem:v39+s17+$0x0] =	vst.idx.msk $0xffff, v57  }
0x26d: {  	v37 =	vor.u32 s4, v30;
	s4 =	smov.u32 s6;
	[tilespmem:v44+s17+$0x0] =	vst.idx.msk $0xffff, v58;
	v44 =	vor.u32 s30, v15;
	v39 =	vld.idx.msk [tilespmem:v54+s11+$0x0], $0xffff  }
0x26e: {  	_ = 	snop  }
0x26f: {  	v51 =	vor.u32 s2, v11;
	_ =	sdelay $0x2  }
0x270: {  	v50 =	vld.idx.msk [tilespmem:v50+s11+$0x0], $0xffff;
	v52 =	vor.u32 s8, v12  }
0x271: {  	[tilespmem:v49+s17+$0x0] =	vst.idx.msk $0xffff, v45;
	v57 =	vor.u32 s7, v13  }
0x272: {  	v58 =	vor.u32 s18, v12;
	v49 =	vld.idx.msk [tilespmem:v51+s11+$0x0], $0xffff  }
0x273: {  	v53 =	vor.u32 s2, v13;
	_ =	sdelay $0x1  }
0x274: {  	[tilespmem:v52+s17+$0x0] =	vst.idx.msk $0xffff, v50  }
0x275: {  	v59 =	vor.u32 s8, v14;
	v45 =	vld.idx.msk [tilespmem:v57+s11+$0x0], $0xffff  }
0x276: {  	v60 =	vor.u32 s7, v15;
	[tilespmem:v58+s17+$0x0] =	vst.idx.msk $0xffff, v49  }
0x277: {  	v61 =	vor.u32 s18, v14;
	v51 =	vld.idx.msk [tilespmem:v53+s11+$0x0], $0xffff  }
0x278: {  	v62 =	vor.u32 s2, v15;
	[tilespmem:v48+s17+$0x0] =	vst.idx.msk $0xffff, v43  }
0x279: {  	v43 =	vld.idx.msk [tilespmem:v47+s11+$0x0], $0xffff;
	v47 =	vor.u32 s4, v16  }
0x27a: {  	v63 =	vor.u32 s0, v17;
	[tilespmem:v59+s17+$0x0] =	vst.idx.msk $0xffff, v45  }
0x27b: {  	v56 =	vor.u32 s8, v16;
	[tilespmem:v46+s17+$0x0] =	vst.idx.msk $0xffff, v42;
	v45 =	vld.idx.msk [tilespmem:v60+s11+$0x0], $0xffff  }
0x27c: {  	v44 =	vld.idx.msk [tilespmem:v44+s11+$0x0], $0xffff;
	v57 =	vor.u32 s1, v16;
	v58 =	vor.u32 s7, v17;
	[tilespmem:v61+s17+$0x0] =	vst.idx.msk $0xffff, v51  }
0x27d: {  	v59 =	vor.u32 s30, v17;
	v60 =	vor.u32 s18, v16;
	v61 =	vld.idx.msk [tilespmem:v62+s11+$0x0], $0xffff  }
0x27e: {  	[tilespmem:v47+s17+$0x0] =	vst.idx.msk $0xffff, v43;
	v62 =	vor.u32 s2, v17  }
0x27f: {  	v43 =	vor.u32 s4, v18;
	v42 =	vld.idx.msk [tilespmem:v63+s11+$0x0], $0xffff  }
0x280: {  	v63 =	vor.u32 s0, v19;
	[tilespmem:v56+s17+$0x0] =	vst.idx.msk $0xffff, v45  }
0x281: {  	[tilespmem:v57+s17+$0x0] =	vst.idx.msk $0xffff, v44;
	v56 =	vor.u32 s8, v18;
	v45 =	vld.idx.msk [tilespmem:v58+s11+$0x0], $0xffff  }
0x282: {  	v57 =	vld.idx.msk [tilespmem:v59+s11+$0x0], $0xffff;
	v59 =	vor.u32 s7, v19;
	v58 =	vor.u32 s1, v18;
	[tilespmem:v60+s17+$0x0] =	vst.idx.msk $0xffff, v61  }
0x283: {  	v60 =	vor.u32 s30, v19;
	v61 =	vor.u32 s18, v18;
	v52 =	vld.idx.msk [tilespmem:v62+s11+$0x0], $0xffff  }
0x284: {  	[tilespmem:v43+s17+$0x0] =	vst.idx.msk $0xffff, v42;
	v62 =	vor.u32 s2, v19  }
0x285: {  	v42 =	vld.idx.msk [tilespmem:v63+s11+$0x0], $0xffff;
	v63 =	vor.u32 s4, v20  }
0x286: {  	[tilespmem:v56+s17+$0x0] =	vst.idx.msk $0xffff, v45;
	v56 =	vor.u32 s0, v21  }
0x287: {  	[tilespmem:v58+s17+$0x0] =	vst.idx.msk $0xffff, v57;
	v57 =	vor.u32 s8, v20;
	v45 =	vld.idx.msk [tilespmem:v59+s11+$0x0], $0xffff  }
0x288: {  	v58 =	vor.u32 s1, v20;
	v59 =	vor.u32 s7, v21;
	v47 =	vld.idx.msk [tilespmem:v60+s11+$0x0], $0xffff;
	[tilespmem:v61+s17+$0x0] =	vst.idx.msk $0xffff, v52  }
0x289: {  	v60 =	vor.u32 s30, v21;
	v61 =	vor.u32 s18, v20;
	v52 =	vld.idx.msk [tilespmem:v62+s11+$0x0], $0xffff  }
0x28a: {  	[tilespmem:v63+s17+$0x0] =	vst.idx.msk $0xffff, v42;
	v62 =	vor.u32 s2, v21  }
0x28b: {  	v63 =	vor.u32 s4, v22;
	v42 =	vld.idx.msk [tilespmem:v56+s11+$0x0], $0xffff  }
0x28c: {  	v56 =	vor.u32 s0, v23;
	[tilespmem:v57+s17+$0x0] =	vst.idx.msk $0xffff, v45  }
0x28d: {  	v57 =	vor.u32 s8, v22;
	v45 =	vld.idx.msk [tilespmem:v59+s11+$0x0], $0xffff;
	[tilespmem:v58+s17+$0x0] =	vst.idx.msk $0xffff, v47  }
0x28e: {  	v59 =	vor.u32 s7, v23;
	v58 =	vor.u32 s1, v22;
	v47 =	vld.idx.msk [tilespmem:v60+s11+$0x0], $0xffff;
	[tilespmem:v61+s17+$0x0] =	vst.idx.msk $0xffff, v52  }
0x28f: {  	v60 =	vor.u32 s30, v23;
	v61 =	vor.u32 s18, v22;
	v52 =	vld.idx.msk [tilespmem:v62+s11+$0x0], $0xffff  }
0x290: {  	[tilespmem:v63+s17+$0x0] =	vst.idx.msk $0xffff, v42;
	v62 =	vor.u32 s2, v23  }
0x291: {  	v63 =	vor.u32 s4, v24;
	v42 =	vld.idx.msk [tilespmem:v56+s11+$0x0], $0xffff  }
0x292: {  	v54 =	vor.u32 s0, v25;
	[tilespmem:v57+s17+$0x0] =	vst.idx.msk $0xffff, v45  }
0x293: {  	v55 =	vor.u32 s8, v24;
	v45 =	vld.idx.msk [tilespmem:v59+s11+$0x0], $0xffff;
	[tilespmem:v58+s17+$0x0] =	vst.idx.msk $0xffff, v47  }
0x294: {  	v56 =	vor.u32 s1, v24;
	v57 =	vor.u32 s7, v25;
	v47 =	vld.idx.msk [tilespmem:v60+s11+$0x0], $0xffff;
	[tilespmem:v61+s17+$0x0] =	vst.idx.msk $0xffff, v52  }
0x295: {  	[tilespmem:v38+s17+$0x0] =	vst.idx.msk $0xffff, v41;
	v59 =	vor.u32 s18, v24;
	v58 =	vor.u32 s30, v25;
	v60 =	vld.idx.msk [tilespmem:v62+s11+$0x0], $0xffff  }
0x296: {  	[tilespmem:v63+s17+$0x0] =	vst.idx.msk $0xffff, v42;
	v61 =	vor.u32 s2, v25  }
0x297: {  	[tilespmem:v37+s17+$0x0] =	vst.idx.msk $0xffff, v40;
	v63 =	vor.u32 s4, v26;
	v42 =	vld.idx.msk [tilespmem:v54+s11+$0x0], $0xffff  }
0x298: {  	v36 =	vld.idx.msk [tilespmem:v36+s11+$0x0], $0xffff;
	v52 =	vor.u32 s0, v27;
	v62 =	vor.u32 s24, v28;
	[tilespmem:v55+s17+$0x0] =	vst.idx.msk $0xffff, v45  }
0x299: {  	v53 =	vor.u32 s8, v26;
	v46 =	vld.idx.msk [tilespmem:v57+s11+$0x0], $0xffff;
	[tilespmem:v56+s17+$0x0] =	vst.idx.msk $0xffff, v47  }
0x29a: {  	v54 =	vor.u32 s1, v26;
	v55 =	vor.u32 s7, v27;
	v38 =	vld.idx.msk [tilespmem:v58+s11+$0x0], $0xffff;
	[tilespmem:v59+s17+$0x0] =	vst.idx.msk $0xffff, v60  }
0x29b: {  	[tilespmem:v34+s17+$0x0] =	vst.idx.msk $0xffff, v39;
	v57 =	vor.u32 s18, v26;
	v56 =	vor.u32 s30, v27;
	v37 =	vld.idx.msk [tilespmem:v61+s11+$0x0], $0xffff  }
0x29c: {  	v35 =	vld.idx.msk [tilespmem:v35+s11+$0x0], $0xffff;
	v58 =	vor.u32 s2, v27;
	[tilespmem:v63+s17+$0x0] =	vst.idx.msk $0xffff, v42  }
0x29d: {  	[tilespmem:v62+s17+$0x0] =	vst.idx.msk $0xffff, v36;
	v60 =	vor.u32 s26, v29;
	v43 =	vld.idx.msk [tilespmem:v52+s11+$0x0], $0xffff;
	v62 =	vor.u32 s4, v28  }
0x29e: {  	v33 =	vld.idx.msk [tilespmem:v33+s11+$0x0], $0xffff;
	v63 =	vor.u32 s0, v29;
	v59 =	vor.u32 s28, v30;
	[tilespmem:v53+s17+$0x0] =	vst.idx.msk $0xffff, v46  }
0x29f: {  	v49 =	vor.u32 s8, v28;
	v61 =	vor.u32 s29, v29;
	v46 =	vld.idx.msk [tilespmem:v55+s11+$0x0], $0xffff;
	[tilespmem:v54+s17+$0x0] =	vst.idx.msk $0xffff, v38  }
0x2a0: {  	v50 =	vor.u32 s7, v29;
	v51 =	vor.u32 s1, v28;
	v34 =	vld.idx.msk [tilespmem:v56+s11+$0x0], $0xffff;
	[tilespmem:v57+s17+$0x0] =	vst.idx.msk $0xffff, v37  }
0x2a1: {  	[tilespmem:v32+s17+$0x0] =	vst.idx.msk $0xffff, v35;
	v53 =	vor.u32 s30, v29;
	v52 =	vld.idx.msk [tilespmem:v58+s11+$0x0], $0xffff  }
0x2a2: {  	v55 =	vor.u32 s24, v30;
	v54 =	vld.idx.msk [tilespmem:v60+s11+$0x0], $0xffff;
	[tilespmem:v62+s17+$0x0] =	vst.idx.msk $0xffff, v43  }
0x2a3: {  	[tilespmem:v59+s17+$0x0] =	vst.idx.msk $0xffff, v33;
	v60 =	vor.u32 s4, v30;
	v59 =	vld.idx.msk [tilespmem:v63+s11+$0x0], $0xffff  }
0x2a4: {  	v56 =	vor.u32 s2, v29;
	v57 =	vor.u32 s25, v30;
	v58 =	vld.idx.msk [tilespmem:v61+s11+$0x0], $0xffff;
	[tilespmem:v49+s17+$0x0] =	vst.idx.msk $0xffff, v46  }
0x2a5: {  	v61 =	vor.u32 s8, v30;
	v62 =	vld.idx.msk [tilespmem:v50+s11+$0x0], $0xffff;
	[tilespmem:v51+s17+$0x0] =	vst.idx.msk $0xffff, v34  }
0x2a6: {  	v34 =	vld.idx.msk [tilespmem:v53+s11+$0x0], $0xffff;
	[tilespmem:v31+s17+$0x0] =	vst.idx.msk $0xffff, v52;
	v31 =	vor.u32 s1, v30  }
0x2a7: {  	[tilespmem:v55+s17+$0x0] =	vst.idx.msk $0xffff, v54  }
0x2a8: {  	[tilespmem:v60+s17+$0x0] =	vst.idx.msk $0xffff, v59  }
0x2a9: {  	s21 =	sadd.s32 $0x1, s21;
	v63 =	vor.u32 s18, v30;
	[tilespmem:v57+s17+$0x0] =	vst.idx.msk $0xffff, v58;
	v33 =	vld.idx.msk [tilespmem:v56+s11+$0x0], $0xffff  }
0x2aa: {  	p0 =	sne.s32 s21, $0xE;
	[tilespmem:v61+s17+$0x0] =	vst.idx.msk $0xffff, v62  }
.Ltmp4:
0x2ab: {  	[tilespmem:v31+s17+$0x0] =	vst.idx.msk $0xffff, v34;
	(pc) =	sbr.rel @p0 .LBB2_2-.Ltmp4, $4  }
0x2ac: {  	s28 =	sshll.u32 s22, $0x12;
	s29 =	rddreg [dreg:$0x6]  }
0x2ad: {  	s0 =	sadd.s32 s28, s29  }
0x2ae: {  	s31 =	simm.s32 $0x20000;
	s30 =	simm.s32 $0x400;
	[tilespmem:v63+s17+$0x0] =	vst.idx.msk $0xffff, v33;
	s0 =	sadd.s32 s23, s0  }
0x2af: {  	[hbm4b:s0+s30] =	stream.strided.scatter [tilespmem:s17], [sflag:$0x4], $0x4000, s31, s30, $0x38;
	[tilespmem:$0x10200] =	vst v63  }
0x2b0: {  	s21 =	simm.s32 $0x0  }
.LBB2_8:
0x2b1: {  	s1 =	simm.s32 $0x1;
	s0 =	simm.s32 $0x0  }
0x2b2: {  	p0 =	sne.s32 s21, $0x0;
	_ =	swait.ge [sflag:s1], $0x4000;
	s0 =	sand.u32 $0x4, s0  }
0x2b3: {  	s3 =	simm.s32 $0x0;
	[sflag:s1] =	ssyncset.done $0x0;
	s26 =	sor.u32 $0x1, s0  }
0x2b4: {  	s2 =	simm.s32 @p0 $0x3;
	[sflag:s1] =	ssyncadd.s32 $0xFFFFC000;
	s4 =	sshll.u32 s26, $0x4  }
0x2b5: {  	s31 =	sor.u32 $0x3, s0;
	_ =	swait.ge @p0 [sflag:s2], $0x3400;
	s30 =	sor.u32 s3, s4  }
0x2b6: {  	s5 =	sshll.u32 s31, $0x4;
	[sflag:s2] =	ssyncset.done @p0 $0x0;
	v31 =	vor.u32 s30, v0  }
0x2b7: {  	s24 =	sor.u32 s3, s5;
	[sflag:s2] =	ssyncadd.s32 @p0 $0xFFFFCC00;
	s2 =	simm.s32 @!p0 $0x3  }
0x2b8: {  	v32 =	vor.u32 s24, v0;
	_ =	swait.ge @!p0 [sflag:s2], $0x4000  }
0x2b9: {  	s1 =	sshll.u32 s26, $0xB;
	[sflag:s2] =	ssyncset.done @!p0 $0x0  }
0x2ba: {  	s19 =	sadd.s32 $0x0, s1;
	[sflag:s2] =	ssyncadd.s32 @!p0 $0xFFFFC000  }
0x2bb: {  	v33 =	vor.u32 s19, v0;
	s2 =	sshll.u32 s31, $0xB;
	v31 =	vld.idx.msk [tilespmem:v31+s10+$0x0], $0xffff  }
0x2bc: {  	s4 =	sor.u32 $0x2, s0;
	v34 =	vor.u32 s30, v1;
	s22 =	sadd.s32 $0x0, s2  }
0x2bd: {  	s5 =	sshll.u32 s4, $0x4;
	v32 =	vld.idx.msk [tilespmem:v32+s10+$0x0], $0xffff;
	v35 =	vor.u32 s22, v0  }
0x2be: {  	v36 =	vor.u32 s24, v1;
	s31 =	sor.u32 s3, s5  }
0x2bf: {  	v37 =	vor.u32 s31, v0  }
0x2c0: {  	[tilespmem:v33+s13+$0x0] =	vst.idx.msk $0xffff, v31  }
0x2c1: {  	v57 =	vor.u32 s19, v2;
	v31 =	vld.idx.msk [tilespmem:v34+s10+$0x0], $0xffff  }
0x2c2: {  	s6 =	sshll.u32 s4, $0xB;
	[tilespmem:v35+s13+$0x0] =	vst.idx.msk $0xffff, v32  }
0x2c3: {  	v58 =	vor.u32 s30, v3;
	s25 =	sadd.s32 $0x0, s6;
	v59 =	vor.u32 s22, v2;
	v32 =	vld.idx.msk [tilespmem:v36+s10+$0x0], $0xffff  }
0x2c4: {  	s7 =	sshll.u32 s0, $0x4;
	v38 =	vor.u32 s24, v3;
	v61 =	vor.u32 s25, v0;
	v60 =	vld.idx.msk [tilespmem:v37+s10+$0x0], $0xffff  }
0x2c5: {  	s26 =	sor.u32 s7, s3;
	v39 =	vor.u32 s31, v1  }
0x2c6: {  	[tilespmem:v57+s13+$0x0] =	vst.idx.msk $0xffff, v31;
	v31 =	vor.u32 s26, v0;
	_ =	sdelay $0x1  }
0x2c7: {  	v62 =	vor.u32 s19, v4;
	v33 =	vld.idx.msk [tilespmem:v58+s10+$0x0], $0xffff;
	[tilespmem:v59+s13+$0x0] =	vst.idx.msk $0xffff, v32  }
0x2c8: {  	s0 =	sshll.u32 s0, $0xB;
	v40 =	vor.u32 s30, v5;
	v63 =	vor.u32 s22, v4;
	[tilespmem:v61+s13+$0x0] =	vst.idx.msk $0xffff, v60;
	v32 =	vld.idx.msk [tilespmem:v38+s10+$0x0], $0xffff  }
0x2c9: {  	s23 =	sadd.s32 $0x0, s0;
	v46 =	vor.u32 s24, v5;
	v45 =	vor.u32 s25, v2;
	v36 =	vld.idx.msk [tilespmem:v39+s10+$0x0], $0xffff  }
0x2ca: {  	v47 =	vor.u32 s23, v0;
	v41 =	vor.u32 s31, v3;
	v31 =	vld.idx.msk [tilespmem:v31+s10+$0x0], $0xffff;
	_ =	sdelay $0x1  }
0x2cb: {  	v48 =	vor.u32 s26, v1;
	[tilespmem:v62+s13+$0x0] =	vst.idx.msk $0xffff, v33  }
0x2cc: {  	v49 =	vor.u32 s19, v6;
	v34 =	vld.idx.msk [tilespmem:v40+s10+$0x0], $0xffff;
	[tilespmem:v63+s13+$0x0] =	vst.idx.msk $0xffff, v32  }
0x2cd: {  	v42 =	vor.u32 s30, v7;
	v50 =	vor.u32 s22, v6;
	[tilespmem:v45+s13+$0x0] =	vst.idx.msk $0xffff, v36;
	v32 =	vld.idx.msk [tilespmem:v46+s10+$0x0], $0xffff  }
0x2ce: {  	v52 =	vor.u32 s24, v7;
	v51 =	vor.u32 s25, v4;
	[tilespmem:v47+s13+$0x0] =	vst.idx.msk $0xffff, v31;
	v31 =	vld.idx.msk [tilespmem:v41+s10+$0x0], $0xffff;
	_ =	sdelay $0x1  }
0x2cf: {  	v53 =	vor.u32 s23, v2;
	v54 =	vor.u32 s31, v5;
	v33 =	vld.idx.msk [tilespmem:v48+s10+$0x0], $0xffff  }
0x2d0: {  	v55 =	vor.u32 s26, v3;
	[tilespmem:v49+s13+$0x0] =	vst.idx.msk $0xffff, v34  }
0x2d1: {  	v56 =	vor.u32 s19, v8;
	v40 =	vld.idx.msk [tilespmem:v42+s10+$0x0], $0xffff;
	[tilespmem:v50+s13+$0x0] =	vst.idx.msk $0xffff, v32  }
0x2d2: {  	v57 =	vor.u32 s30, v9;
	v58 =	vor.u32 s22, v8;
	[tilespmem:v51+s13+$0x0] =	vst.idx.msk $0xffff, v31;
	v31 =	vld.idx.msk [tilespmem:v52+s10+$0x0], $0xffff  }
0x2d3: {  	v61 =	vor.u32 s24, v9  }
0x2d4: {  	v60 =	vor.u32 s25, v6;
	[tilespmem:v53+s13+$0x0] =	vst.idx.msk $0xffff, v33;
	v59 =	vld.idx.msk [tilespmem:v54+s10+$0x0], $0xffff  }
0x2d5: {  	v62 =	vor.u32 s23, v4;
	v63 =	vor.u32 s31, v7;
	v34 =	vld.idx.msk [tilespmem:v55+s10+$0x0], $0xffff  }
0x2d6: {  	v45 =	vor.u32 s26, v5;
	[tilespmem:v56+s13+$0x0] =	vst.idx.msk $0xffff, v40  }
0x2d7: {  	v46 =	vor.u32 s19, v10;
	v40 =	vld.idx.msk [tilespmem:v57+s10+$0x0], $0xffff;
	[tilespmem:v58+s13+$0x0] =	vst.idx.msk $0xffff, v31  }
0x2d8: {  	v47 =	vor.u32 s30, v11;
	v48 =	vor.u32 s22, v10;
	v31 =	vld.idx.msk [tilespmem:v61+s10+$0x0], $0xffff  }
0x2d9: {  	v49 =	vor.u32 s24, v11;
	[tilespmem:v60+s13+$0x0] =	vst.idx.msk $0xffff, v59  }
0x2da: {  	v51 =	vor.u32 s25, v8;
	[tilespmem:v62+s13+$0x0] =	vst.idx.msk $0xffff, v34;
	v50 =	vld.idx.msk [tilespmem:v63+s10+$0x0], $0xffff  }
0x2db: {  	v53 =	vor.u32 s23, v6;
	v54 =	vor.u32 s31, v9;
	v52 =	vld.idx.msk [tilespmem:v45+s10+$0x0], $0xffff  }
0x2dc: {  	v55 =	vor.u32 s26, v7;
	[tilespmem:v46+s13+$0x0] =	vst.idx.msk $0xffff, v40  }
0x2dd: {  	v56 =	vor.u32 s19, v12;
	v40 =	vld.idx.msk [tilespmem:v47+s10+$0x0], $0xffff;
	[tilespmem:v48+s13+$0x0] =	vst.idx.msk $0xffff, v31  }
0x2de: {  	v57 =	vor.u32 s30, v13;
	v58 =	vor.u32 s22, v12;
	v31 =	vld.idx.msk [tilespmem:v49+s10+$0x0], $0xffff  }
0x2df: {  	v59 =	vor.u32 s24, v13;
	[tilespmem:v51+s13+$0x0] =	vst.idx.msk $0xffff, v50  }
0x2e0: {  	v60 =	vor.u32 s25, v10;
	[tilespmem:v53+s13+$0x0] =	vst.idx.msk $0xffff, v52;
	v34 =	vld.idx.msk [tilespmem:v54+s10+$0x0], $0xffff  }
0x2e1: {  	s18 =	simm.s32 $0x4;
	v61 =	vor.u32 s23, v8;
	v62 =	vor.u32 s31, v11;
	v36 =	vld.idx.msk [tilespmem:v55+s10+$0x0], $0xffff  }
0x2e2: {  	s3 =	sand.u32 $0x4, s18;
	v63 =	vor.u32 s26, v9;
	[tilespmem:v56+s13+$0x0] =	vst.idx.msk $0xffff, v40  }
0x2e3: {  	s9 =	sor.u32 $0x3, s3;
	v45 =	vor.u32 s19, v14;
	v40 =	vld.idx.msk [tilespmem:v57+s10+$0x0], $0xffff;
	[tilespmem:v58+s13+$0x0] =	vst.idx.msk $0xffff, v31  }
0x2e4: {  	s12 =	simm.s32 $0x0;
	s15 =	sshll.u32 s9, $0x4;
	v46 =	vor.u32 s30, v15;
	v47 =	vor.u32 s22, v14;
	v31 =	vld.idx.msk [tilespmem:v59+s10+$0x0], $0xffff  }
0x2e5: {  	s28 =	sor.u32 s12, s15;
	v48 =	vor.u32 s24, v15;
	[tilespmem:v60+s13+$0x0] =	vst.idx.msk $0xffff, v34  }
0x2e6: {  	s6 =	sor.u32 $0x2, s3;
	v43 =	vor.u32 s28, v0;
	v49 =	vor.u32 s25, v12;
	[tilespmem:v61+s13+$0x0] =	vst.idx.msk $0xffff, v36;
	v34 =	vld.idx.msk [tilespmem:v62+s10+$0x0], $0xffff  }
0x2e7: {  	s16 =	sshll.u32 s6, $0x4;
	v50 =	vor.u32 s23, v10;
	v51 =	vor.u32 s31, v13;
	v36 =	vld.idx.msk [tilespmem:v63+s10+$0x0], $0xffff  }
0x2e8: {  	s8 =	sor.u32 $0x1, s3;
	s2 =	sor.u32 s12, s16;
	v54 =	vor.u32 s26, v11;
	[tilespmem:v45+s13+$0x0] =	vst.idx.msk $0xffff, v40  }
0x2e9: {  	s14 =	sshll.u32 s8, $0x4;
	v53 =	vor.u32 s19, v16;
	v59 =	vor.u32 s2, v0;
	v52 =	vld.idx.msk [tilespmem:v46+s10+$0x0], $0xffff;
	[tilespmem:v47+s13+$0x0] =	vst.idx.msk $0xffff, v31  }
0x2ea: {  	s0 =	sor.u32 s12, s14;
	v55 =	vor.u32 s30, v17;
	v32 =	vld.idx.msk [tilespmem:v48+s10+$0x0], $0xffff  }
0x2eb: {  	s7 =	sshll.u32 s3, $0x4;
	s1 =	sshll.u32 s8, $0xB;
	s8 =	sshll.u32 s9, $0xB;
	v56 =	vor.u32 s22, v16;
	v31 =	vor.u32 s0, v0;
	[tilespmem:v49+s13+$0x0] =	vst.idx.msk $0xffff, v34;
	v48 =	vld.idx.msk [tilespmem:v43+s10+$0x0], $0xffff  }
0x2ec: {  	s4 =	sor.u32 s7, s12;
	s29 =	sadd.s32 $0x0, s8;
	v57 =	vor.u32 s25, v14;
	v58 =	vor.u32 s24, v17;
	[tilespmem:v50+s13+$0x0] =	vst.idx.msk $0xffff, v36;
	v34 =	vld.idx.msk [tilespmem:v51+s10+$0x0], $0xffff  }
0x2ed: {  	v44 =	vor.u32 s4, v0;
	v50 =	vor.u32 s29, v0;
	v60 =	vld.idx.msk [tilespmem:v54+s10+$0x0], $0xffff  }
0x2ee: {  	v61 =	vor.u32 s23, v12;
	v62 =	vor.u32 s31, v15;
	[tilespmem:v53+s13+$0x0] =	vst.idx.msk $0xffff, v52;
	v53 =	vld.idx.msk [tilespmem:v59+s10+$0x0], $0xffff  }
0x2ef: {  	s1 =	sadd.s32 $0x0, s1;
	v63 =	vor.u32 s19, v18;
	v54 =	vor.u32 s28, v1;
	v40 =	vld.idx.msk [tilespmem:v55+s10+$0x0], $0xffff  }
0x2f0: {  	s20 =	sshll.u32 s6, $0xB;
	v45 =	vor.u32 s1, v0;
	v49 =	vor.u32 s26, v13;
	v31 =	vld.idx.msk [tilespmem:v31+s10+$0x0], $0xffff;
	[tilespmem:v56+s13+$0x0] =	vst.idx.msk $0xffff, v32  }
0x2f1: {  	s3 =	sshll.u32 s3, $0xB;
	s7 =	sadd.s32 $0x0, s20;
	v46 =	vor.u32 s0, v1;
	v52 =	vor.u32 s22, v18;
	[tilespmem:v57+s13+$0x0] =	vst.idx.msk $0xffff, v34;
	v51 =	vld.idx.msk [tilespmem:v58+s10+$0x0], $0xffff  }
0x2f2: {  	s8 =	sadd.s32 $0x0, s3;
	v47 =	vor.u32 s7, v0;
	v59 =	vld.idx.msk [tilespmem:v44+s10+$0x0], $0xffff;
	v55 =	vor.u32 s24, v19;
	[tilespmem:v50+s13+$0x0] =	vst.idx.msk $0xffff, v48  }
0x2f3: {  	v58 =	vor.u32 s8, v0;
	[tilespmem:v61+s13+$0x0] =	vst.idx.msk $0xffff, v60;
	v56 =	vld.idx.msk [tilespmem:v62+s10+$0x0], $0xffff;
	v60 =	vor.u32 s2, v1  }
0x2f4: {  	v57 =	vor.u32 s25, v16;
	v62 =	vor.u32 s4, v1;
	v50 =	vld.idx.msk [tilespmem:v54+s10+$0x0], $0xffff;
	[tilespmem:v63+s13+$0x0] =	vst.idx.msk $0xffff, v40  }
0x2f5: {  	v61 =	vor.u32 s31, v17;
	v33 =	vld.idx.msk [tilespmem:v49+s10+$0x0], $0xffff;
	[tilespmem:v45+s13+$0x0] =	vst.idx.msk $0xffff, v31;
	v31 =	vor.u32 s23, v14  }
0x2f6: {  	v48 =	vor.u32 s1, v2;
	v49 =	vor.u32 s26, v15;
	v63 =	vld.idx.msk [tilespmem:v46+s10+$0x0], $0xffff;
	[tilespmem:v52+s13+$0x0] =	vst.idx.msk $0xffff, v51  }
0x2f7: {  	[tilespmem:v47+s13+$0x0] =	vst.idx.msk $0xffff, v53;
	v51 =	vor.u32 s29, v2;
	v52 =	vor.u32 s0, v3;
	v38 =	vld.idx.msk [tilespmem:v55+s10+$0x0], $0xffff  }
0x2f8: {  	v53 =	vor.u32 s22, v20;
	[tilespmem:v58+s13+$0x0] =	vst.idx.msk $0xffff, v59;
	v54 =	vld.idx.msk [tilespmem:v60+s10+$0x0], $0xffff;
	v55 =	vor.u32 s28, v3  }
0x2f9: {  	[tilespmem:v57+s13+$0x0] =	vst.idx.msk $0xffff, v56;
	v56 =	vor.u32 s7, v2;
	v57 =	vor.u32 s30, v19;
	v32 =	vld.idx.msk [tilespmem:v62+s10+$0x0], $0xffff  }
0x2fa: {  	v58 =	vor.u32 s24, v21;
	v45 =	vld.idx.msk [tilespmem:v61+s10+$0x0], $0xffff;
	[tilespmem:v31+s13+$0x0] =	vst.idx.msk $0xffff, v33;
	v31 =	vor.u32 s25, v18  }
0x2fb: {  	v59 =	vor.u32 s8, v2;
	v61 =	vor.u32 s31, v19;
	[tilespmem:v48+s13+$0x0] =	vst.idx.msk $0xffff, v63;
	v34 =	vld.idx.msk [tilespmem:v49+s10+$0x0], $0xffff  }
0x2fc: {  	v60 =	vor.u32 s23, v16;
	v63 =	vor.u32 s2, v3;
	[tilespmem:v51+s13+$0x0] =	vst.idx.msk $0xffff, v50;
	v62 =	vld.idx.msk [tilespmem:v52+s10+$0x0], $0xffff  }
0x2fd: {  	v48 =	vor.u32 s1, v4;
	v49 =	vor.u32 s26, v17;
	[tilespmem:v53+s13+$0x0] =	vst.idx.msk $0xffff, v38;
	v50 =	vld.idx.msk [tilespmem:v55+s10+$0x0], $0xffff  }
0x2fe: {  	v51 =	vor.u32 s29, v4;
	v52 =	vor.u32 s0, v5;
	[tilespmem:v56+s13+$0x0] =	vst.idx.msk $0xffff, v54;
	v42 =	vld.idx.msk [tilespmem:v57+s10+$0x0], $0xffff  }
0x2ff: {  	v53 =	vor.u32 s19, v20;
	v57 =	vor.u32 s4, v3;
	v33 =	vld.idx.msk [tilespmem:v58+s10+$0x0], $0xffff;
	[tilespmem:v31+s13+$0x0] =	vst.idx.msk $0xffff, v45  }
0x300: {  	[tilespmem:v59+s13+$0x0] =	vst.idx.msk $0xffff, v32;
	v54 =	vor.u32 s22, v22;
	v31 =	vor.u32 s28, v5;
	v46 =	vld.idx.msk [tilespmem:v61+s10+$0x0], $0xffff  }
0x301: {  	v55 =	vor.u32 s30, v21;
	v56 =	vor.u32 s25, v20;
	[tilespmem:v60+s13+$0x0] =	vst.idx.msk $0xffff, v34;
	v36 =	vld.idx.msk [tilespmem:v63+s10+$0x0], $0xffff  }
0x302: {  	v58 =	vor.u32 s7, v4;
	v60 =	vor.u32 s31, v21;
	[tilespmem:v48+s13+$0x0] =	vst.idx.msk $0xffff, v62;
	v38 =	vld.idx.msk [tilespmem:v49+s10+$0x0], $0xffff  }
0x303: {  	v59 =	vor.u32 s23, v18;
	v62 =	vor.u32 s2, v5;
	[tilespmem:v51+s13+$0x0] =	vst.idx.msk $0xffff, v50;
	v61 =	vld.idx.msk [tilespmem:v52+s10+$0x0], $0xffff  }
0x304: {  	v63 =	vor.u32 s1, v6;
	v48 =	vor.u32 s26, v19;
	[tilespmem:v53+s13+$0x0] =	vst.idx.msk $0xffff, v42;
	v53 =	vld.idx.msk [tilespmem:v57+s10+$0x0], $0xffff  }
0x305: {  	v49 =	vor.u32 s29, v6;
	v50 =	vor.u32 s0, v7;
	[tilespmem:v54+s13+$0x0] =	vst.idx.msk $0xffff, v33;
	v31 =	vld.idx.msk [tilespmem:v31+s10+$0x0], $0xffff  }
0x306: {  	v52 =	vor.u32 s19, v22;
	v51 =	vld.idx.msk [tilespmem:v55+s10+$0x0], $0xffff;
	v54 =	vor.u32 s28, v7;
	[tilespmem:v56+s13+$0x0] =	vst.idx.msk $0xffff, v46  }
0x307: {  	v55 =	vor.u32 s8, v4;
	[tilespmem:v58+s13+$0x0] =	vst.idx.msk $0xffff, v36;
	v56 =	vor.u32 s30, v23;
	v57 =	vld.idx.msk [tilespmem:v60+s10+$0x0], $0xffff  }
0x308: {  	v58 =	vor.u32 s25, v22;
	[tilespmem:v59+s13+$0x0] =	vst.idx.msk $0xffff, v38;
	v59 =	vor.u32 s4, v5;
	v40 =	vld.idx.msk [tilespmem:v62+s10+$0x0], $0xffff  }
0x309: {  	v60 =	vor.u32 s7, v6;
	v62 =	vor.u32 s31, v23;
	[tilespmem:v63+s13+$0x0] =	vst.idx.msk $0xffff, v61;
	v42 =	vld.idx.msk [tilespmem:v48+s10+$0x0], $0xffff  }
0x30a: {  	v39 =	vor.u32 s23, v22;
	v61 =	vor.u32 s23, v20;
	v63 =	vor.u32 s24, v23;
	[tilespmem:v49+s13+$0x0] =	vst.idx.msk $0xffff, v31;
	v31 =	vld.idx.msk [tilespmem:v50+s10+$0x0], $0xffff  }
0x30b: {  	v48 =	vor.u32 s1, v8;
	[tilespmem:v52+s13+$0x0] =	vst.idx.msk $0xffff, v51;
	v49 =	vor.u32 s26, v21;
	v43 =	vld.idx.msk [tilespmem:v54+s10+$0x0], $0xffff  }
0x30c: {  	[tilespmem:v55+s13+$0x0] =	vst.idx.msk $0xffff, v53;
	v51 =	vor.u32 s0, v9;
	v50 =	vor.u32 s29, v8;
	v35 =	vld.idx.msk [tilespmem:v56+s10+$0x0], $0xffff  }
0x30d: {  	v52 =	vor.u32 s19, v24;
	[tilespmem:v58+s13+$0x0] =	vst.idx.msk $0xffff, v57;
	v53 =	vld.idx.msk [tilespmem:v59+s10+$0x0], $0xffff;
	v57 =	vor.u32 s28, v9  }
0x30e: {  	v58 =	vor.u32 s8, v6;
	[tilespmem:v60+s13+$0x0] =	vst.idx.msk $0xffff, v40;
	v59 =	vor.u32 s30, v25;
	v47 =	vld.idx.msk [tilespmem:v62+s10+$0x0], $0xffff  }
0x30f: {  	v60 =	vor.u32 s4, v7;
	[tilespmem:v61+s13+$0x0] =	vst.idx.msk $0xffff, v42;
	v32 =	vld.idx.msk [tilespmem:v63+s10+$0x0], $0xffff;
	v62 =	vor.u32 s22, v24  }
0x310: {  	v55 =	vor.u32 s24, v25;
	v61 =	vor.u32 s25, v24;
	[tilespmem:v48+s13+$0x0] =	vst.idx.msk $0xffff, v31;
	v33 =	vld.idx.msk [tilespmem:v49+s10+$0x0], $0xffff  }
0x311: {  	v46 =	vor.u32 s22, v26;
	v31 =	vor.u32 s2, v7;
	[tilespmem:v50+s13+$0x0] =	vst.idx.msk $0xffff, v43;
	v54 =	vld.idx.msk [tilespmem:v51+s10+$0x0], $0xffff  }
0x312: {  	v56 =	vor.u32 s1, v10;
	v63 =	vor.u32 s26, v23;
	[tilespmem:v52+s13+$0x0] =	vst.idx.msk $0xffff, v35;
	v37 =	vld.idx.msk [tilespmem:v57+s10+$0x0], $0xffff  }
0x313: {  	[tilespmem:v58+s13+$0x0] =	vst.idx.msk $0xffff, v53;
	v57 =	vor.u32 s0, v11;
	v58 =	vor.u32 s29, v10;
	v40 =	vld.idx.msk [tilespmem:v59+s10+$0x0], $0xffff  }
0x314: {  	v44 =	vor.u32 s28, v13;
	v49 =	vor.u32 s28, v11;
	v50 =	vor.u32 s19, v26;
	v41 =	vld.idx.msk [tilespmem:v60+s10+$0x0], $0xffff;
	[tilespmem:v62+s13+$0x0] =	vst.idx.msk $0xffff, v32  }
0x315: {  	v48 =	vor.u32 s30, v27;
	v59 =	vor.u32 s8, v8;
	[tilespmem:v61+s13+$0x0] =	vst.idx.msk $0xffff, v47;
	v61 =	vld.idx.msk [tilespmem:v55+s10+$0x0], $0xffff  }
0x316: {  	v32 =	vor.u32 s31, v25;
	v60 =	vor.u32 s7, v8;
	v31 =	vld.idx.msk [tilespmem:v31+s10+$0x0], $0xffff;
	[tilespmem:v39+s13+$0x0] =	vst.idx.msk $0xffff, v33  }
0x317: {  	v36 =	vor.u32 s24, v27;
	v62 =	vor.u32 s2, v9;
	[tilespmem:v56+s13+$0x0] =	vst.idx.msk $0xffff, v54;
	v34 =	vld.idx.msk [tilespmem:v63+s10+$0x0], $0xffff  }
0x318: {  	v51 =	vor.u32 s23, v24;
	v63 =	vor.u32 s4, v9;
	v45 =	vld.idx.msk [tilespmem:v57+s10+$0x0], $0xffff;
	[tilespmem:v58+s13+$0x0] =	vst.idx.msk $0xffff, v37  }
0x319: {  	v53 =	vor.u32 s1, v12;
	v39 =	vor.u32 s26, v25;
	[tilespmem:v50+s13+$0x0] =	vst.idx.msk $0xffff, v40;
	v54 =	vld.idx.msk [tilespmem:v49+s10+$0x0], $0xffff  }
0x31a: {  	v42 =	vor.u32 s29, v12;
	[tilespmem:v59+s13+$0x0] =	vst.idx.msk $0xffff, v41;
	v41 =	vor.u32 s0, v13;
	v55 =	vld.idx.msk [tilespmem:v48+s10+$0x0], $0xffff  }
0x31b: {  	v52 =	vor.u32 s25, v26;
	v56 =	vor.u32 s19, v28;
	v57 =	vld.idx.msk [tilespmem:v32+s10+$0x0], $0xffff;
	[tilespmem:v60+s13+$0x0] =	vst.idx.msk $0xffff, v31  }
0x31c: {  	v35 =	vor.u32 s26, v27;
	v59 =	vor.u32 s30, v29;
	[tilespmem:v46+s13+$0x0] =	vst.idx.msk $0xffff, v61;
	v58 =	vld.idx.msk [tilespmem:v62+s10+$0x0], $0xffff  }
0x31d: {  	v38 =	vor.u32 s31, v27;
	v33 =	vor.u32 s31, v29;
	v60 =	vor.u32 s7, v10;
	v47 =	vld.idx.msk [tilespmem:v63+s10+$0x0], $0xffff;
	[tilespmem:v51+s13+$0x0] =	vst.idx.msk $0xffff, v34  }
0x31e: {  	v50 =	vor.u32 s2, v11;
	v49 =	vor.u32 s8, v10;
	[tilespmem:v53+s13+$0x0] =	vst.idx.msk $0xffff, v45;
	v40 =	vld.idx.msk [tilespmem:v39+s10+$0x0], $0xffff  }
0x31f: {  	v37 =	vor.u32 s23, v26;
	v32 =	vor.u32 s23, v28;
	v48 =	vor.u32 s1, v14;
	v43 =	vld.idx.msk [tilespmem:v41+s10+$0x0], $0xffff;
	[tilespmem:v42+s13+$0x0] =	vst.idx.msk $0xffff, v54  }
0x320: {  	v46 =	vor.u32 s0, v15;
	v31 =	vor.u32 s8, v28;
	[tilespmem:v56+s13+$0x0] =	vst.idx.msk $0xffff, v55;
	v42 =	vld.idx.msk [tilespmem:v44+s10+$0x0], $0xffff  }
0x321: {  	v34 =	vor.u32 s25, v28;
	v45 =	vor.u32 s29, v14;
	[tilespmem:v52+s13+$0x0] =	vst.idx.msk $0xffff, v57;
	v39 =	vld.idx.msk [tilespmem:v59+s10+$0x0], $0xffff  }
0x322: {  	v41 =	vor.u32 s19, v30;
	v44 =	vor.u32 s28, v15;
	v38 =	vld.idx.msk [tilespmem:v38+s10+$0x0], $0xffff;
	[tilespmem:v60+s13+$0x0] =	vst.idx.msk $0xffff, v58  }
.LBB2_9:
0x323: {  	s18 =	sadd.s32 $0x4, s18;
	[tilespmem:v49+s13+$0x0] =	vst.idx.msk $0xffff, v47;
	v36 =	vld.idx.msk [tilespmem:v36+s10+$0x0], $0xffff;
	v49 =	vor.u32 s24, v29  }
0x324: {  	s3 =	sshrl.u32 s18, $0x3;
	s5 =	sand.u32 $0x4, s18;
	p0 =	slt.u32 s18, $0x3C;
	v47 =	vld.idx.msk [tilespmem:v50+s10+$0x0], $0xffff;
	[tilespmem:v37+s13+$0x0] =	vst.idx.msk $0xffff, v40;
	v37 =	vor.u32 s26, v29;
	v40 =	vor.u32 s22, v28  }
0x325: {  	s6 =	sor.u32 $0x1, s5;
	s9 =	sor.u32 $0x2, s5;
	s12 =	sor.u32 $0x3, s5;
	[tilespmem:v48+s13+$0x0] =	vst.idx.msk $0xffff, v43;
	v43 =	vor.u32 s7, v12;
	v35 =	vld.idx.msk [tilespmem:v35+s10+$0x0], $0xffff;
	v48 =	vor.u32 s25, v30  }
0x326: {  	v50 =	vor.u32 s2, v13;
	s14 =	sshll.u32 s3, $0xB;
	s15 =	sshll.u32 s9, $0xB;
	s16 =	sshll.u32 s12, $0x4;
	v46 =	vld.idx.msk [tilespmem:v46+s10+$0x0], $0xffff;
	[tilespmem:v45+s13+$0x0] =	vst.idx.msk $0xffff, v42  }
0x327: {  	s19 =	sshll.u32 s6, $0x4;
	s20 =	sshll.u32 s9, $0x4;
	s12 =	sshll.u32 s12, $0xB;
	v42 =	vor.u32 s1, v16;
	v44 =	vld.idx.msk [tilespmem:v44+s10+$0x0], $0xffff;
	[tilespmem:v41+s13+$0x0] =	vst.idx.msk $0xffff, v39  }
0x328: {  	v51 =	vor.u32 s1, v18;
	s24 =	sshll.u32 s5, $0x4;
	s9 =	sor.u32 s14, s19;
	s16 =	sor.u32 s14, s16;
	v39 =	vor.u32 s4, v11;
	v41 =	vor.u32 s29, v16;
	[tilespmem:v34+s13+$0x0] =	vst.idx.msk $0xffff, v38  }
0x329: {  	s3 =	sshll.u32 s3, $0x4;
	s5 =	sshll.u32 s5, $0xB;
	s6 =	sshll.u32 s6, $0xB;
	v34 =	vor.u32 s9, v0;
	v38 =	vor.u32 s0, v17;
	v33 =	vld.idx.msk [tilespmem:v33+s10+$0x0], $0xffff;
	[tilespmem:v40+s13+$0x0] =	vst.idx.msk $0xffff, v36  }
0x32a: {  	s5 =	sadd.s32 s3, s5;
	s6 =	sadd.s32 s3, s6;
	s12 =	sadd.s32 s3, s12;
	v36 =	vor.u32 s16, v0;
	v40 =	vor.u32 s23, v30;
	[tilespmem:v43+s13+$0x0] =	vst.idx.msk $0xffff, v47;
	v43 =	vld.idx.msk [tilespmem:v49+s10+$0x0], $0xffff  }
0x32b: {  	s25 =	sor.u32 s24, s14;
	s24 =	smov.u32 s28;
	s3 =	sadd.s32 s3, s15;
	v45 =	vld.idx.msk [tilespmem:v50+s10+$0x0], $0xffff;
	[tilespmem:v32+s13+$0x0] =	vst.idx.msk $0xffff, v35;
	v35 =	vor.u32 s22, v30;
	v32 =	vmov v31;
	v31 =	vor.u32 s5, v28  }
0x32c: {  	s19 =	sor.u32 s14, s20;
	s28 =	smov.u32 s16;
	s23 =	smov.u32 s8;
	[tilespmem:v42+s13+$0x0] =	vst.idx.msk $0xffff, v46;
	v42 =	vor.u32 s7, v14;
	v46 =	vor.u32 s24, v17;
	v37 =	vld.idx.msk [tilespmem:v37+s10+$0x0], $0xffff  }
0x32d: {  	v52 =	vor.u32 s24, v19;
	s8 =	smov.u32 s5;
	v47 =	vor.u32 s19, v0;
	s22 =	smov.u32 s29;
	s29 =	smov.u32 s12;
	v39 =	vld.idx.msk [tilespmem:v39+s10+$0x0], $0xffff;
	[tilespmem:v41+s13+$0x0] =	vst.idx.msk $0xffff, v44  }
0x32e: {  	s26 =	smov.u32 s4;
	s4 =	smov.u32 s25;
	s25 =	smov.u32 s7;
	v49 =	vor.u32 s2, v15;
	v41 =	vor.u32 s8, v0;
	v44 =	vor.u32 s23, v12;
	v38 =	vld.idx.msk [tilespmem:v38+s10+$0x0], $0xffff  }
0x32f: {  	v50 =	vor.u32 s4, v0;
	s7 =	smov.u32 s3;
	v34 =	vld.idx.msk [tilespmem:v34+s10+$0x0], $0xffff;
	[tilespmem:v48+s13+$0x0] =	vst.idx.msk $0xffff, v33;
	v33 =	vor.u32 s6, v0  }
0x330: {  	v48 =	vor.u32 s26, v13;
	v36 =	vld.idx.msk [tilespmem:v36+s10+$0x0], $0xffff;
	[tilespmem:v35+s13+$0x0] =	vst.idx.msk $0xffff, v43;
	v35 =	vor.u32 s9, v1  }
0x331: {  	v43 =	vor.u32 s29, v0;
	[tilespmem:v42+s13+$0x0] =	vst.idx.msk $0xffff, v45;
	v42 =	vld.idx.msk [tilespmem:v46+s10+$0x0], $0xffff;
	v46 =	vor.u32 s28, v1  }
0x332: {  	v45 =	vld.idx.msk [tilespmem:v47+s10+$0x0], $0xffff;
	v47 =	vor.u32 s22, v18;
	[tilespmem:v40+s13+$0x0] =	vst.idx.msk $0xffff, v37;
	v37 =	vor.u32 s7, v0  }
0x333: {  	[tilespmem:v44+s13+$0x0] =	vst.idx.msk $0xffff, v39;
	v39 =	vor.u32 s23, v14;
	v40 =	vld.idx.msk [tilespmem:v49+s10+$0x0], $0xffff;
	v44 =	vor.u32 s25, v16  }
0x334: {  	v53 =	vor.u32 s26, v15;
	v49 =	vld.idx.msk [tilespmem:v50+s10+$0x0], $0xffff;
	v50 =	vor.u32 s19, v1;
	[tilespmem:v51+s13+$0x0] =	vst.idx.msk $0xffff, v38  }
0x335: {  	[tilespmem:v33+s13+$0x0] =	vst.idx.msk $0xffff, v34;
	v33 =	vld.idx.msk [tilespmem:v48+s10+$0x0], $0xffff;
	v34 =	vor.u32 s2, v17  }
0x336: {  	v38 =	vor.u32 s4, v1;
	v48 =	vor.u32 s28, v3;
	v35 =	vld.idx.msk [tilespmem:v35+s10+$0x0], $0xffff;
	[tilespmem:v43+s13+$0x0] =	vst.idx.msk $0xffff, v36  }
0x337: {  	v36 =	vor.u32 s6, v2;
	v43 =	vld.idx.msk [tilespmem:v46+s10+$0x0], $0xffff;
	[tilespmem:v47+s13+$0x0] =	vst.idx.msk $0xffff, v42;
	v42 =	vor.u32 s9, v3  }
0x338: {  	[tilespmem:v37+s13+$0x0] =	vst.idx.msk $0xffff, v45;
	v37 =	vor.u32 s29, v2;
	v45 =	vor.u32 s0, v19;
	v46 =	vld.idx.msk [tilespmem:v52+s10+$0x0], $0xffff  }
0x339: {  	v47 =	vld.idx.msk [tilespmem:v50+s10+$0x0], $0xffff;
	[tilespmem:v44+s13+$0x0] =	vst.idx.msk $0xffff, v40;
	v40 =	vor.u32 s22, v20;
	v44 =	vor.u32 s24, v21  }
0x33a: {  	[tilespmem:v41+s13+$0x0] =	vst.idx.msk $0xffff, v49;
	v41 =	vor.u32 s7, v2;
	v49 =	vor.u32 s23, v16;
	v34 =	vld.idx.msk [tilespmem:v34+s10+$0x0], $0xffff  }
0x33b: {  	v38 =	vld.idx.msk [tilespmem:v38+s10+$0x0], $0xffff;
	[tilespmem:v39+s13+$0x0] =	vst.idx.msk $0xffff, v33;
	v33 =	vor.u32 s26, v17;
	v39 =	vor.u32 s25, v18  }
0x33c: {  	v50 =	vor.u32 s8, v2;
	[tilespmem:v36+s13+$0x0] =	vst.idx.msk $0xffff, v35;
	v35 =	vld.idx.msk [tilespmem:v53+s10+$0x0], $0xffff;
	v36 =	vor.u32 s2, v19  }
0x33d: {  	v51 =	vor.u32 s19, v3;
	v42 =	vld.idx.msk [tilespmem:v42+s10+$0x0], $0xffff;
	[tilespmem:v37+s13+$0x0] =	vst.idx.msk $0xffff, v43;
	v37 =	vor.u32 s6, v4  }
0x33e: {  	v43 =	vld.idx.msk [tilespmem:v48+s10+$0x0], $0xffff;
	[tilespmem:v40+s13+$0x0] =	vst.idx.msk $0xffff, v46;
	v40 =	vor.u32 s9, v5;
	v46 =	vor.u32 s0, v21  }
0x33f: {  	v48 =	vor.u32 s1, v20;
	[tilespmem:v41+s13+$0x0] =	vst.idx.msk $0xffff, v47;
	v41 =	vor.u32 s29, v4;
	v45 =	vld.idx.msk [tilespmem:v45+s10+$0x0], $0xffff  }
0x340: {  	v47 =	vor.u32 s28, v5;
	[tilespmem:v39+s13+$0x0] =	vst.idx.msk $0xffff, v34;
	v34 =	vld.idx.msk [tilespmem:v44+s10+$0x0], $0xffff;
	v39 =	vor.u32 s22, v22  }
0x341: {  	v44 =	vor.u32 s4, v3;
	[tilespmem:v50+s13+$0x0] =	vst.idx.msk $0xffff, v38;
	v38 =	vor.u32 s23, v18;
	v36 =	vld.idx.msk [tilespmem:v36+s10+$0x0], $0xffff  }
0x342: {  	v50 =	vld.idx.msk [tilespmem:v51+s10+$0x0], $0xffff;
	[tilespmem:v49+s13+$0x0] =	vst.idx.msk $0xffff, v35;
	v35 =	vor.u32 s26, v19;
	v49 =	vor.u32 s25, v20  }
0x343: {  	[tilespmem:v37+s13+$0x0] =	vst.idx.msk $0xffff, v42;
	v37 =	vor.u32 s7, v4;
	v33 =	vld.idx.msk [tilespmem:v33+s10+$0x0], $0xffff;
	v42 =	vor.u32 s2, v21  }
0x344: {  	v51 =	vor.u32 s19, v5;
	v40 =	vld.idx.msk [tilespmem:v40+s10+$0x0], $0xffff;
	[tilespmem:v41+s13+$0x0] =	vst.idx.msk $0xffff, v43;
	v41 =	vor.u32 s6, v6  }
0x345: {  	v43 =	vld.idx.msk [tilespmem:v47+s10+$0x0], $0xffff;
	[tilespmem:v48+s13+$0x0] =	vst.idx.msk $0xffff, v45;
	v45 =	vor.u32 s9, v7;
	v47 =	vor.u32 s29, v6  }
0x346: {  	v48 =	vor.u32 s0, v23;
	v46 =	vld.idx.msk [tilespmem:v46+s10+$0x0], $0xffff;
	[tilespmem:v39+s13+$0x0] =	vst.idx.msk $0xffff, v34;
	v39 =	vor.u32 s28, v7  }
0x347: {  	v34 =	vld.idx.msk [tilespmem:v44+s10+$0x0], $0xffff;
	v44 =	vor.u32 s1, v22;
	[tilespmem:v49+s13+$0x0] =	vst.idx.msk $0xffff, v36;
	v36 =	vor.u32 s8, v4  }
0x348: {  	v49 =	vor.u32 s4, v5;
	[tilespmem:v37+s13+$0x0] =	vst.idx.msk $0xffff, v50;
	v37 =	vor.u32 s23, v20;
	v42 =	vld.idx.msk [tilespmem:v42+s10+$0x0], $0xffff  }
0x349: {  	v50 =	vld.idx.msk [tilespmem:v51+s10+$0x0], $0xffff;
	[tilespmem:v38+s13+$0x0] =	vst.idx.msk $0xffff, v33;
	v33 =	vor.u32 s26, v21;
	v38 =	vor.u32 s25, v22  }
0x34a: {  	[tilespmem:v41+s13+$0x0] =	vst.idx.msk $0xffff, v40;
	v40 =	vor.u32 s7, v6;
	v35 =	vld.idx.msk [tilespmem:v35+s10+$0x0], $0xffff;
	v41 =	vor.u32 s2, v23  }
0x34b: {  	v45 =	vld.idx.msk [tilespmem:v45+s10+$0x0], $0xffff;
	[tilespmem:v47+s13+$0x0] =	vst.idx.msk $0xffff, v43;
	v43 =	vor.u32 s24, v23  }
0x34c: {  	v47 =	vor.u32 s6, v8;
	v39 =	vld.idx.msk [tilespmem:v39+s10+$0x0], $0xffff;
	[tilespmem:v44+s13+$0x0] =	vst.idx.msk $0xffff, v46  }
0x34d: {  	[tilespmem:v36+s13+$0x0] =	vst.idx.msk $0xffff, v34;
	v34 =	vor.u32 s9, v9;
	v36 =	vor.u32 s29, v8;
	v44 =	vld.idx.msk [tilespmem:v48+s10+$0x0], $0xffff  }
0x34e: {  	v52 =	vor.u32 s1, v26;
	v48 =	vor.u32 s28, v9;
	v46 =	vld.idx.msk [tilespmem:v49+s10+$0x0], $0xffff  }
0x34f: {  	v49 =	vor.u32 s1, v24;
	[tilespmem:v38+s13+$0x0] =	vst.idx.msk $0xffff, v42;
	v38 =	vor.u32 s8, v6;
	v42 =	vor.u32 s0, v25  }
0x350: {  	[tilespmem:v40+s13+$0x0] =	vst.idx.msk $0xffff, v50;
	v40 =	vor.u32 s23, v22;
	v41 =	vld.idx.msk [tilespmem:v41+s10+$0x0], $0xffff;
	v50 =	vor.u32 s4, v7  }
0x351: {  	[tilespmem:v37+s13+$0x0] =	vst.idx.msk $0xffff, v35;
	v35 =	vor.u32 s26, v23;
	v37 =	vor.u32 s25, v24;
	v43 =	vld.idx.msk [tilespmem:v43+s10+$0x0], $0xffff  }
0x352: {  	[tilespmem:v47+s13+$0x0] =	vst.idx.msk $0xffff, v45;
	v45 =	vor.u32 s19, v7;
	v33 =	vld.idx.msk [tilespmem:v33+s10+$0x0], $0xffff;
	v47 =	vor.u32 s22, v24  }
0x353: {  	v34 =	vld.idx.msk [tilespmem:v34+s10+$0x0], $0xffff;
	[tilespmem:v36+s13+$0x0] =	vst.idx.msk $0xffff, v39;
	v36 =	vor.u32 s24, v25;
	v39 =	vor.u32 s6, v10  }
0x354: {  	v48 =	vld.idx.msk [tilespmem:v48+s10+$0x0], $0xffff;
	[tilespmem:v49+s13+$0x0] =	vst.idx.msk $0xffff, v44;
	v44 =	vor.u32 s22, v26;
	v49 =	vor.u32 s0, v27  }
0x355: {  	[tilespmem:v38+s13+$0x0] =	vst.idx.msk $0xffff, v46;
	v38 =	vor.u32 s9, v11;
	v46 =	vor.u32 s29, v10;
	v42 =	vld.idx.msk [tilespmem:v42+s10+$0x0], $0xffff  }
0x356: {  	v53 =	vor.u32 s2, v25;
	v51 =	vor.u32 s28, v11;
	v50 =	vld.idx.msk [tilespmem:v50+s10+$0x0], $0xffff;
	[tilespmem:v37+s13+$0x0] =	vst.idx.msk $0xffff, v41  }
0x357: {  	v37 =	vor.u32 s8, v8;
	v41 =	vld.idx.msk [tilespmem:v45+s10+$0x0], $0xffff;
	v45 =	vor.u32 s23, v24;
	[tilespmem:v47+s13+$0x0] =	vst.idx.msk $0xffff, v43  }
0x358: {  	v43 =	vor.u32 s7, v8;
	[tilespmem:v40+s13+$0x0] =	vst.idx.msk $0xffff, v33;
	v33 =	vor.u32 s26, v25;
	v40 =	vld.idx.msk [tilespmem:v36+s10+$0x0], $0xffff  }
0x359: {  	v54 =	vor.u32 s25, v26;
	[tilespmem:v39+s13+$0x0] =	vst.idx.msk $0xffff, v34;
	v34 =	vor.u32 s19, v9;
	v35 =	vld.idx.msk [tilespmem:v35+s10+$0x0], $0xffff  }
0x35a: {  	v55 =	vor.u32 s2, v27;
	v39 =	vor.u32 s4, v9;
	v38 =	vld.idx.msk [tilespmem:v38+s10+$0x0], $0xffff;
	[tilespmem:v46+s13+$0x0] =	vst.idx.msk $0xffff, v48  }
0x35b: {  	v56 =	vor.u32 s1, v28;
	v46 =	vor.u32 s6, v12;
	v48 =	vld.idx.msk [tilespmem:v51+s10+$0x0], $0xffff;
	[tilespmem:v52+s13+$0x0] =	vst.idx.msk $0xffff, v42  }
0x35c: {  	v42 =	vor.u32 s9, v13;
	v51 =	vor.u32 s29, v12;
	[tilespmem:v37+s13+$0x0] =	vst.idx.msk $0xffff, v50;
	v52 =	vld.idx.msk [tilespmem:v49+s10+$0x0], $0xffff  }
0x35d: {  	v36 =	vor.u32 s24, v27;
	[tilespmem:v43+s13+$0x0] =	vst.idx.msk $0xffff, v41;
	v41 =	vor.u32 s28, v13;
	v53 =	vld.idx.msk [tilespmem:v53+s10+$0x0], $0xffff  }
0x35e: {  	v58 =	vor.u32 s0, v29;
	s0 =	smov.u32 s9;
	v37 =	vor.u32 s23, v26;
	v57 =	vld.idx.msk [tilespmem:v34+s10+$0x0], $0xffff;
	[tilespmem:v44+s13+$0x0] =	vst.idx.msk $0xffff, v40  }
0x35f: {  	v44 =	vor.u32 s7, v10;
	v47 =	vld.idx.msk [tilespmem:v39+s10+$0x0], $0xffff;
	[tilespmem:v45+s13+$0x0] =	vst.idx.msk $0xffff, v35;
	v35 =	vor.u32 s26, v27  }
.Ltmp5:
0x360: {  	v49 =	vor.u32 s8, v10;
	v34 =	vor.u32 s25, v28;
	[tilespmem:v46+s13+$0x0] =	vst.idx.msk $0xffff, v38;
	v40 =	vld.idx.msk [tilespmem:v33+s10+$0x0], $0xffff;
	(pc) =	sbr.rel @p0 .LBB2_9-.Ltmp5, $4  }
0x361: {  	v50 =	vor.u32 s19, v11;
	v33 =	vor.u32 s2, v29;
	s2 =	smov.u32 s19;
	v43 =	vld.idx.msk [tilespmem:v42+s10+$0x0], $0xffff;
	[tilespmem:v51+s13+$0x0] =	vst.idx.msk $0xffff, v48  }
0x362: {  	v48 =	vor.u32 s6, v14;
	v42 =	vld.idx.msk [tilespmem:v41+s10+$0x0], $0xffff;
	[tilespmem:v56+s13+$0x0] =	vst.idx.msk $0xffff, v52  }
0x363: {  	v45 =	vor.u32 s29, v14;
	v46 =	vor.u32 s0, v15;
	v39 =	vld.idx.msk [tilespmem:v58+s10+$0x0], $0xffff;
	[tilespmem:v54+s13+$0x0] =	vst.idx.msk $0xffff, v53  }
0x364: {  	v41 =	vor.u32 s1, v30;
	s1 =	smov.u32 s6;
	[tilespmem:v44+s13+$0x0] =	vst.idx.msk $0xffff, v57;
	v44 =	vor.u32 s28, v15;
	v38 =	vld.idx.msk [tilespmem:v55+s10+$0x0], $0xffff  }
0x365: {  	_ = 	snop  }
0x366: {  	v51 =	vor.u32 s4, v11;
	_ =	sdelay $0x2  }
0x367: {  	v50 =	vld.idx.msk [tilespmem:v50+s10+$0x0], $0xffff;
	v52 =	vor.u32 s7, v12  }
0x368: {  	[tilespmem:v49+s13+$0x0] =	vst.idx.msk $0xffff, v47;
	v57 =	vor.u32 s2, v13  }
0x369: {  	v58 =	vor.u32 s8, v12;
	v49 =	vld.idx.msk [tilespmem:v51+s10+$0x0], $0xffff  }
0x36a: {  	v53 =	vor.u32 s4, v13;
	_ =	sdelay $0x1  }
0x36b: {  	[tilespmem:v52+s13+$0x0] =	vst.idx.msk $0xffff, v50  }
0x36c: {  	v59 =	vor.u32 s7, v14;
	v47 =	vld.idx.msk [tilespmem:v57+s10+$0x0], $0xffff  }
0x36d: {  	v60 =	vor.u32 s2, v15;
	[tilespmem:v58+s13+$0x0] =	vst.idx.msk $0xffff, v49  }
0x36e: {  	v61 =	vor.u32 s8, v14;
	v51 =	vld.idx.msk [tilespmem:v53+s10+$0x0], $0xffff  }
0x36f: {  	v62 =	vor.u32 s4, v15;
	[tilespmem:v48+s13+$0x0] =	vst.idx.msk $0xffff, v43  }
0x370: {  	v43 =	vld.idx.msk [tilespmem:v46+s10+$0x0], $0xffff;
	v46 =	vor.u32 s1, v16;
	[tilespmem:v45+s13+$0x0] =	vst.idx.msk $0xffff, v42  }
0x371: {  	v42 =	vor.u32 s0, v17;
	[tilespmem:v59+s13+$0x0] =	vst.idx.msk $0xffff, v47  }
0x372: {  	v56 =	vor.u32 s7, v16;
	v63 =	vld.idx.msk [tilespmem:v60+s10+$0x0], $0xffff  }
0x373: {  	v44 =	vld.idx.msk [tilespmem:v44+s10+$0x0], $0xffff;
	v57 =	vor.u32 s29, v16;
	v58 =	vor.u32 s2, v17;
	[tilespmem:v61+s13+$0x0] =	vst.idx.msk $0xffff, v51  }
0x374: {  	v59 =	vor.u32 s28, v17;
	v60 =	vor.u32 s8, v16;
	v61 =	vld.idx.msk [tilespmem:v62+s10+$0x0], $0xffff  }
0x375: {  	[tilespmem:v46+s13+$0x0] =	vst.idx.msk $0xffff, v43;
	v62 =	vor.u32 s4, v17  }
0x376: {  	v43 =	vor.u32 s1, v18;
	v42 =	vld.idx.msk [tilespmem:v42+s10+$0x0], $0xffff  }
0x377: {  	[tilespmem:v56+s13+$0x0] =	vst.idx.msk $0xffff, v63;
	v63 =	vor.u32 s0, v19  }
0x378: {  	[tilespmem:v57+s13+$0x0] =	vst.idx.msk $0xffff, v44;
	v56 =	vor.u32 s7, v18;
	v45 =	vld.idx.msk [tilespmem:v58+s10+$0x0], $0xffff  }
0x379: {  	v57 =	vld.idx.msk [tilespmem:v59+s10+$0x0], $0xffff;
	v59 =	vor.u32 s2, v19;
	v58 =	vor.u32 s29, v18;
	[tilespmem:v60+s13+$0x0] =	vst.idx.msk $0xffff, v61  }
0x37a: {  	v60 =	vor.u32 s28, v19;
	v61 =	vor.u32 s8, v18;
	v52 =	vld.idx.msk [tilespmem:v62+s10+$0x0], $0xffff  }
0x37b: {  	[tilespmem:v43+s13+$0x0] =	vst.idx.msk $0xffff, v42;
	v62 =	vor.u32 s4, v19  }
0x37c: {  	v42 =	vld.idx.msk [tilespmem:v63+s10+$0x0], $0xffff;
	v63 =	vor.u32 s1, v20  }
0x37d: {  	[tilespmem:v56+s13+$0x0] =	vst.idx.msk $0xffff, v45;
	v56 =	vor.u32 s0, v21  }
0x37e: {  	[tilespmem:v58+s13+$0x0] =	vst.idx.msk $0xffff, v57;
	v57 =	vor.u32 s7, v20;
	v45 =	vld.idx.msk [tilespmem:v59+s10+$0x0], $0xffff  }
0x37f: {  	v58 =	vor.u32 s29, v20;
	v59 =	vor.u32 s2, v21;
	v47 =	vld.idx.msk [tilespmem:v60+s10+$0x0], $0xffff;
	[tilespmem:v61+s13+$0x0] =	vst.idx.msk $0xffff, v52  }
0x380: {  	v60 =	vor.u32 s28, v21;
	v61 =	vor.u32 s8, v20;
	v52 =	vld.idx.msk [tilespmem:v62+s10+$0x0], $0xffff  }
0x381: {  	[tilespmem:v63+s13+$0x0] =	vst.idx.msk $0xffff, v42;
	v62 =	vor.u32 s4, v21  }
0x382: {  	v63 =	vor.u32 s1, v22;
	v42 =	vld.idx.msk [tilespmem:v56+s10+$0x0], $0xffff  }
0x383: {  	v56 =	vor.u32 s0, v23;
	[tilespmem:v57+s13+$0x0] =	vst.idx.msk $0xffff, v45  }
0x384: {  	v57 =	vor.u32 s7, v22;
	v45 =	vld.idx.msk [tilespmem:v59+s10+$0x0], $0xffff;
	[tilespmem:v58+s13+$0x0] =	vst.idx.msk $0xffff, v47  }
0x385: {  	v59 =	vor.u32 s2, v23;
	v58 =	vor.u32 s29, v22;
	v47 =	vld.idx.msk [tilespmem:v60+s10+$0x0], $0xffff;
	[tilespmem:v61+s13+$0x0] =	vst.idx.msk $0xffff, v52  }
0x386: {  	v60 =	vor.u32 s28, v23;
	v61 =	vor.u32 s8, v22;
	v52 =	vld.idx.msk [tilespmem:v62+s10+$0x0], $0xffff  }
0x387: {  	[tilespmem:v63+s13+$0x0] =	vst.idx.msk $0xffff, v42;
	v62 =	vor.u32 s4, v23  }
0x388: {  	v63 =	vor.u32 s1, v24;
	v42 =	vld.idx.msk [tilespmem:v56+s10+$0x0], $0xffff  }
0x389: {  	v54 =	vor.u32 s0, v25;
	[tilespmem:v57+s13+$0x0] =	vst.idx.msk $0xffff, v45  }
0x38a: {  	v55 =	vor.u32 s7, v24;
	v45 =	vld.idx.msk [tilespmem:v59+s10+$0x0], $0xffff;
	[tilespmem:v58+s13+$0x0] =	vst.idx.msk $0xffff, v47  }
0x38b: {  	v56 =	vor.u32 s29, v24;
	v57 =	vor.u32 s2, v25;
	v47 =	vld.idx.msk [tilespmem:v60+s10+$0x0], $0xffff;
	[tilespmem:v61+s13+$0x0] =	vst.idx.msk $0xffff, v52  }
0x38c: {  	[tilespmem:v37+s13+$0x0] =	vst.idx.msk $0xffff, v40;
	v59 =	vor.u32 s8, v24;
	v58 =	vor.u32 s28, v25;
	v60 =	vld.idx.msk [tilespmem:v62+s10+$0x0], $0xffff  }
0x38d: {  	[tilespmem:v63+s13+$0x0] =	vst.idx.msk $0xffff, v42;
	v61 =	vor.u32 s4, v25  }
0x38e: {  	[tilespmem:v41+s13+$0x0] =	vst.idx.msk $0xffff, v39;
	v63 =	vor.u32 s1, v26;
	v42 =	vld.idx.msk [tilespmem:v54+s10+$0x0], $0xffff  }
0x38f: {  	v36 =	vld.idx.msk [tilespmem:v36+s10+$0x0], $0xffff;
	v52 =	vor.u32 s0, v27;
	v62 =	vor.u32 s22, v28;
	[tilespmem:v55+s13+$0x0] =	vst.idx.msk $0xffff, v45  }
0x390: {  	v53 =	vor.u32 s7, v26;
	v46 =	vld.idx.msk [tilespmem:v57+s10+$0x0], $0xffff;
	[tilespmem:v56+s13+$0x0] =	vst.idx.msk $0xffff, v47  }
0x391: {  	v54 =	vor.u32 s29, v26;
	v55 =	vor.u32 s2, v27;
	v37 =	vld.idx.msk [tilespmem:v58+s10+$0x0], $0xffff;
	[tilespmem:v59+s13+$0x0] =	vst.idx.msk $0xffff, v60  }
0x392: {  	[tilespmem:v34+s13+$0x0] =	vst.idx.msk $0xffff, v38;
	v57 =	vor.u32 s8, v26;
	v56 =	vor.u32 s28, v27;
	v39 =	vld.idx.msk [tilespmem:v61+s10+$0x0], $0xffff  }
0x393: {  	v35 =	vld.idx.msk [tilespmem:v35+s10+$0x0], $0xffff;
	v58 =	vor.u32 s4, v27;
	[tilespmem:v63+s13+$0x0] =	vst.idx.msk $0xffff, v42  }
0x394: {  	[tilespmem:v62+s13+$0x0] =	vst.idx.msk $0xffff, v36;
	v60 =	vor.u32 s24, v29;
	v43 =	vld.idx.msk [tilespmem:v52+s10+$0x0], $0xffff;
	v62 =	vor.u32 s1, v28  }
0x395: {  	v33 =	vld.idx.msk [tilespmem:v33+s10+$0x0], $0xffff;
	v63 =	vor.u32 s0, v29;
	v59 =	vor.u32 s25, v30;
	[tilespmem:v53+s13+$0x0] =	vst.idx.msk $0xffff, v46  }
0x396: {  	v49 =	vor.u32 s7, v28;
	v61 =	vor.u32 s26, v29;
	v46 =	vld.idx.msk [tilespmem:v55+s10+$0x0], $0xffff;
	[tilespmem:v54+s13+$0x0] =	vst.idx.msk $0xffff, v37  }
0x397: {  	v50 =	vor.u32 s2, v29;
	v51 =	vor.u32 s29, v28;
	v34 =	vld.idx.msk [tilespmem:v56+s10+$0x0], $0xffff;
	[tilespmem:v57+s13+$0x0] =	vst.idx.msk $0xffff, v39  }
0x398: {  	[tilespmem:v32+s13+$0x0] =	vst.idx.msk $0xffff, v35;
	v53 =	vor.u32 s28, v29;
	v52 =	vld.idx.msk [tilespmem:v58+s10+$0x0], $0xffff  }
0x399: {  	v55 =	vor.u32 s22, v30;
	v54 =	vld.idx.msk [tilespmem:v60+s10+$0x0], $0xffff;
	v56 =	vor.u32 s4, v29;
	[tilespmem:v62+s13+$0x0] =	vst.idx.msk $0xffff, v43  }
0x39a: {  	[tilespmem:v59+s13+$0x0] =	vst.idx.msk $0xffff, v33;
	v60 =	vor.u32 s1, v30;
	v59 =	vld.idx.msk [tilespmem:v63+s10+$0x0], $0xffff  }
0x39b: {  	v57 =	vor.u32 s23, v30;
	v58 =	vld.idx.msk [tilespmem:v61+s10+$0x0], $0xffff;
	[tilespmem:v49+s13+$0x0] =	vst.idx.msk $0xffff, v46  }
0x39c: {  	v61 =	vor.u32 s7, v30;
	v62 =	vld.idx.msk [tilespmem:v50+s10+$0x0], $0xffff;
	[tilespmem:v51+s13+$0x0] =	vst.idx.msk $0xffff, v34  }
0x39d: {  	v34 =	vld.idx.msk [tilespmem:v53+s10+$0x0], $0xffff;
	[tilespmem:v31+s13+$0x0] =	vst.idx.msk $0xffff, v52;
	v31 =	vor.u32 s29, v30  }
0x39e: {  	v63 =	vor.u32 s8, v30;
	[tilespmem:v55+s13+$0x0] =	vst.idx.msk $0xffff, v54;
	v33 =	vld.idx.msk [tilespmem:v56+s10+$0x0], $0xffff  }
0x39f: {  	[tilespmem:v60+s13+$0x0] =	vst.idx.msk $0xffff, v59  }
0x3a0: {  	[tilespmem:v57+s13+$0x0] =	vst.idx.msk $0xffff, v58  }
0x3a1: {  	p0 =	seq.s32 s21, $0x3;
	[tilespmem:v61+s13+$0x0] =	vst.idx.msk $0xffff, v62  }
.Ltmp6:
0x3a2: {  	[tilespmem:v31+s13+$0x0] =	vst.idx.msk $0xffff, v34;
	(pc) =	sbr.rel @p0 .LBB2_12-.Ltmp6, $4  }
0x3a3: {  	[tilespmem:v63+s13+$0x0] =	vst.idx.msk $0xffff, v33  }
0x3a4: {  	s28 =	sshll.u32 s21, $0x7;
	s29 =	rddreg [dreg:$0x7]  }
0x3a5: {  	s30 =	simm.s32 $0x400;
	s31 =	simm.s32 $0x20000;
	s0 =	sadd.s32 s28, s29  }
0x3a6: {  	[hbm4b:s0+s30] =	stream.strided.scatter [tilespmem:s13], [sflag:$0x3], $0x3400, s31, s30, $0x38;
	[tilespmem:$0x10200] =	vst v63  }
0x3a7: {  	s0 =	sadd.s32 $0x1D, s21  }
.Ltmp7:
0x3a8: {  	s1 =	sshrl.u32 s0, $0x2;
	(pc) =	sbr.rel .LBB2_8-.Ltmp7, $4  }
0x3a9: {  	s1 =	smul.u32 $0x3E80, s1  }
0x3aa: {  	s2 =	rddreg [dreg:$0x4];
	s31 =	simm.s32 $0x80;
	s0 =	sshll.u32 s0, $0x7  }
0x3ab: {  	s21 =	sadd.s32 $0x1, s21;
	s0 =	sand.u32 $0x180, s0;
	s1 =	sadd.s32 s2, s1  }
0x3ac: {  	[tilespmem:s10], [sflag:$0x1] =	stream.indirect.gather [hbm4b:s1+s31], $0x80, s0, s31, $0xb8;
	[tilespmem:$0x10200] =	vst v63  }
.LBB2_13:
0x3ad: {  	_ =	sfence.sel $0x180000  }
0x3ae: {  	[bflag:$0x0] =	sbarrier.arrive $0xFFFF  }
0x3af: {  	_ =	strace $0x90000047  }
0x3b0: {  	s0 =	stileid.u32;
	[bflag:$0x2] =	sbarrier.arrive $0xFFFF  }
0x3b1: {  	p0 =	sne.s32 s0, $0x0;
	s0 =	rddreg [dreg:$0x3]  }
0x3b2: {  	s0 =	sadd.s32 @!p0 $0x100000, s0  }
0x3b3: {  	[sflag:s0] =	ssyncadd.tile.s32 @!p0 $0x1;
	_ =	shalt  }
.Lfunc_end2:
_tile_overlayer_lowered:
.L_overlay_start_2:
0x3b4: {  	(tag) =	ssettag $0x2  }
0x3b5: {  	s0 =	rddreg [dreg:$0x0];
	s2 =	stileid.u32  }
0x3b6: {  	s1 =	rddreg [dreg:$0x1];
	p0 =	sne.s32 s2, $0x0  }
0x3b7: {  	s3 =	rddreg [dreg:$0x2];
	[bflag:$0x3] =	sbarrier.arrive $0xFFFF;
	s2 =	simm.s32 @!p0 $0x1C05  }
0x3b8: {  	[timem:s3], [sflag:s2] =	dma.local @!p0 [hbm:s0], s1  }
0x3b9: {  	s0 =	simm.s32 @!p0 $0x5  }
0x3ba: {  	_ =	swait.ge @!p0 [sflag:s0], s1  }
0x3bb: {  	s1 =	ssub.s32 @!p0 $0x0, s1;
	[sflag:s0] =	ssyncset.done @!p0 $0x0  }
0x3bc: {  	[sflag:s0] =	ssyncadd.s32 @!p0 s1  }
0x3bd: {  	[bflag:$0x3] =	sbarrier.arrive $0xFFFF  }
0x3be: {  	_ =	shalt  }

</sc_bundles>
